<compile_context>
chip_gen: v7x
topology: tpu7x:2x2x1
jax: 0.10.2.dev20260603
libtpu: 0.0.44.dev20260713+nightly
codegen_flags: <defaults>
</compile_context>

<pallas_src>
import functools

import jax
import jax.numpy as jnp
from jax import lax
from jax.experimental import pallas as pl
from jax.experimental.pallas import tpu as pltpu
from jax.experimental.pallas import tpu_sc as plsc

N_NODES = 10000
N_EDGES = 320000
D = 128

NC = 2
NS = 16
NW = NC * NS
EPW = N_EDGES // NW
CHUNK = 80
NCHUNKS = EPW // CHUNK
NRING = 3
IRING = 6
DEPTH = NRING - 1
RDIST = 4
N_ACC = N_NODES
DEG_N = N_NODES
ROWS_PER_TILE = N_NODES // NS


def _sc_aggregate(x, src3, dst3):
  mesh = plsc.VectorSubcoreMesh(core_axis_name="c", subcore_axis_name="s")

  @functools.partial(
      pl.kernel,
      out_type=[
          jax.ShapeDtypeStruct((NC, NS, ROWS_PER_TILE, D), jnp.float32),
          jax.ShapeDtypeStruct((NW, DEG_N), jnp.float32),
      ],
      mesh=mesh,
      scratch_types=[
          [pltpu.VMEM((CHUNK,), jnp.int32) for _ in range(IRING)],
          [pltpu.VMEM((CHUNK,), jnp.int32) for _ in range(IRING)],
          [pltpu.VMEM((CHUNK, D), jnp.float32) for _ in range(NRING)],
          pltpu.VMEM((DEG_N,), jnp.float32),
          pltpu.VMEM_SHARED((N_ACC, D), jnp.float32),
          pltpu.SemaphoreType.DMA((NRING,)),
          pltpu.SemaphoreType.DMA((IRING,)),
          pltpu.SemaphoreType.DMA((NRING,)),
      ],
      compiler_params=pltpu.CompilerParams(needs_layout_passes=False),
  )
  def agg_kernel(x_hbm, src_hbm, dst_hbm, agg_out, deg_out,
                 sidx, didx, rows, deg_local, acc, gsems, isems, ssems):
    c = lax.axis_index("c")
    s = lax.axis_index("s")
    wid = c * NS + s

    def idx_start(kk, slot):
      base = wid * EPW + kk * CHUNK
      pltpu.async_copy(src_hbm.at[pl.ds(base, CHUNK)], sidx[slot], isems.at[slot])
      pltpu.async_copy(dst_hbm.at[pl.ds(base, CHUNK)], didx[slot], isems.at[slot])

    def idx_wait(kk, slot):
      base = wid * EPW + kk * CHUNK
      pltpu.make_async_copy(src_hbm.at[pl.ds(base, CHUNK)], sidx[slot],
                            isems.at[slot]).wait()
      pltpu.make_async_copy(dst_hbm.at[pl.ds(base, CHUNK)], didx[slot],
                            isems.at[slot]).wait()

    def gather_start(rslot, islot):
      pltpu.async_copy(x_hbm.at[sidx[islot]], rows[rslot], gsems.at[rslot])

    def gather_wait(rslot, islot):
      pltpu.make_async_copy(x_hbm.at[sidx[islot]], rows[rslot],
                            gsems.at[rslot]).wait()

    def scatter_start(rslot, islot):
      pltpu.async_copy(rows[rslot], acc.at[didx[islot]], ssems.at[rslot],
                       add=True)

    def scatter_wait(rslot, islot):
      pltpu.make_async_copy(rows[rslot], acc.at[didx[islot]],
                            ssems.at[rslot]).wait()

    for slot in range(RDIST):
      idx_start(slot, slot)

    zeros16 = jnp.zeros((16,), jnp.float32)

    def zero_rows(i, carry):
      for b in range(NRING):
        for g in range(D // 16):
          rows[b][i, pl.ds(g * 16, 16)] = zeros16
      return carry

    lax.fori_loop(0, CHUNK, zero_rows, 0)

    def zero_deg(i, carry):
      deg_local[pl.ds(i * 16, 16)] = zeros16
      return carry

    lax.fori_loop(0, DEG_N // 16, zero_deg, 0)

    nfull = ROWS_PER_TILE // CHUNK
    for j in range(nfull):
      pltpu.sync_copy(rows[0], acc.at[pl.ds(s * ROWS_PER_TILE + j * CHUNK, CHUNK)])
    rem = ROWS_PER_TILE - nfull * CHUNK
    if rem:
      pltpu.sync_copy(rows[0].at[pl.ds(0, rem)],
                      acc.at[pl.ds(s * ROWS_PER_TILE + nfull * CHUNK, rem)])

    plsc.subcore_barrier()

    ones16 = jnp.ones((16,), jnp.float32)

    def count_deg(slot):
      for g in range(CHUNK // 16):
        idx16 = didx[slot][pl.ds(g * 16, 16)]
        plsc.addupdate_scatter(deg_local, [idx16], ones16)

    def body(k, br, bi, static=False):
      if not static or k >= 1:
        scatter_wait((br + DEPTH) % NRING, (bi + IRING - 1) % IRING)

      def prefetch():
        idx_wait(k + DEPTH, (bi + DEPTH) % IRING)
        gather_start((br + DEPTH) % NRING, (bi + DEPTH) % IRING)

      def refill():
        idx_start(k + RDIST, (bi + RDIST) % IRING)

      if static:
        prefetch()
      else:
        pl.when(k <= NCHUNKS - 1 - DEPTH)(prefetch)
      gather_wait(br, bi)
      scatter_start(br, bi)
      count_deg(bi)
      if static:
        refill()
      else:
        pl.when(k <= NCHUNKS - 1 - RDIST)(refill)

    NPEEL = NCHUNKS % IRING
    for slot in range(DEPTH):
      idx_wait(slot, slot)
      gather_start(slot, slot)
    for k0 in range(NPEEL):
      body(k0, k0 % NRING, k0 % IRING, static=True)

    def pipe_body(j, carry):
      for r in range(IRING):
        k = IRING * j + NPEEL + r
        body(k, (NPEEL + r) % NRING, (NPEEL + r) % IRING)
      return carry

    lax.fori_loop(0, (NCHUNKS - NPEEL) // IRING, pipe_body, 0)

    scatter_wait((NCHUNKS - 1) % NRING, (NCHUNKS - 1) % IRING)

    pltpu.sync_copy(deg_local, deg_out.at[wid])
    plsc.subcore_barrier()
    pltpu.sync_copy(acc.at[pl.ds(s * ROWS_PER_TILE, ROWS_PER_TILE)],
                    agg_out.at[c, s])

  return agg_kernel(x, src3, dst3)


BLK = 1000


def _tc_mlp(agg_part, deg_part, w, b2):
  grid = N_NODES // BLK

  def mlp_kernel(agg_ref, deg_ref, w_ref, b_ref, out_ref, sum_ref, dcol_ref):
    i = pl.program_id(0)

    @pl.when(i == 0)
    def _deg_col():
      ones = jnp.ones((NW, 1), jnp.float32)
      dcol_ref[...] = lax.dot_general(
          deg_ref[...], ones,
          dimension_numbers=(((0,), (0,)), ((), ())),
          preferred_element_type=jnp.float32)

    agg = agg_ref[0] + agg_ref[1]
    deg = dcol_ref[pl.ds(i * BLK, BLK), :]
    agg = agg / jnp.maximum(deg, 1.0)
    ms = jnp.mean(agg * agg, axis=1, keepdims=True)
    h = agg / (jnp.sqrt(ms) + 1e-8)
    lin = jnp.dot(h, w_ref[...], preferred_element_type=jnp.float32) + b_ref[...]
    out_ref[...] = jnp.maximum(lin, 0.0)

    @pl.when(i == 0)
    def _init():
      sum_ref[0, 0] = 0.0

    sum_ref[0, 0] += jnp.sum(lin)

    @pl.when(i == grid - 1)
    def _finish():
      sum_ref[0, 0] = sum_ref[0, 0] / (N_NODES * D)

  return pl.pallas_call(
      mlp_kernel,
      grid=(grid,),
      in_specs=[
          pl.BlockSpec((NC, BLK, D), lambda i: (0, i, 0)),
          pl.BlockSpec((NW, DEG_N), lambda i: (0, 0)),
          pl.BlockSpec((D, D), lambda i: (0, 0)),
          pl.BlockSpec((1, D), lambda i: (0, 0)),
      ],
      out_specs=[
          pl.BlockSpec((BLK, D), lambda i: (i, 0)),
          pl.BlockSpec((1, 1), lambda i: (0, 0), memory_space=pltpu.SMEM),
      ],
      out_shape=[
          jax.ShapeDtypeStruct((N_NODES, D), jnp.float32),
          jax.ShapeDtypeStruct((1, 1), jnp.float32),
      ],
      scratch_shapes=[pltpu.VMEM((DEG_N, 1), jnp.float32)],
  )(agg_part, deg_part, w, b2)


def kernel(x, edge_index, W, b):
  agg_part, deg_part = _sc_aggregate(x, edge_index[0], edge_index[1])
  agg_part = agg_part.reshape(NC, N_NODES, D)
  out, sums = _tc_mlp(agg_part, deg_part, W, b.reshape(1, D))
  return out, sums.reshape(())

# --- scband reference (transcript-rebuilt; emitter-appended) ---
"""Pipeline reference for scband-net-66821101191377 (READ-ONLY COPY).

The authoritative reference and input builder live on the scoring server;
editing this copy changes nothing except your own understanding.
"""

import jax, jax.numpy as jnp
import numpy as np

N_NODES = 10000
N_EDGES = 320000
D_FEAT = 128


def setup_inputs(seed: int = 0) -> dict:
    key = jax.random.key(seed)
    k1, k2, k3 = jax.random.split(key, 3)
    x = jax.random.normal(k1, (N_NODES, D_FEAT), dtype=jnp.float32)
    edge_index = jax.random.randint(k2, (2, N_EDGES), 0, N_NODES, dtype=jnp.int32)
    # Neuron linear layer params, init per Net._init_weights: normal(0, 1/sqrt(fan)) weight, zero bias
    W = jax.random.normal(k3, (D_FEAT, D_FEAT), dtype=jnp.float32) * (1.0 / np.sqrt(D_FEAT))
    b = jnp.zeros((D_FEAT,), dtype=jnp.float32)
    return {"x": x, "edge_index": edge_index, "W": W, "b": b}


def reference(x, edge_index, W, b):
    # Message passing over the DGL graph: each neuron consumes the concatenated/aggregated
    # features of its in-edge source neurons, then applies Neuron.forward:
    #   rms-normalize -> linear -> relu, returning (activation, linear_mean).
    src = edge_index[0]
    dst = edge_index[1]
    # gather source node features along edges (SparseCore gather)
    msgs = jnp.take(x, src, axis=0)
    # scatter-add aggregation to destination nodes (SparseCore scatter-add)
    agg = jax.ops.segment_sum(msgs, dst, num_segments=x.shape[0])
    deg = jax.ops.segment_sum(jnp.ones_like(src, dtype=x.dtype), dst, num_segments=x.shape[0])
    agg = agg / jnp.clip(deg, 1.0)[:, None]
    # Neuron.forward: x_direction = x / (sqrt(mean(x^2, -1)) + 1e-8)
    h = agg / (jnp.sqrt(jnp.mean(agg ** 2, axis=-1, keepdims=True)) + 1e-08)
    lin = h @ W + b
    out = jax.nn.relu(lin)
    return out, jnp.mean(lin)

if __name__ == "__main__":
    import jax
    _d = setup_inputs()
    print(jax.jit(kernel)(*tuple(_d.values())))

</pallas_src>

<mosaic_0001>
#map = affine_map<(d0, d1) -> (0, 0)>
#map1 = affine_map<(d0, d1) -> (0)>
#map2 = affine_map<(d0, d1) -> (0, 0, 0, 0)>
module attributes {stable_mosaic.version = 14 : i64} {
  func.func @agg_kernel(%arg0: i32, %arg1: i32, %arg2: memref<10000x128xf32, #tpu.memory_space<hbm>>, %arg3: memref<320000xi32, #tpu.memory_space<hbm>>, %arg4: memref<320000xi32, #tpu.memory_space<hbm>>, %arg5: memref<2x16x625x128xf32, #tpu.memory_space<hbm>>, %arg6: memref<32x10000xf32, #tpu.memory_space<hbm>>, %arg7: memref<80xi32, #tpu.memory_space<vmem>>, %arg8: memref<80xi32, #tpu.memory_space<vmem>>, %arg9: memref<80xi32, #tpu.memory_space<vmem>>, %arg10: memref<80xi32, #tpu.memory_space<vmem>>, %arg11: memref<80xi32, #tpu.memory_space<vmem>>, %arg12: memref<80xi32, #tpu.memory_space<vmem>>, %arg13: memref<80xi32, #tpu.memory_space<vmem>>, %arg14: memref<80xi32, #tpu.memory_space<vmem>>, %arg15: memref<80xi32, #tpu.memory_space<vmem>>, %arg16: memref<80xi32, #tpu.memory_space<vmem>>, %arg17: memref<80xi32, #tpu.memory_space<vmem>>, %arg18: memref<80xi32, #tpu.memory_space<vmem>>, %arg19: memref<80x128xf32, #tpu.memory_space<vmem>>, %arg20: memref<80x128xf32, #tpu.memory_space<vmem>>, %arg21: memref<80x128xf32, #tpu.memory_space<vmem>>, %arg22: memref<10000xf32, #tpu.memory_space<vmem>>, %arg23: memref<10000x128xf32, #tpu.memory_space<vmem_shared>>, %arg24: memref<3x!tpu.dma_semaphore, #tpu.memory_space<semaphore_mem>>, %arg25: memref<6x!tpu.dma_semaphore, #tpu.memory_space<semaphore_mem>>, %arg26: memref<3x!tpu.dma_semaphore, #tpu.memory_space<semaphore_mem>>) attributes {dimension_semantics = [#tpu.dimension_semantics<core_parallel>, #tpu.dimension_semantics<subcore_parallel>], iteration_bounds = array<i64: 2, 16>, scalar_prefetch = 0 : i64, scratch_operands = 20 : i64, tpu.core_type = #tpu.core_type<sc_vector_subcore>, window_params = [{transform_indices = #map}, {transform_indices = #map1}, {transform_indices = #map1}, {transform_indices = #map2}, {transform_indices = #map}]} {
    %mul3A = arith.constant 16 : i32
    %mul3A_0 = arith.muli %arg0, %mul3A : i32
    %add3A = arith.addi %mul3A_0, %arg1 : i32
    %mul3A_1 = arith.constant 10000 : i32
    %mul3A_2 = arith.muli %add3A, %mul3A_1 : i32
    %add3A_3 = arith.constant 0 : i32
    %add3A_4 = arith.addi %mul3A_2, %add3A_3 : i32
    %dma_start3A = arith.constant 0 : i32
    %dma_start3A_5 = tpu.memref_slice %arg3[%add3A_4] : memref<320000xi32, #tpu.memory_space<hbm>> -> memref<80xi32, #tpu.memory_space<hbm>>
    %dma_start3A_6 = tpu.memref_slice %arg25[%dma_start3A] : memref<6x!tpu.dma_semaphore, #tpu.memory_space<semaphore_mem>> -> memref<1x!tpu.dma_semaphore, #tpu.memory_space<semaphore_mem>>
    %dma_start3A_7 = tpu.memref_squeeze %dma_start3A_6 : memref<1x!tpu.dma_semaphore, #tpu.memory_space<semaphore_mem>> -> memref<!tpu.dma_semaphore, #tpu.memory_space<semaphore_mem>>
    %dma_start3A_8 = tpu.memref_slice %arg3[%add3A_4] : memref<320000xi32, #tpu.memory_space<hbm>> -> memref<80xi32, #tpu.memory_space<hbm>>
    tpu.enqueue_dma source(%dma_start3A_8 : memref<80xi32, #tpu.memory_space<hbm>>) target(%arg7 : memref<80xi32, #tpu.memory_space<vmem>>) target_semaphore(%dma_start3A_7 : memref<!tpu.dma_semaphore, #tpu.memory_space<semaphore_mem>>)
    %dma_start3A_9 = arith.constant 0 : i32
    %dma_start3A_10 = tpu.memref_slice %arg4[%add3A_4] : memref<320000xi32, #tpu.memory_space<hbm>> -> memref<80xi32, #tpu.memory_space<hbm>>
    %dma_start3A_11 = tpu.memref_slice %arg25[%dma_start3A_9] : memref<6x!tpu.dma_semaphore, #tpu.memory_space<semaphore_mem>> -> memref<1x!tpu.dma_semaphore, #tpu.memory_space<semaphore_mem>>
    %dma_start3A_12 = tpu.memref_squeeze %dma_start3A_11 : memref<1x!tpu.dma_semaphore, #tpu.memory_space<semaphore_mem>> -> memref<!tpu.dma_semaphore, #tpu.memory_space<semaphore_mem>>
    %dma_start3A_13 = tpu.memref_slice %arg4[%add3A_4] : memref<320000xi32, #tpu.memory_space<hbm>> -> memref<80xi32, #tpu.memory_space<hbm>>
    tpu.enqueue_dma source(%dma_start3A_13 : memref<80xi32, #tpu.memory_space<hbm>>) target(%arg13 : memref<80xi32, #tpu.memory_space<vmem>>) target_semaphore(%dma_start3A_12 : memref<!tpu.dma_semaphore, #tpu.memory_space<semaphore_mem>>)
    %mul3A_14 = arith.constant 10000 : i32
    %mul3A_15 = arith.muli %add3A, %mul3A_14 : i32
    %add3A_16 = arith.constant 80 : i32
    %add3A_17 = arith.addi %mul3A_15, %add3A_16 : i32
    %dma_start3A_18 = arith.constant 1 : i32
    %dma_start3A_19 = tpu.memref_slice %arg3[%add3A_17] : memref<320000xi32, #tpu.memory_space<hbm>> -> memref<80xi32, #tpu.memory_space<hbm>>
    %dma_start3A_20 = tpu.memref_slice %arg25[%dma_start3A_18] : memref<6x!tpu.dma_semaphore, #tpu.memory_space<semaphore_mem>> -> memref<1x!tpu.dma_semaphore, #tpu.memory_space<semaphore_mem>>
    %dma_start3A_21 = tpu.memref_squeeze %dma_start3A_20 : memref<1x!tpu.dma_semaphore, #tpu.memory_space<semaphore_mem>> -> memref<!tpu.dma_semaphore, #tpu.memory_space<semaphore_mem>>
    %dma_start3A_22 = tpu.memref_slice %arg3[%add3A_17] : memref<320000xi32, #tpu.memory_space<hbm>> -> memref<80xi32, #tpu.memory_space<hbm>>
    tpu.enqueue_dma source(%dma_start3A_22 : memref<80xi32, #tpu.memory_space<hbm>>) target(%arg8 : memref<80xi32, #tpu.memory_space<vmem>>) target_semaphore(%dma_start3A_21 : memref<!tpu.dma_semaphore, #tpu.memory_space<semaphore_mem>>)
    %dma_start3A_23 = arith.constant 1 : i32
    %dma_start3A_24 = tpu.memref_slice %arg4[%add3A_17] : memref<320000xi32, #tpu.memory_space<hbm>> -> memref<80xi32, #tpu.memory_space<hbm>>
    %dma_start3A_25 = tpu.memref_slice %arg25[%dma_start3A_23] : memref<6x!tpu.dma_semaphore, #tpu.memory_space<semaphore_mem>> -> memref<1x!tpu.dma_semaphore, #tpu.memory_space<semaphore_mem>>
    %dma_start3A_26 = tpu.memref_squeeze %dma_start3A_25 : memref<1x!tpu.dma_semaphore, #tpu.memory_space<semaphore_mem>> -> memref<!tpu.dma_semaphore, #tpu.memory_space<semaphore_mem>>
    %dma_start3A_27 = tpu.memref_slice %arg4[%add3A_17] : memref<320000xi32, #tpu.memory_space<hbm>> -> memref<80xi32, #tpu.memory_space<hbm>>
    tpu.enqueue_dma source(%dma_start3A_27 : memref<80xi32, #tpu.memory_space<hbm>>) target(%arg14 : memref<80xi32, #tpu.memory_space<vmem>>) target_semaphore(%dma_start3A_26 : memref<!tpu.dma_semaphore, #tpu.memory_space<semaphore_mem>>)
    %mul3A_28 = arith.constant 10000 : i32
    %mul3A_29 = arith.muli %add3A, %mul3A_28 : i32
    %add3A_30 = arith.constant 160 : i32
    %add3A_31 = arith.addi %mul3A_29, %add3A_30 : i32
    %dma_start3A_32 = arith.constant 2 : i32
    %dma_start3A_33 = tpu.memref_slice %arg3[%add3A_31] : memref<320000xi32, #tpu.memory_space<hbm>> -> memref<80xi32, #tpu.memory_space<hbm>>
    %dma_start3A_34 = tpu.memref_slice %arg25[%dma_start3A_32] : memref<6x!tpu.dma_semaphore, #tpu.memory_space<semaphore_mem>> -> memref<1x!tpu.dma_semaphore, #tpu.memory_space<semaphore_mem>>
    %dma_start3A_35 = tpu.memref_squeeze %dma_start3A_34 : memref<1x!tpu.dma_semaphore, #tpu.memory_space<semaphore_mem>> -> memref<!tpu.dma_semaphore, #tpu.memory_space<semaphore_mem>>
    %dma_start3A_36 = tpu.memref_slice %arg3[%add3A_31] : memref<320000xi32, #tpu.memory_space<hbm>> -> memref<80xi32, #tpu.memory_space<hbm>>
    tpu.enqueue_dma source(%dma_start3A_36 : memref<80xi32, #tpu.memory_space<hbm>>) target(%arg9 : memref<80xi32, #tpu.memory_space<vmem>>) target_semaphore(%dma_start3A_35 : memref<!tpu.dma_semaphore, #tpu.memory_space<semaphore_mem>>)
    %dma_start3A_37 = arith.constant 2 : i32
    %dma_start3A_38 = tpu.memref_slice %arg4[%add3A_31] : memref<320000xi32, #tpu.memory_space<hbm>> -> memref<80xi32, #tpu.memory_space<hbm>>
    %dma_start3A_39 = tpu.memref_slice %arg25[%dma_start3A_37] : memref<6x!tpu.dma_semaphore, #tpu.memory_space<semaphore_mem>> -> memref<1x!tpu.dma_semaphore, #tpu.memory_space<semaphore_mem>>
    %dma_start3A_40 = tpu.memref_squeeze %dma_start3A_39 : memref<1x!tpu.dma_semaphore, #tpu.memory_space<semaphore_mem>> -> memref<!tpu.dma_semaphore, #tpu.memory_space<semaphore_mem>>
    %dma_start3A_41 = tpu.memref_slice %arg4[%add3A_31] : memref<320000xi32, #tpu.memory_space<hbm>> -> memref<80xi32, #tpu.memory_space<hbm>>
    tpu.enqueue_dma source(%dma_start3A_41 : memref<80xi32, #tpu.memory_space<hbm>>) target(%arg15 : memref<80xi32, #tpu.memory_space<vmem>>) target_semaphore(%dma_start3A_40 : memref<!tpu.dma_semaphore, #tpu.memory_space<semaphore_mem>>)
    %mul3A_42 = arith.constant 10000 : i32
    %mul3A_43 = arith.muli %add3A, %mul3A_42 : i32
    %add3A_44 = arith.constant 240 : i32
    %add3A_45 = arith.addi %mul3A_43, %add3A_44 : i32
    %dma_start3A_46 = arith.constant 3 : i32
    %dma_start3A_47 = tpu.memref_slice %arg3[%add3A_45] : memref<320000xi32, #tpu.memory_space<hbm>> -> memref<80xi32, #tpu.memory_space<hbm>>
    %dma_start3A_48 = tpu.memref_slice %arg25[%dma_start3A_46] : memref<6x!tpu.dma_semaphore, #tpu.memory_space<semaphore_mem>> -> memref<1x!tpu.dma_semaphore, #tpu.memory_space<semaphore_mem>>
    %dma_start3A_49 = tpu.memref_squeeze %dma_start3A_48 : memref<1x!tpu.dma_semaphore, #tpu.memory_space<semaphore_mem>> -> memref<!tpu.dma_semaphore, #tpu.memory_space<semaphore_mem>>
    %dma_start3A_50 = tpu.memref_slice %arg3[%add3A_45] : memref<320000xi32, #tpu.memory_space<hbm>> -> memref<80xi32, #tpu.memory_space<hbm>>
    tpu.enqueue_dma source(%dma_start3A_50 : memref<80xi32, #tpu.memory_space<hbm>>) target(%arg10 : memref<80xi32, #tpu.memory_space<vmem>>) target_semaphore(%dma_start3A_49 : memref<!tpu.dma_semaphore, #tpu.memory_space<semaphore_mem>>)
    %dma_start3A_51 = arith.constant 3 : i32
    %dma_start3A_52 = tpu.memref_slice %arg4[%add3A_45] : memref<320000xi32, #tpu.memory_space<hbm>> -> memref<80xi32, #tpu.memory_space<hbm>>
    %dma_start3A_53 = tpu.memref_slice %arg25[%dma_start3A_51] : memref<6x!tpu.dma_semaphore, #tpu.memory_space<semaphore_mem>> -> memref<1x!tpu.dma_semaphore, #tpu.memory_space<semaphore_mem>>
    %dma_start3A_54 = tpu.memref_squeeze %dma_start3A_53 : memref<1x!tpu.dma_semaphore, #tpu.memory_space<semaphore_mem>> -> memref<!tpu.dma_semaphore, #tpu.memory_space<semaphore_mem>>
    %dma_start3A_55 = tpu.memref_slice %arg4[%add3A_45] : memref<320000xi32, #tpu.memory_space<hbm>> -> memref<80xi32, #tpu.memory_space<hbm>>
    tpu.enqueue_dma source(%dma_start3A_55 : memref<80xi32, #tpu.memory_space<hbm>>) target(%arg16 : memref<80xi32, #tpu.memory_space<vmem>>) target_semaphore(%dma_start3A_54 : memref<!tpu.dma_semaphore, #tpu.memory_space<semaphore_mem>>)
    %broadcast_in_dim3A = arith.constant 0.000000e+00 : f32
    %broadcast_in_dim3A_56 = vector.broadcast %broadcast_in_dim3A : f32 to vector<16xf32>
    %scan3A = arith.constant 0 : i32
    %scan3A_57 = arith.constant 0 : i32
    %scan3A_58 = arith.constant 80 : i32
    %scan3A_59 = arith.addi %scan3A_57, %scan3A_58 : i32
    %scan3A_60 = arith.constant 1 : i32
    scf.for %scan3A_459 = %scan3A_57 to %scan3A_59 step %scan3A_60  : i32 {
      %swap3A = arith.index_cast %scan3A_459 : i32 to index
      %swap3A_460 = arith.constant 0 : index
      %swap3A_461 = tpu.vector_load %arg19[%swap3A, %swap3A_460] {strides = array<i32>} : memref<80x128xf32, #tpu.memory_space<vmem>>, vector<16xf32>,
      tpu.vector_store %arg19[%swap3A, %swap3A_460], %broadcast_in_dim3A_56 {strides = array<i32>} : memref<80x128xf32, #tpu.memory_space<vmem>>, vector<16xf32>,
      %swap3A_462 = arith.index_cast %scan3A_459 : i32 to index
      %swap3A_463 = arith.constant 16 : index
      %swap3A_464 = tpu.vector_load %arg19[%swap3A_462, %swap3A_463] {strides = array<i32>} : memref<80x128xf32, #tpu.memory_space<vmem>>, vector<16xf32>,
      tpu.vector_store %arg19[%swap3A_462, %swap3A_463], %broadcast_in_dim3A_56 {strides = array<i32>} : memref<80x128xf32, #tpu.memory_space<vmem>>, vector<16xf32>,
      %swap3A_465 = arith.index_cast %scan3A_459 : i32 to index
      %swap3A_466 = arith.constant 32 : index
      %swap3A_467 = tpu.vector_load %arg19[%swap3A_465, %swap3A_466] {strides = array<i32>} : memref<80x128xf32, #tpu.memory_space<vmem>>, vector<16xf32>,
      tpu.vector_store %arg19[%swap3A_465, %swap3A_466], %broadcast_in_dim3A_56 {strides = array<i32>} : memref<80x128xf32, #tpu.memory_space<vmem>>, vector<16xf32>,
      %swap3A_468 = arith.index_cast %scan3A_459 : i32 to index
      %swap3A_469 = arith.constant 48 : index
      %swap3A_470 = tpu.vector_load %arg19[%swap3A_468, %swap3A_469] {strides = array<i32>} : memref<80x128xf32, #tpu.memory_space<vmem>>, vector<16xf32>,
      tpu.vector_store %arg19[%swap3A_468, %swap3A_469], %broadcast_in_dim3A_56 {strides = array<i32>} : memref<80x128xf32, #tpu.memory_space<vmem>>, vector<16xf32>,
      %swap3A_471 = arith.index_cast %scan3A_459 : i32 to index
      %swap3A_472 = arith.constant 64 : index
      %swap3A_473 = tpu.vector_load %arg19[%swap3A_471, %swap3A_472] {strides = array<i32>} : memref<80x128xf32, #tpu.memory_space<vmem>>, vector<16xf32>,
      tpu.vector_store %arg19[%swap3A_471, %swap3A_472], %broadcast_in_dim3A_56 {strides = array<i32>} : memref<80x128xf32, #tpu.memory_space<vmem>>, vector<16xf32>,
      %swap3A_474 = arith.index_cast %scan3A_459 : i32 to index
      %swap3A_475 = arith.constant 80 : index
      %swap3A_476 = tpu.vector_load %arg19[%swap3A_474, %swap3A_475] {strides = array<i32>} : memref<80x128xf32, #tpu.memory_space<vmem>>, vector<16xf32>,
      tpu.vector_store %arg19[%swap3A_474, %swap3A_475], %broadcast_in_dim3A_56 {strides = array<i32>} : memref<80x128xf32, #tpu.memory_space<vmem>>, vector<16xf32>,
      %swap3A_477 = arith.index_cast %scan3A_459 : i32 to index
      %swap3A_478 = arith.constant 96 : index
      %swap3A_479 = tpu.vector_load %arg19[%swap3A_477, %swap3A_478] {strides = array<i32>} : memref<80x128xf32, #tpu.memory_space<vmem>>, vector<16xf32>,
      tpu.vector_store %arg19[%swap3A_477, %swap3A_478], %broadcast_in_dim3A_56 {strides = array<i32>} : memref<80x128xf32, #tpu.memory_space<vmem>>, vector<16xf32>,
      %swap3A_480 = arith.index_cast %scan3A_459 : i32 to index
      %swap3A_481 = arith.constant 112 : index
      %swap3A_482 = tpu.vector_load %arg19[%swap3A_480, %swap3A_481] {strides = array<i32>} : memref<80x128xf32, #tpu.memory_space<vmem>>, vector<16xf32>,
      tpu.vector_store %arg19[%swap3A_480, %swap3A_481], %broadcast_in_dim3A_56 {strides = array<i32>} : memref<80x128xf32, #tpu.memory_space<vmem>>, vector<16xf32>,
      %swap3A_483 = arith.index_cast %scan3A_459 : i32 to index
      %swap3A_484 = arith.constant 0 : index
      %swap3A_485 = tpu.vector_load %arg20[%swap3A_483, %swap3A_484] {strides = array<i32>} : memref<80x128xf32, #tpu.memory_space<vmem>>, vector<16xf32>,
      tpu.vector_store %arg20[%swap3A_483, %swap3A_484], %broadcast_in_dim3A_56 {strides = array<i32>} : memref<80x128xf32, #tpu.memory_space<vmem>>, vector<16xf32>,
      %swap3A_486 = arith.index_cast %scan3A_459 : i32 to index
      %swap3A_487 = arith.constant 16 : index
      %swap3A_488 = tpu.vector_load %arg20[%swap3A_486, %swap3A_487] {strides = array<i32>} : memref<80x128xf32, #tpu.memory_space<vmem>>, vector<16xf32>,
      tpu.vector_store %arg20[%swap3A_486, %swap3A_487], %broadcast_in_dim3A_56 {strides = array<i32>} : memref<80x128xf32, #tpu.memory_space<vmem>>, vector<16xf32>,
      %swap3A_489 = arith.index_cast %scan3A_459 : i32 to index
      %swap3A_490 = arith.constant 32 : index
      %swap3A_491 = tpu.vector_load %arg20[%swap3A_489, %swap3A_490] {strides = array<i32>} : memref<80x128xf32, #tpu.memory_space<vmem>>, vector<16xf32>,
      tpu.vector_store %arg20[%swap3A_489, %swap3A_490], %broadcast_in_dim3A_56 {strides = array<i32>} : memref<80x128xf32, #tpu.memory_space<vmem>>, vector<16xf32>,
      %swap3A_492 = arith.index_cast %scan3A_459 : i32 to index
      %swap3A_493 = arith.constant 48 : index
      %swap3A_494 = tpu.vector_load %arg20[%swap3A_492, %swap3A_493] {strides = array<i32>} : memref<80x128xf32, #tpu.memory_space<vmem>>, vector<16xf32>,
      tpu.vector_store %arg20[%swap3A_492, %swap3A_493], %broadcast_in_dim3A_56 {strides = array<i32>} : memref<80x128xf32, #tpu.memory_space<vmem>>, vector<16xf32>,
      %swap3A_495 = arith.index_cast %scan3A_459 : i32 to index
      %swap3A_496 = arith.constant 64 : index
      %swap3A_497 = tpu.vector_load %arg20[%swap3A_495, %swap3A_496] {strides = array<i32>} : memref<80x128xf32, #tpu.memory_space<vmem>>, vector<16xf32>,
      tpu.vector_store %arg20[%swap3A_495, %swap3A_496], %broadcast_in_dim3A_56 {strides = array<i32>} : memref<80x128xf32, #tpu.memory_space<vmem>>, vector<16xf32>,
      %swap3A_498 = arith.index_cast %scan3A_459 : i32 to index
      %swap3A_499 = arith.constant 80 : index
      %swap3A_500 = tpu.vector_load %arg20[%swap3A_498, %swap3A_499] {strides = array<i32>} : memref<80x128xf32, #tpu.memory_space<vmem>>, vector<16xf32>,
      tpu.vector_store %arg20[%swap3A_498, %swap3A_499], %broadcast_in_dim3A_56 {strides = array<i32>} : memref<80x128xf32, #tpu.memory_space<vmem>>, vector<16xf32>,
      %swap3A_501 = arith.index_cast %scan3A_459 : i32 to index
      %swap3A_502 = arith.constant 96 : index
      %swap3A_503 = tpu.vector_load %arg20[%swap3A_501, %swap3A_502] {strides = array<i32>} : memref<80x128xf32, #tpu.memory_space<vmem>>, vector<16xf32>,
      tpu.vector_store %arg20[%swap3A_501, %swap3A_502], %broadcast_in_dim3A_56 {strides = array<i32>} : memref<80x128xf32, #tpu.memory_space<vmem>>, vector<16xf32>,
      %swap3A_504 = arith.index_cast %scan3A_459 : i32 to index
      %swap3A_505 = arith.constant 112 : index
      %swap3A_506 = tpu.vector_load %arg20[%swap3A_504, %swap3A_505] {strides = array<i32>} : memref<80x128xf32, #tpu.memory_space<vmem>>, vector<16xf32>,
      tpu.vector_store %arg20[%swap3A_504, %swap3A_505], %broadcast_in_dim3A_56 {strides = array<i32>} : memref<80x128xf32, #tpu.memory_space<vmem>>, vector<16xf32>,
      %swap3A_507 = arith.index_cast %scan3A_459 : i32 to index
      %swap3A_508 = arith.constant 0 : index
      %swap3A_509 = tpu.vector_load %arg21[%swap3A_507, %swap3A_508] {strides = array<i32>} : memref<80x128xf32, #tpu.memory_space<vmem>>, vector<16xf32>,
      tpu.vector_store %arg21[%swap3A_507, %swap3A_508], %broadcast_in_dim3A_56 {strides = array<i32>} : memref<80x128xf32, #tpu.memory_space<vmem>>, vector<16xf32>,
      %swap3A_510 = arith.index_cast %scan3A_459 : i32 to index
      %swap3A_511 = arith.constant 16 : index
      %swap3A_512 = tpu.vector_load %arg21[%swap3A_510, %swap3A_511] {strides = array<i32>} : memref<80x128xf32, #tpu.memory_space<vmem>>, vector<16xf32>,
      tpu.vector_store %arg21[%swap3A_510, %swap3A_511], %broadcast_in_dim3A_56 {strides = array<i32>} : memref<80x128xf32, #tpu.memory_space<vmem>>, vector<16xf32>,
      %swap3A_513 = arith.index_cast %scan3A_459 : i32 to index
      %swap3A_514 = arith.constant 32 : index
      %swap3A_515 = tpu.vector_load %arg21[%swap3A_513, %swap3A_514] {strides = array<i32>} : memref<80x128xf32, #tpu.memory_space<vmem>>, vector<16xf32>,
      tpu.vector_store %arg21[%swap3A_513, %swap3A_514], %broadcast_in_dim3A_56 {strides = array<i32>} : memref<80x128xf32, #tpu.memory_space<vmem>>, vector<16xf32>,
      %swap3A_516 = arith.index_cast %scan3A_459 : i32 to index
      %swap3A_517 = arith.constant 48 : index
      %swap3A_518 = tpu.vector_load %arg21[%swap3A_516, %swap3A_517] {strides = array<i32>} : memref<80x128xf32, #tpu.memory_space<vmem>>, vector<16xf32>,
      tpu.vector_store %arg21[%swap3A_516, %swap3A_517], %broadcast_in_dim3A_56 {strides = array<i32>} : memref<80x128xf32, #tpu.memory_space<vmem>>, vector<16xf32>,
      %swap3A_519 = arith.index_cast %scan3A_459 : i32 to index
      %swap3A_520 = arith.constant 64 : index
      %swap3A_521 = tpu.vector_load %arg21[%swap3A_519, %swap3A_520] {strides = array<i32>} : memref<80x128xf32, #tpu.memory_space<vmem>>, vector<16xf32>,
      tpu.vector_store %arg21[%swap3A_519, %swap3A_520], %broadcast_in_dim3A_56 {strides = array<i32>} : memref<80x128xf32, #tpu.memory_space<vmem>>, vector<16xf32>,
      %swap3A_522 = arith.index_cast %scan3A_459 : i32 to index
      %swap3A_523 = arith.constant 80 : index
      %swap3A_524 = tpu.vector_load %arg21[%swap3A_522, %swap3A_523] {strides = array<i32>} : memref<80x128xf32, #tpu.memory_space<vmem>>, vector<16xf32>,
      tpu.vector_store %arg21[%swap3A_522, %swap3A_523], %broadcast_in_dim3A_56 {strides = array<i32>} : memref<80x128xf32, #tpu.memory_space<vmem>>, vector<16xf32>,
      %swap3A_525 = arith.index_cast %scan3A_459 : i32 to index
      %swap3A_526 = arith.constant 96 : index
      %swap3A_527 = tpu.vector_load %arg21[%swap3A_525, %swap3A_526] {strides = array<i32>} : memref<80x128xf32, #tpu.memory_space<vmem>>, vector<16xf32>,
      tpu.vector_store %arg21[%swap3A_525, %swap3A_526], %broadcast_in_dim3A_56 {strides = array<i32>} : memref<80x128xf32, #tpu.memory_space<vmem>>, vector<16xf32>,
      %swap3A_528 = arith.index_cast %scan3A_459 : i32 to index
      %swap3A_529 = arith.constant 112 : index
      %swap3A_530 = tpu.vector_load %arg21[%swap3A_528, %swap3A_529] {strides = array<i32>} : memref<80x128xf32, #tpu.memory_space<vmem>>, vector<16xf32>,
      tpu.vector_store %arg21[%swap3A_528, %swap3A_529], %broadcast_in_dim3A_56 {strides = array<i32>} : memref<80x128xf32, #tpu.memory_space<vmem>>, vector<16xf32>,
    }
    %scan3A_61 = arith.constant 80 : i32
    %scan3A_62 = arith.constant 0 : i32
    %scan3A_63 = arith.constant 0 : i32
    %scan3A_64 = arith.constant 625 : i32
    %scan3A_65 = arith.addi %scan3A_63, %scan3A_64 : i32
    %scan3A_66 = arith.constant 1 : i32
    scf.for %scan3A_459 = %scan3A_63 to %scan3A_65 step %scan3A_66  : i32 {
      %mul3A_460 = arith.constant 16 : i32
      %mul3A_461 = arith.muli %scan3A_459, %mul3A_460 : i32
      %swap3A = arith.index_cast %mul3A_461 : i32 to index
      %swap3A_462 = tpu.vector_load %arg22[%swap3A] {strides = array<i32>} : memref<10000xf32, #tpu.memory_space<vmem>>, vector<16xf32>,
      tpu.vector_store %arg22[%swap3A], %broadcast_in_dim3A_56 {strides = array<i32>} : memref<10000xf32, #tpu.memory_space<vmem>>, vector<16xf32>,
    }
    %scan3A_67 = arith.constant 625 : i32
    %mul3A_68 = arith.constant 625 : i32
    %mul3A_69 = arith.muli %arg1, %mul3A_68 : i32
    %add3A_70 = arith.constant 0 : i32
    %add3A_71 = arith.addi %mul3A_69, %add3A_70 : i32
    "tpu.region"() ({
      %run_scoped3A = tpu.sem_alloc : memref<!tpu.dma_semaphore, #tpu.memory_space<semaphore_mem>>
      %dma_start3A_459 = arith.constant 0 : i32
      %dma_start3A_460 = tpu.memref_slice %arg23[%add3A_71, %dma_start3A_459] : memref<10000x128xf32, #tpu.memory_space<vmem_shared>> -> memref<80x128xf32, #tpu.memory_space<vmem_shared>>
      %dma_start3A_461 = arith.constant 0 : i32
      %dma_start3A_462 = tpu.memref_slice %arg23[%add3A_71, %dma_start3A_461] : memref<10000x128xf32, #tpu.memory_space<vmem_shared>> -> memref<80x128xf32, #tpu.memory_space<vmem_shared>>
      tpu.enqueue_dma source(%arg19 : memref<80x128xf32, #tpu.memory_space<vmem>>) target(%dma_start3A_462 : memref<80x128xf32, #tpu.memory_space<vmem_shared>>) target_semaphore(%run_scoped3A : memref<!tpu.dma_semaphore, #tpu.memory_space<semaphore_mem>>)
      %dma_wait3A_463 = arith.constant 0 : i32
      %dma_wait3A_464 = tpu.memref_slice %arg23[%add3A_71, %dma_wait3A_463] : memref<10000x128xf32, #tpu.memory_space<vmem_shared>> -> memref<80x128xf32, #tpu.memory_space<vmem_shared>>
      %dma_wait3A_465 = arith.constant 0 : i32
      %dma_wait3A_466 = tpu.memref_slice %arg23[%add3A_71, %dma_wait3A_465] : memref<10000x128xf32, #tpu.memory_space<vmem_shared>> -> memref<80x128xf32, #tpu.memory_space<vmem_shared>>
      tpu.wait_dma2 semaphore(%run_scoped3A : memref<!tpu.dma_semaphore, #tpu.memory_space<semaphore_mem>>) src(%arg19 : memref<80x128xf32, #tpu.memory_space<vmem>>) dst(%dma_wait3A_466 : memref<80x128xf32, #tpu.memory_space<vmem_shared>>)
      tpu.yield
    }) : () -> ()
    %mul3A_72 = arith.constant 625 : i32
    %mul3A_73 = arith.muli %arg1, %mul3A_72 : i32
    %add3A_74 = arith.constant 80 : i32
    %add3A_75 = arith.addi %mul3A_73, %add3A_74 : i32
    "tpu.region"() ({
      %run_scoped3A = tpu.sem_alloc : memref<!tpu.dma_semaphore, #tpu.memory_space<semaphore_mem>>
      %dma_start3A_459 = arith.constant 0 : i32
      %dma_start3A_460 = tpu.memref_slice %arg23[%add3A_75, %dma_start3A_459] : memref<10000x128xf32, #tpu.memory_space<vmem_shared>> -> memref<80x128xf32, #tpu.memory_space<vmem_shared>>
      %dma_start3A_461 = arith.constant 0 : i32
      %dma_start3A_462 = tpu.memref_slice %arg23[%add3A_75, %dma_start3A_461] : memref<10000x128xf32, #tpu.memory_space<vmem_shared>> -> memref<80x128xf32, #tpu.memory_space<vmem_shared>>
      tpu.enqueue_dma source(%arg19 : memref<80x128xf32, #tpu.memory_space<vmem>>) target(%dma_start3A_462 : memref<80x128xf32, #tpu.memory_space<vmem_shared>>) target_semaphore(%run_scoped3A : memref<!tpu.dma_semaphore, #tpu.memory_space<semaphore_mem>>)
      %dma_wait3A_463 = arith.constant 0 : i32
      %dma_wait3A_464 = tpu.memref_slice %arg23[%add3A_75, %dma_wait3A_463] : memref<10000x128xf32, #tpu.memory_space<vmem_shared>> -> memref<80x128xf32, #tpu.memory_space<vmem_shared>>
      %dma_wait3A_465 = arith.constant 0 : i32
      %dma_wait3A_466 = tpu.memref_slice %arg23[%add3A_75, %dma_wait3A_465] : memref<10000x128xf32, #tpu.memory_space<vmem_shared>> -> memref<80x128xf32, #tpu.memory_space<vmem_shared>>
      tpu.wait_dma2 semaphore(%run_scoped3A : memref<!tpu.dma_semaphore, #tpu.memory_space<semaphore_mem>>) src(%arg19 : memref<80x128xf32, #tpu.memory_space<vmem>>) dst(%dma_wait3A_466 : memref<80x128xf32, #tpu.memory_space<vmem_shared>>)
      tpu.yield
    }) : () -> ()
    %mul3A_76 = arith.constant 625 : i32
    %mul3A_77 = arith.muli %arg1, %mul3A_76 : i32
    %add3A_78 = arith.constant 160 : i32
    %add3A_79 = arith.addi %mul3A_77, %add3A_78 : i32
    "tpu.region"() ({
      %run_scoped3A = tpu.sem_alloc : memref<!tpu.dma_semaphore, #tpu.memory_space<semaphore_mem>>
      %dma_start3A_459 = arith.constant 0 : i32
      %dma_start3A_460 = tpu.memref_slice %arg23[%add3A_79, %dma_start3A_459] : memref<10000x128xf32, #tpu.memory_space<vmem_shared>> -> memref<80x128xf32, #tpu.memory_space<vmem_shared>>
      %dma_start3A_461 = arith.constant 0 : i32
      %dma_start3A_462 = tpu.memref_slice %arg23[%add3A_79, %dma_start3A_461] : memref<10000x128xf32, #tpu.memory_space<vmem_shared>> -> memref<80x128xf32, #tpu.memory_space<vmem_shared>>
      tpu.enqueue_dma source(%arg19 : memref<80x128xf32, #tpu.memory_space<vmem>>) target(%dma_start3A_462 : memref<80x128xf32, #tpu.memory_space<vmem_shared>>) target_semaphore(%run_scoped3A : memref<!tpu.dma_semaphore, #tpu.memory_space<semaphore_mem>>)
      %dma_wait3A_463 = arith.constant 0 : i32
      %dma_wait3A_464 = tpu.memref_slice %arg23[%add3A_79, %dma_wait3A_463] : memref<10000x128xf32, #tpu.memory_space<vmem_shared>> -> memref<80x128xf32, #tpu.memory_space<vmem_shared>>
      %dma_wait3A_465 = arith.constant 0 : i32
      %dma_wait3A_466 = tpu.memref_slice %arg23[%add3A_79, %dma_wait3A_465] : memref<10000x128xf32, #tpu.memory_space<vmem_shared>> -> memref<80x128xf32, #tpu.memory_space<vmem_shared>>
      tpu.wait_dma2 semaphore(%run_scoped3A : memref<!tpu.dma_semaphore, #tpu.memory_space<semaphore_mem>>) src(%arg19 : memref<80x128xf32, #tpu.memory_space<vmem>>) dst(%dma_wait3A_466 : memref<80x128xf32, #tpu.memory_space<vmem_shared>>)
      tpu.yield
    }) : () -> ()
    %mul3A_80 = arith.constant 625 : i32
    %mul3A_81 = arith.muli %arg1, %mul3A_80 : i32
    %add3A_82 = arith.constant 240 : i32
    %add3A_83 = arith.addi %mul3A_81, %add3A_82 : i32
    "tpu.region"() ({
      %run_scoped3A = tpu.sem_alloc : memref<!tpu.dma_semaphore, #tpu.memory_space<semaphore_mem>>
      %dma_start3A_459 = arith.constant 0 : i32
      %dma_start3A_460 = tpu.memref_slice %arg23[%add3A_83, %dma_start3A_459] : memref<10000x128xf32, #tpu.memory_space<vmem_shared>> -> memref<80x128xf32, #tpu.memory_space<vmem_shared>>
      %dma_start3A_461 = arith.constant 0 : i32
      %dma_start3A_462 = tpu.memref_slice %arg23[%add3A_83, %dma_start3A_461] : memref<10000x128xf32, #tpu.memory_space<vmem_shared>> -> memref<80x128xf32, #tpu.memory_space<vmem_shared>>
      tpu.enqueue_dma source(%arg19 : memref<80x128xf32, #tpu.memory_space<vmem>>) target(%dma_start3A_462 : memref<80x128xf32, #tpu.memory_space<vmem_shared>>) target_semaphore(%run_scoped3A : memref<!tpu.dma_semaphore, #tpu.memory_space<semaphore_mem>>)
      %dma_wait3A_463 = arith.constant 0 : i32
      %dma_wait3A_464 = tpu.memref_slice %arg23[%add3A_83, %dma_wait3A_463] : memref<10000x128xf32, #tpu.memory_space<vmem_shared>> -> memref<80x128xf32, #tpu.memory_space<vmem_shared>>
      %dma_wait3A_465 = arith.constant 0 : i32
      %dma_wait3A_466 = tpu.memref_slice %arg23[%add3A_83, %dma_wait3A_465] : memref<10000x128xf32, #tpu.memory_space<vmem_shared>> -> memref<80x128xf32, #tpu.memory_space<vmem_shared>>
      tpu.wait_dma2 semaphore(%run_scoped3A : memref<!tpu.dma_semaphore, #tpu.memory_space<semaphore_mem>>) src(%arg19 : memref<80x128xf32, #tpu.memory_space<vmem>>) dst(%dma_wait3A_466 : memref<80x128xf32, #tpu.memory_space<vmem_shared>>)
      tpu.yield
    }) : () -> ()
    %mul3A_84 = arith.constant 625 : i32
    %mul3A_85 = arith.muli %arg1, %mul3A_84 : i32
    %add3A_86 = arith.constant 320 : i32
    %add3A_87 = arith.addi %mul3A_85, %add3A_86 : i32
    "tpu.region"() ({
      %run_scoped3A = tpu.sem_alloc : memref<!tpu.dma_semaphore, #tpu.memory_space<semaphore_mem>>
      %dma_start3A_459 = arith.constant 0 : i32
      %dma_start3A_460 = tpu.memref_slice %arg23[%add3A_87, %dma_start3A_459] : memref<10000x128xf32, #tpu.memory_space<vmem_shared>> -> memref<80x128xf32, #tpu.memory_space<vmem_shared>>
      %dma_start3A_461 = arith.constant 0 : i32
      %dma_start3A_462 = tpu.memref_slice %arg23[%add3A_87, %dma_start3A_461] : memref<10000x128xf32, #tpu.memory_space<vmem_shared>> -> memref<80x128xf32, #tpu.memory_space<vmem_shared>>
      tpu.enqueue_dma source(%arg19 : memref<80x128xf32, #tpu.memory_space<vmem>>) target(%dma_start3A_462 : memref<80x128xf32, #tpu.memory_space<vmem_shared>>) target_semaphore(%run_scoped3A : memref<!tpu.dma_semaphore, #tpu.memory_space<semaphore_mem>>)
      %dma_wait3A_463 = arith.constant 0 : i32
      %dma_wait3A_464 = tpu.memref_slice %arg23[%add3A_87, %dma_wait3A_463] : memref<10000x128xf32, #tpu.memory_space<vmem_shared>> -> memref<80x128xf32, #tpu.memory_space<vmem_shared>>
      %dma_wait3A_465 = arith.constant 0 : i32
      %dma_wait3A_466 = tpu.memref_slice %arg23[%add3A_87, %dma_wait3A_465] : memref<10000x128xf32, #tpu.memory_space<vmem_shared>> -> memref<80x128xf32, #tpu.memory_space<vmem_shared>>
      tpu.wait_dma2 semaphore(%run_scoped3A : memref<!tpu.dma_semaphore, #tpu.memory_space<semaphore_mem>>) src(%arg19 : memref<80x128xf32, #tpu.memory_space<vmem>>) dst(%dma_wait3A_466 : memref<80x128xf32, #tpu.memory_space<vmem_shared>>)
      tpu.yield
    }) : () -> ()
    %mul3A_88 = arith.constant 625 : i32
    %mul3A_89 = arith.muli %arg1, %mul3A_88 : i32
    %add3A_90 = arith.constant 400 : i32
    %add3A_91 = arith.addi %mul3A_89, %add3A_90 : i32
    "tpu.region"() ({
      %run_scoped3A = tpu.sem_alloc : memref<!tpu.dma_semaphore, #tpu.memory_space<semaphore_mem>>
      %dma_start3A_459 = arith.constant 0 : i32
      %dma_start3A_460 = tpu.memref_slice %arg23[%add3A_91, %dma_start3A_459] : memref<10000x128xf32, #tpu.memory_space<vmem_shared>> -> memref<80x128xf32, #tpu.memory_space<vmem_shared>>
      %dma_start3A_461 = arith.constant 0 : i32
      %dma_start3A_462 = tpu.memref_slice %arg23[%add3A_91, %dma_start3A_461] : memref<10000x128xf32, #tpu.memory_space<vmem_shared>> -> memref<80x128xf32, #tpu.memory_space<vmem_shared>>
      tpu.enqueue_dma source(%arg19 : memref<80x128xf32, #tpu.memory_space<vmem>>) target(%dma_start3A_462 : memref<80x128xf32, #tpu.memory_space<vmem_shared>>) target_semaphore(%run_scoped3A : memref<!tpu.dma_semaphore, #tpu.memory_space<semaphore_mem>>)
      %dma_wait3A_463 = arith.constant 0 : i32
      %dma_wait3A_464 = tpu.memref_slice %arg23[%add3A_91, %dma_wait3A_463] : memref<10000x128xf32, #tpu.memory_space<vmem_shared>> -> memref<80x128xf32, #tpu.memory_space<vmem_shared>>
      %dma_wait3A_465 = arith.constant 0 : i32
      %dma_wait3A_466 = tpu.memref_slice %arg23[%add3A_91, %dma_wait3A_465] : memref<10000x128xf32, #tpu.memory_space<vmem_shared>> -> memref<80x128xf32, #tpu.memory_space<vmem_shared>>
      tpu.wait_dma2 semaphore(%run_scoped3A : memref<!tpu.dma_semaphore, #tpu.memory_space<semaphore_mem>>) src(%arg19 : memref<80x128xf32, #tpu.memory_space<vmem>>) dst(%dma_wait3A_466 : memref<80x128xf32, #tpu.memory_space<vmem_shared>>)
      tpu.yield
    }) : () -> ()
    %mul3A_92 = arith.constant 625 : i32
    %mul3A_93 = arith.muli %arg1, %mul3A_92 : i32
    %add3A_94 = arith.constant 480 : i32
    %add3A_95 = arith.addi %mul3A_93, %add3A_94 : i32
    "tpu.region"() ({
      %run_scoped3A = tpu.sem_alloc : memref<!tpu.dma_semaphore, #tpu.memory_space<semaphore_mem>>
      %dma_start3A_459 = arith.constant 0 : i32
      %dma_start3A_460 = tpu.memref_slice %arg23[%add3A_95, %dma_start3A_459] : memref<10000x128xf32, #tpu.memory_space<vmem_shared>> -> memref<80x128xf32, #tpu.memory_space<vmem_shared>>
      %dma_start3A_461 = arith.constant 0 : i32
      %dma_start3A_462 = tpu.memref_slice %arg23[%add3A_95, %dma_start3A_461] : memref<10000x128xf32, #tpu.memory_space<vmem_shared>> -> memref<80x128xf32, #tpu.memory_space<vmem_shared>>
      tpu.enqueue_dma source(%arg19 : memref<80x128xf32, #tpu.memory_space<vmem>>) target(%dma_start3A_462 : memref<80x128xf32, #tpu.memory_space<vmem_shared>>) target_semaphore(%run_scoped3A : memref<!tpu.dma_semaphore, #tpu.memory_space<semaphore_mem>>)
      %dma_wait3A_463 = arith.constant 0 : i32
      %dma_wait3A_464 = tpu.memref_slice %arg23[%add3A_95, %dma_wait3A_463] : memref<10000x128xf32, #tpu.memory_space<vmem_shared>> -> memref<80x128xf32, #tpu.memory_space<vmem_shared>>
      %dma_wait3A_465 = arith.constant 0 : i32
      %dma_wait3A_466 = tpu.memref_slice %arg23[%add3A_95, %dma_wait3A_465] : memref<10000x128xf32, #tpu.memory_space<vmem_shared>> -> memref<80x128xf32, #tpu.memory_space<vmem_shared>>
      tpu.wait_dma2 semaphore(%run_scoped3A : memref<!tpu.dma_semaphore, #tpu.memory_space<semaphore_mem>>) src(%arg19 : memref<80x128xf32, #tpu.memory_space<vmem>>) dst(%dma_wait3A_466 : memref<80x128xf32, #tpu.memory_space<vmem_shared>>)
      tpu.yield
    }) : () -> ()
    %mul3A_96 = arith.constant 625 : i32
    %mul3A_97 = arith.muli %arg1, %mul3A_96 : i32
    %add3A_98 = arith.constant 560 : i32
    %add3A_99 = arith.addi %mul3A_97, %add3A_98 : i32
    "tpu.region"() ({
      %run_scoped3A = tpu.sem_alloc : memref<!tpu.dma_semaphore, #tpu.memory_space<semaphore_mem>>
      %dma_start3A_459 = arith.constant 0 : i32
      %dma_start3A_460 = arith.constant 0 : i32
      %dma_start3A_461 = tpu.memref_slice %arg19[%dma_start3A_459, %dma_start3A_460] : memref<80x128xf32, #tpu.memory_space<vmem>> -> memref<65x128xf32, #tpu.memory_space<vmem>>
      %dma_start3A_462 = arith.constant 0 : i32
      %dma_start3A_463 = tpu.memref_slice %arg23[%add3A_99, %dma_start3A_462] : memref<10000x128xf32, #tpu.memory_space<vmem_shared>> -> memref<65x128xf32, #tpu.memory_space<vmem_shared>>
      %dma_start3A_464 = arith.constant 0 : i32
      %dma_start3A_465 = tpu.memref_slice %arg23[%add3A_99, %dma_start3A_464] : memref<10000x128xf32, #tpu.memory_space<vmem_shared>> -> memref<65x128xf32, #tpu.memory_space<vmem_shared>>
      %dma_start3A_466 = arith.constant 0 : i32
      %dma_start3A_467 = arith.constant 0 : i32
      %dma_start3A_468 = tpu.memref_slice %arg19[%dma_start3A_466, %dma_start3A_467] : memref<80x128xf32, #tpu.memory_space<vmem>> -> memref<65x128xf32, #tpu.memory_space<vmem>>
      tpu.enqueue_dma source(%dma_start3A_468 : memref<65x128xf32, #tpu.memory_space<vmem>>) target(%dma_start3A_465 : memref<65x128xf32, #tpu.memory_space<vmem_shared>>) target_semaphore(%run_scoped3A : memref<!tpu.dma_semaphore, #tpu.memory_space<semaphore_mem>>)
      %dma_wait3A_469 = arith.constant 0 : i32
      %dma_wait3A_470 = arith.constant 0 : i32
      %dma_wait3A_471 = tpu.memref_slice %arg19[%dma_wait3A_469, %dma_wait3A_470] : memref<80x128xf32, #tpu.memory_space<vmem>> -> memref<65x128xf32, #tpu.memory_space<vmem>>
      %dma_wait3A_472 = arith.constant 0 : i32
      %dma_wait3A_473 = tpu.memref_slice %arg23[%add3A_99, %dma_wait3A_472] : memref<10000x128xf32, #tpu.memory_space<vmem_shared>> -> memref<65x128xf32, #tpu.memory_space<vmem_shared>>
      %dma_wait3A_474 = arith.constant 0 : i32
      %dma_wait3A_475 = tpu.memref_slice %arg23[%add3A_99, %dma_wait3A_474] : memref<10000x128xf32, #tpu.memory_space<vmem_shared>> -> memref<65x128xf32, #tpu.memory_space<vmem_shared>>
      %dma_wait3A_476 = arith.constant 0 : i32
      %dma_wait3A_477 = arith.constant 0 : i32
      %dma_wait3A_478 = tpu.memref_slice %arg19[%dma_wait3A_476, %dma_wait3A_477] : memref<80x128xf32, #tpu.memory_space<vmem>> -> memref<65x128xf32, #tpu.memory_space<vmem>>
      tpu.wait_dma2 semaphore(%run_scoped3A : memref<!tpu.dma_semaphore, #tpu.memory_space<semaphore_mem>>) src(%dma_wait3A_478 : memref<65x128xf32, #tpu.memory_space<vmem>>) dst(%dma_wait3A_475 : memref<65x128xf32, #tpu.memory_space<vmem_shared>>)
      tpu.yield
    }) : () -> ()
    %barrier3A = arith.constant 0 : index
    tpu.barrier barrier_id(%barrier3A)
    %broadcast_in_dim3A_100 = arith.constant 1.000000e+00 : f32
    %broadcast_in_dim3A_101 = vector.broadcast %broadcast_in_dim3A_100 : f32 to vector<16xf32>
    %mul3A_102 = arith.constant 10000 : i32
    %mul3A_103 = arith.muli %add3A, %mul3A_102 : i32
    %add3A_104 = arith.constant 0 : i32
    %add3A_105 = arith.addi %mul3A_103, %add3A_104 : i32
    %dma_wait3A = arith.constant 0 : i32
    %dma_wait3A_106 = tpu.memref_slice %arg3[%add3A_105] : memref<320000xi32, #tpu.memory_space<hbm>> -> memref<80xi32, #tpu.memory_space<hbm>>
    %dma_wait3A_107 = tpu.memref_slice %arg25[%dma_wait3A] : memref<6x!tpu.dma_semaphore, #tpu.memory_space<semaphore_mem>> -> memref<1x!tpu.dma_semaphore, #tpu.memory_space<semaphore_mem>>
    %dma_wait3A_108 = tpu.memref_squeeze %dma_wait3A_107 : memref<1x!tpu.dma_semaphore, #tpu.memory_space<semaphore_mem>> -> memref<!tpu.dma_semaphore, #tpu.memory_space<semaphore_mem>>
    %dma_wait3A_109 = tpu.memref_slice %arg3[%add3A_105] : memref<320000xi32, #tpu.memory_space<hbm>> -> memref<80xi32, #tpu.memory_space<hbm>>
    tpu.wait_dma2 semaphore(%dma_wait3A_108 : memref<!tpu.dma_semaphore, #tpu.memory_space<semaphore_mem>>) src(%dma_wait3A_109 : memref<80xi32, #tpu.memory_space<hbm>>) dst(%arg7 : memref<80xi32, #tpu.memory_space<vmem>>)
    %dma_wait3A_110 = arith.constant 0 : i32
    %dma_wait3A_111 = tpu.memref_slice %arg4[%add3A_105] : memref<320000xi32, #tpu.memory_space<hbm>> -> memref<80xi32, #tpu.memory_space<hbm>>
    %dma_wait3A_112 = tpu.memref_slice %arg25[%dma_wait3A_110] : memref<6x!tpu.dma_semaphore, #tpu.memory_space<semaphore_mem>> -> memref<1x!tpu.dma_semaphore, #tpu.memory_space<semaphore_mem>>
    %dma_wait3A_113 = tpu.memref_squeeze %dma_wait3A_112 : memref<1x!tpu.dma_semaphore, #tpu.memory_space<semaphore_mem>> -> memref<!tpu.dma_semaphore, #tpu.memory_space<semaphore_mem>>
    %dma_wait3A_114 = tpu.memref_slice %arg4[%add3A_105] : memref<320000xi32, #tpu.memory_space<hbm>> -> memref<80xi32, #tpu.memory_space<hbm>>
    tpu.wait_dma2 semaphore(%dma_wait3A_113 : memref<!tpu.dma_semaphore, #tpu.memory_space<semaphore_mem>>) src(%dma_wait3A_114 : memref<80xi32, #tpu.memory_space<hbm>>) dst(%arg13 : memref<80xi32, #tpu.memory_space<vmem>>)
    %dma_start3A_115 = arith.constant 0 : i32
    %dma_start3A_116 = arith.constant 0 : i32
    %dma_start3A_117 = arith.constant 0 : i32
    %dma_start3A_118 = tpu.memref_slice %arg2[%dma_start3A_116, %dma_start3A_117] : memref<10000x128xf32, #tpu.memory_space<hbm>> -> memref<10000x128xf32, #tpu.memory_space<hbm>>
    %dma_start3A_119 = tpu.memref_slice %arg24[%dma_start3A_115] : memref<3x!tpu.dma_semaphore, #tpu.memory_space<semaphore_mem>> -> memref<1x!tpu.dma_semaphore, #tpu.memory_space<semaphore_mem>>
    %dma_start3A_120 = tpu.memref_squeeze %dma_start3A_119 : memref<1x!tpu.dma_semaphore, #tpu.memory_space<semaphore_mem>> -> memref<!tpu.dma_semaphore, #tpu.memory_space<semaphore_mem>>
    tpu.enqueue_indirect_dma source(%dma_start3A_118 : memref<10000x128xf32, #tpu.memory_space<hbm>>) target(%arg19 : memref<80x128xf32, #tpu.memory_space<vmem>>) offsets(%arg7 : memref<80xi32, #tpu.memory_space<vmem>>) semaphore(%dma_start3A_120 : memref<!tpu.dma_semaphore, #tpu.memory_space<semaphore_mem>>)
    %mul3A_121 = arith.constant 10000 : i32
    %mul3A_122 = arith.muli %add3A, %mul3A_121 : i32
    %add3A_123 = arith.constant 80 : i32
    %add3A_124 = arith.addi %mul3A_122, %add3A_123 : i32
    %dma_wait3A_125 = arith.constant 1 : i32
    %dma_wait3A_126 = tpu.memref_slice %arg3[%add3A_124] : memref<320000xi32, #tpu.memory_space<hbm>> -> memref<80xi32, #tpu.memory_space<hbm>>
    %dma_wait3A_127 = tpu.memref_slice %arg25[%dma_wait3A_125] : memref<6x!tpu.dma_semaphore, #tpu.memory_space<semaphore_mem>> -> memref<1x!tpu.dma_semaphore, #tpu.memory_space<semaphore_mem>>
    %dma_wait3A_128 = tpu.memref_squeeze %dma_wait3A_127 : memref<1x!tpu.dma_semaphore, #tpu.memory_space<semaphore_mem>> -> memref<!tpu.dma_semaphore, #tpu.memory_space<semaphore_mem>>
    %dma_wait3A_129 = tpu.memref_slice %arg3[%add3A_124] : memref<320000xi32, #tpu.memory_space<hbm>> -> memref<80xi32, #tpu.memory_space<hbm>>
    tpu.wait_dma2 semaphore(%dma_wait3A_128 : memref<!tpu.dma_semaphore, #tpu.memory_space<semaphore_mem>>) src(%dma_wait3A_129 : memref<80xi32, #tpu.memory_space<hbm>>) dst(%arg8 : memref<80xi32, #tpu.memory_space<vmem>>)
    %dma_wait3A_130 = arith.constant 1 : i32
    %dma_wait3A_131 = tpu.memref_slice %arg4[%add3A_124] : memref<320000xi32, #tpu.memory_space<hbm>> -> memref<80xi32, #tpu.memory_space<hbm>>
    %dma_wait3A_132 = tpu.memref_slice %arg25[%dma_wait3A_130] : memref<6x!tpu.dma_semaphore, #tpu.memory_space<semaphore_mem>> -> memref<1x!tpu.dma_semaphore, #tpu.memory_space<semaphore_mem>>
    %dma_wait3A_133 = tpu.memref_squeeze %dma_wait3A_132 : memref<1x!tpu.dma_semaphore, #tpu.memory_space<semaphore_mem>> -> memref<!tpu.dma_semaphore, #tpu.memory_space<semaphore_mem>>
    %dma_wait3A_134 = tpu.memref_slice %arg4[%add3A_124] : memref<320000xi32, #tpu.memory_space<hbm>> -> memref<80xi32, #tpu.memory_space<hbm>>
    tpu.wait_dma2 semaphore(%dma_wait3A_133 : memref<!tpu.dma_semaphore, #tpu.memory_space<semaphore_mem>>) src(%dma_wait3A_134 : memref<80xi32, #tpu.memory_space<hbm>>) dst(%arg14 : memref<80xi32, #tpu.memory_space<vmem>>)
    %dma_start3A_135 = arith.constant 1 : i32
    %dma_start3A_136 = arith.constant 0 : i32
    %dma_start3A_137 = arith.constant 0 : i32
    %dma_start3A_138 = tpu.memref_slice %arg2[%dma_start3A_136, %dma_start3A_137] : memref<10000x128xf32, #tpu.memory_space<hbm>> -> memref<10000x128xf32, #tpu.memory_space<hbm>>
    %dma_start3A_139 = tpu.memref_slice %arg24[%dma_start3A_135] : memref<3x!tpu.dma_semaphore, #tpu.memory_space<semaphore_mem>> -> memref<1x!tpu.dma_semaphore, #tpu.memory_space<semaphore_mem>>
    %dma_start3A_140 = tpu.memref_squeeze %dma_start3A_139 : memref<1x!tpu.dma_semaphore, #tpu.memory_space<semaphore_mem>> -> memref<!tpu.dma_semaphore, #tpu.memory_space<semaphore_mem>>
    tpu.enqueue_indirect_dma source(%dma_start3A_138 : memref<10000x128xf32, #tpu.memory_space<hbm>>) target(%arg20 : memref<80x128xf32, #tpu.memory_space<vmem>>) offsets(%arg8 : memref<80xi32, #tpu.memory_space<vmem>>) semaphore(%dma_start3A_140 : memref<!tpu.dma_semaphore, #tpu.memory_space<semaphore_mem>>)
    %mul3A_141 = arith.constant 10000 : i32
    %mul3A_142 = arith.muli %add3A, %mul3A_141 : i32
    %add3A_143 = arith.constant 160 : i32
    %add3A_144 = arith.addi %mul3A_142, %add3A_143 : i32
    %dma_wait3A_145 = arith.constant 2 : i32
    %dma_wait3A_146 = tpu.memref_slice %arg3[%add3A_144] : memref<320000xi32, #tpu.memory_space<hbm>> -> memref<80xi32, #tpu.memory_space<hbm>>
    %dma_wait3A_147 = tpu.memref_slice %arg25[%dma_wait3A_145] : memref<6x!tpu.dma_semaphore, #tpu.memory_space<semaphore_mem>> -> memref<1x!tpu.dma_semaphore, #tpu.memory_space<semaphore_mem>>
    %dma_wait3A_148 = tpu.memref_squeeze %dma_wait3A_147 : memref<1x!tpu.dma_semaphore, #tpu.memory_space<semaphore_mem>> -> memref<!tpu.dma_semaphore, #tpu.memory_space<semaphore_mem>>
    %dma_wait3A_149 = tpu.memref_slice %arg3[%add3A_144] : memref<320000xi32, #tpu.memory_space<hbm>> -> memref<80xi32, #tpu.memory_space<hbm>>
    tpu.wait_dma2 semaphore(%dma_wait3A_148 : memref<!tpu.dma_semaphore, #tpu.memory_space<semaphore_mem>>) src(%dma_wait3A_149 : memref<80xi32, #tpu.memory_space<hbm>>) dst(%arg9 : memref<80xi32, #tpu.memory_space<vmem>>)
    %dma_wait3A_150 = arith.constant 2 : i32
    %dma_wait3A_151 = tpu.memref_slice %arg4[%add3A_144] : memref<320000xi32, #tpu.memory_space<hbm>> -> memref<80xi32, #tpu.memory_space<hbm>>
    %dma_wait3A_152 = tpu.memref_slice %arg25[%dma_wait3A_150] : memref<6x!tpu.dma_semaphore, #tpu.memory_space<semaphore_mem>> -> memref<1x!tpu.dma_semaphore, #tpu.memory_space<semaphore_mem>>
    %dma_wait3A_153 = tpu.memref_squeeze %dma_wait3A_152 : memref<1x!tpu.dma_semaphore, #tpu.memory_space<semaphore_mem>> -> memref<!tpu.dma_semaphore, #tpu.memory_space<semaphore_mem>>
    %dma_wait3A_154 = tpu.memref_slice %arg4[%add3A_144] : memref<320000xi32, #tpu.memory_space<hbm>> -> memref<80xi32, #tpu.memory_space<hbm>>
    tpu.wait_dma2 semaphore(%dma_wait3A_153 : memref<!tpu.dma_semaphore, #tpu.memory_space<semaphore_mem>>) src(%dma_wait3A_154 : memref<80xi32, #tpu.memory_space<hbm>>) dst(%arg15 : memref<80xi32, #tpu.memory_space<vmem>>)
    %dma_start3A_155 = arith.constant 2 : i32
    %dma_start3A_156 = arith.constant 0 : i32
    %dma_start3A_157 = arith.constant 0 : i32
    %dma_start3A_158 = tpu.memref_slice %arg2[%dma_start3A_156, %dma_start3A_157] : memref<10000x128xf32, #tpu.memory_space<hbm>> -> memref<10000x128xf32, #tpu.memory_space<hbm>>
    %dma_start3A_159 = tpu.memref_slice %arg24[%dma_start3A_155] : memref<3x!tpu.dma_semaphore, #tpu.memory_space<semaphore_mem>> -> memref<1x!tpu.dma_semaphore, #tpu.memory_space<semaphore_mem>>
    %dma_start3A_160 = tpu.memref_squeeze %dma_start3A_159 : memref<1x!tpu.dma_semaphore, #tpu.memory_space<semaphore_mem>> -> memref<!tpu.dma_semaphore, #tpu.memory_space<semaphore_mem>>
    tpu.enqueue_indirect_dma source(%dma_start3A_158 : memref<10000x128xf32, #tpu.memory_space<hbm>>) target(%arg21 : memref<80x128xf32, #tpu.memory_space<vmem>>) offsets(%arg9 : memref<80xi32, #tpu.memory_space<vmem>>) semaphore(%dma_start3A_160 : memref<!tpu.dma_semaphore, #tpu.memory_space<semaphore_mem>>)
    %dma_wait3A_161 = arith.constant 0 : i32
    %dma_wait3A_162 = arith.constant 0 : i32
    %dma_wait3A_163 = arith.constant 0 : i32
    %dma_wait3A_164 = tpu.memref_slice %arg2[%dma_wait3A_162, %dma_wait3A_163] : memref<10000x128xf32, #tpu.memory_space<hbm>> -> memref<10000x128xf32, #tpu.memory_space<hbm>>
    %dma_wait3A_165 = tpu.memref_slice %arg24[%dma_wait3A_161] : memref<3x!tpu.dma_semaphore, #tpu.memory_space<semaphore_mem>> -> memref<1x!tpu.dma_semaphore, #tpu.memory_space<semaphore_mem>>
    %dma_wait3A_166 = tpu.memref_squeeze %dma_wait3A_165 : memref<1x!tpu.dma_semaphore, #tpu.memory_space<semaphore_mem>> -> memref<!tpu.dma_semaphore, #tpu.memory_space<semaphore_mem>>
    tpu.wait_indirect_dma semaphore(%dma_wait3A_166 : memref<!tpu.dma_semaphore, #tpu.memory_space<semaphore_mem>>) src(%dma_wait3A_164 : memref<10000x128xf32, #tpu.memory_space<hbm>>) dst(%arg19 : memref<80x128xf32, #tpu.memory_space<vmem>>)
    %dma_start3A_167 = arith.constant 0 : i32
    %dma_start3A_168 = arith.constant 0 : i32
    %dma_start3A_169 = arith.constant 0 : i32
    %dma_start3A_170 = tpu.memref_slice %arg23[%dma_start3A_168, %dma_start3A_169] : memref<10000x128xf32, #tpu.memory_space<vmem_shared>> -> memref<10000x128xf32, #tpu.memory_space<vmem_shared>>
    %dma_start3A_171 = tpu.memref_slice %arg26[%dma_start3A_167] : memref<3x!tpu.dma_semaphore, #tpu.memory_space<semaphore_mem>> -> memref<1x!tpu.dma_semaphore, #tpu.memory_space<semaphore_mem>>
    %dma_start3A_172 = tpu.memref_squeeze %dma_start3A_171 : memref<1x!tpu.dma_semaphore, #tpu.memory_space<semaphore_mem>> -> memref<!tpu.dma_semaphore, #tpu.memory_space<semaphore_mem>>
    tpu.enqueue_indirect_dma source(%arg19 : memref<80x128xf32, #tpu.memory_space<vmem>>) target(%dma_start3A_170 : memref<10000x128xf32, #tpu.memory_space<vmem_shared>>) offsets(%arg13 : memref<80xi32, #tpu.memory_space<vmem>>) semaphore(%dma_start3A_172 : memref<!tpu.dma_semaphore, #tpu.memory_space<semaphore_mem>>) {add = true}
    %get3A = arith.constant 0 : index
    %get3A_173 = tpu.vector_load %arg13[%get3A] {strides = array<i32>} : memref<80xi32, #tpu.memory_space<vmem>>, vector<16xi32>,
    tpu.vector_store_idx %arg22[%get3A_173], %broadcast_in_dim3A_101 {add = true} : memref<10000xf32, #tpu.memory_space<vmem>>[vector<16xi32>], vector<16xf32>,
    %get3A_174 = arith.constant 16 : index
    %get3A_175 = tpu.vector_load %arg13[%get3A_174] {strides = array<i32>} : memref<80xi32, #tpu.memory_space<vmem>>, vector<16xi32>,
    tpu.vector_store_idx %arg22[%get3A_175], %broadcast_in_dim3A_101 {add = true} : memref<10000xf32, #tpu.memory_space<vmem>>[vector<16xi32>], vector<16xf32>,
    %get3A_176 = arith.constant 32 : index
    %get3A_177 = tpu.vector_load %arg13[%get3A_176] {strides = array<i32>} : memref<80xi32, #tpu.memory_space<vmem>>, vector<16xi32>,
    tpu.vector_store_idx %arg22[%get3A_177], %broadcast_in_dim3A_101 {add = true} : memref<10000xf32, #tpu.memory_space<vmem>>[vector<16xi32>], vector<16xf32>,
    %get3A_178 = arith.constant 48 : index
    %get3A_179 = tpu.vector_load %arg13[%get3A_178] {strides = array<i32>} : memref<80xi32, #tpu.memory_space<vmem>>, vector<16xi32>,
    tpu.vector_store_idx %arg22[%get3A_179], %broadcast_in_dim3A_101 {add = true} : memref<10000xf32, #tpu.memory_space<vmem>>[vector<16xi32>], vector<16xf32>,
    %get3A_180 = arith.constant 64 : index
    %get3A_181 = tpu.vector_load %arg13[%get3A_180] {strides = array<i32>} : memref<80xi32, #tpu.memory_space<vmem>>, vector<16xi32>,
    tpu.vector_store_idx %arg22[%get3A_181], %broadcast_in_dim3A_101 {add = true} : memref<10000xf32, #tpu.memory_space<vmem>>[vector<16xi32>], vector<16xf32>,
    %mul3A_182 = arith.constant 10000 : i32
    %mul3A_183 = arith.muli %add3A, %mul3A_182 : i32
    %add3A_184 = arith.constant 320 : i32
    %add3A_185 = arith.addi %mul3A_183, %add3A_184 : i32
    %dma_start3A_186 = arith.constant 4 : i32
    %dma_start3A_187 = tpu.memref_slice %arg3[%add3A_185] : memref<320000xi32, #tpu.memory_space<hbm>> -> memref<80xi32, #tpu.memory_space<hbm>>
    %dma_start3A_188 = tpu.memref_slice %arg25[%dma_start3A_186] : memref<6x!tpu.dma_semaphore, #tpu.memory_space<semaphore_mem>> -> memref<1x!tpu.dma_semaphore, #tpu.memory_space<semaphore_mem>>
    %dma_start3A_189 = tpu.memref_squeeze %dma_start3A_188 : memref<1x!tpu.dma_semaphore, #tpu.memory_space<semaphore_mem>> -> memref<!tpu.dma_semaphore, #tpu.memory_space<semaphore_mem>>
    %dma_start3A_190 = tpu.memref_slice %arg3[%add3A_185] : memref<320000xi32, #tpu.memory_space<hbm>> -> memref<80xi32, #tpu.memory_space<hbm>>
    tpu.enqueue_dma source(%dma_start3A_190 : memref<80xi32, #tpu.memory_space<hbm>>) target(%arg11 : memref<80xi32, #tpu.memory_space<vmem>>) target_semaphore(%dma_start3A_189 : memref<!tpu.dma_semaphore, #tpu.memory_space<semaphore_mem>>)
    %dma_start3A_191 = arith.constant 4 : i32
    %dma_start3A_192 = tpu.memref_slice %arg4[%add3A_185] : memref<320000xi32, #tpu.memory_space<hbm>> -> memref<80xi32, #tpu.memory_space<hbm>>
    %dma_start3A_193 = tpu.memref_slice %arg25[%dma_start3A_191] : memref<6x!tpu.dma_semaphore, #tpu.memory_space<semaphore_mem>> -> memref<1x!tpu.dma_semaphore, #tpu.memory_space<semaphore_mem>>
    %dma_start3A_194 = tpu.memref_squeeze %dma_start3A_193 : memref<1x!tpu.dma_semaphore, #tpu.memory_space<semaphore_mem>> -> memref<!tpu.dma_semaphore, #tpu.memory_space<semaphore_mem>>
    %dma_start3A_195 = tpu.memref_slice %arg4[%add3A_185] : memref<320000xi32, #tpu.memory_space<hbm>> -> memref<80xi32, #tpu.memory_space<hbm>>
    tpu.enqueue_dma source(%dma_start3A_195 : memref<80xi32, #tpu.memory_space<hbm>>) target(%arg17 : memref<80xi32, #tpu.memory_space<vmem>>) target_semaphore(%dma_start3A_194 : memref<!tpu.dma_semaphore, #tpu.memory_space<semaphore_mem>>)
    %dma_wait3A_196 = arith.constant 0 : i32
    %dma_wait3A_197 = arith.constant 0 : i32
    %dma_wait3A_198 = arith.constant 0 : i32
    %dma_wait3A_199 = tpu.memref_slice %arg23[%dma_wait3A_197, %dma_wait3A_198] : memref<10000x128xf32, #tpu.memory_space<vmem_shared>> -> memref<10000x128xf32, #tpu.memory_space<vmem_shared>>
    %dma_wait3A_200 = tpu.memref_slice %arg26[%dma_wait3A_196] : memref<3x!tpu.dma_semaphore, #tpu.memory_space<semaphore_mem>> -> memref<1x!tpu.dma_semaphore, #tpu.memory_space<semaphore_mem>>
    %dma_wait3A_201 = tpu.memref_squeeze %dma_wait3A_200 : memref<1x!tpu.dma_semaphore, #tpu.memory_space<semaphore_mem>> -> memref<!tpu.dma_semaphore, #tpu.memory_space<semaphore_mem>>
    tpu.wait_indirect_dma semaphore(%dma_wait3A_201 : memref<!tpu.dma_semaphore, #tpu.memory_space<semaphore_mem>>) src(%arg19 : memref<80x128xf32, #tpu.memory_space<vmem>>) dst(%dma_wait3A_199 : memref<10000x128xf32, #tpu.memory_space<vmem_shared>>)
    %mul3A_202 = arith.constant 10000 : i32
    %mul3A_203 = arith.muli %add3A, %mul3A_202 : i32
    %add3A_204 = arith.constant 240 : i32
    %add3A_205 = arith.addi %mul3A_203, %add3A_204 : i32
    %dma_wait3A_206 = arith.constant 3 : i32
    %dma_wait3A_207 = tpu.memref_slice %arg3[%add3A_205] : memref<320000xi32, #tpu.memory_space<hbm>> -> memref<80xi32, #tpu.memory_space<hbm>>
    %dma_wait3A_208 = tpu.memref_slice %arg25[%dma_wait3A_206] : memref<6x!tpu.dma_semaphore, #tpu.memory_space<semaphore_mem>> -> memref<1x!tpu.dma_semaphore, #tpu.memory_space<semaphore_mem>>
    %dma_wait3A_209 = tpu.memref_squeeze %dma_wait3A_208 : memref<1x!tpu.dma_semaphore, #tpu.memory_space<semaphore_mem>> -> memref<!tpu.dma_semaphore, #tpu.memory_space<semaphore_mem>>
    %dma_wait3A_210 = tpu.memref_slice %arg3[%add3A_205] : memref<320000xi32, #tpu.memory_space<hbm>> -> memref<80xi32, #tpu.memory_space<hbm>>
    tpu.wait_dma2 semaphore(%dma_wait3A_209 : memref<!tpu.dma_semaphore, #tpu.memory_space<semaphore_mem>>) src(%dma_wait3A_210 : memref<80xi32, #tpu.memory_space<hbm>>) dst(%arg10 : memref<80xi32, #tpu.memory_space<vmem>>)
    %dma_wait3A_211 = arith.constant 3 : i32
    %dma_wait3A_212 = tpu.memref_slice %arg4[%add3A_205] : memref<320000xi32, #tpu.memory_space<hbm>> -> memref<80xi32, #tpu.memory_space<hbm>>
    %dma_wait3A_213 = tpu.memref_slice %arg25[%dma_wait3A_211] : memref<6x!tpu.dma_semaphore, #tpu.memory_space<semaphore_mem>> -> memref<1x!tpu.dma_semaphore, #tpu.memory_space<semaphore_mem>>
    %dma_wait3A_214 = tpu.memref_squeeze %dma_wait3A_213 : memref<1x!tpu.dma_semaphore, #tpu.memory_space<semaphore_mem>> -> memref<!tpu.dma_semaphore, #tpu.memory_space<semaphore_mem>>
    %dma_wait3A_215 = tpu.memref_slice %arg4[%add3A_205] : memref<320000xi32, #tpu.memory_space<hbm>> -> memref<80xi32, #tpu.memory_space<hbm>>
    tpu.wait_dma2 semaphore(%dma_wait3A_214 : memref<!tpu.dma_semaphore, #tpu.memory_space<semaphore_mem>>) src(%dma_wait3A_215 : memref<80xi32, #tpu.memory_space<hbm>>) dst(%arg16 : memref<80xi32, #tpu.memory_space<vmem>>)
    %dma_start3A_216 = arith.constant 0 : i32
    %dma_start3A_217 = arith.constant 0 : i32
    %dma_start3A_218 = arith.constant 0 : i32
    %dma_start3A_219 = tpu.memref_slice %arg2[%dma_start3A_217, %dma_start3A_218] : memref<10000x128xf32, #tpu.memory_space<hbm>> -> memref<10000x128xf32, #tpu.memory_space<hbm>>
    %dma_start3A_220 = tpu.memref_slice %arg24[%dma_start3A_216] : memref<3x!tpu.dma_semaphore, #tpu.memory_space<semaphore_mem>> -> memref<1x!tpu.dma_semaphore, #tpu.memory_space<semaphore_mem>>
    %dma_start3A_221 = tpu.memref_squeeze %dma_start3A_220 : memref<1x!tpu.dma_semaphore, #tpu.memory_space<semaphore_mem>> -> memref<!tpu.dma_semaphore, #tpu.memory_space<semaphore_mem>>
    tpu.enqueue_indirect_dma source(%dma_start3A_219 : memref<10000x128xf32, #tpu.memory_space<hbm>>) target(%arg19 : memref<80x128xf32, #tpu.memory_space<vmem>>) offsets(%arg10 : memref<80xi32, #tpu.memory_space<vmem>>) semaphore(%dma_start3A_221 : memref<!tpu.dma_semaphore, #tpu.memory_space<semaphore_mem>>)
    %dma_wait3A_222 = arith.constant 1 : i32
    %dma_wait3A_223 = arith.constant 0 : i32
    %dma_wait3A_224 = arith.constant 0 : i32
    %dma_wait3A_225 = tpu.memref_slice %arg2[%dma_wait3A_223, %dma_wait3A_224] : memref<10000x128xf32, #tpu.memory_space<hbm>> -> memref<10000x128xf32, #tpu.memory_space<hbm>>
    %dma_wait3A_226 = tpu.memref_slice %arg24[%dma_wait3A_222] : memref<3x!tpu.dma_semaphore, #tpu.memory_space<semaphore_mem>> -> memref<1x!tpu.dma_semaphore, #tpu.memory_space<semaphore_mem>>
    %dma_wait3A_227 = tpu.memref_squeeze %dma_wait3A_226 : memref<1x!tpu.dma_semaphore, #tpu.memory_space<semaphore_mem>> -> memref<!tpu.dma_semaphore, #tpu.memory_space<semaphore_mem>>
    tpu.wait_indirect_dma semaphore(%dma_wait3A_227 : memref<!tpu.dma_semaphore, #tpu.memory_space<semaphore_mem>>) src(%dma_wait3A_225 : memref<10000x128xf32, #tpu.memory_space<hbm>>) dst(%arg20 : memref<80x128xf32, #tpu.memory_space<vmem>>)
    %dma_start3A_228 = arith.constant 1 : i32
    %dma_start3A_229 = arith.constant 0 : i32
    %dma_start3A_230 = arith.constant 0 : i32
    %dma_start3A_231 = tpu.memref_slice %arg23[%dma_start3A_229, %dma_start3A_230] : memref<10000x128xf32, #tpu.memory_space<vmem_shared>> -> memref<10000x128xf32, #tpu.memory_space<vmem_shared>>
    %dma_start3A_232 = tpu.memref_slice %arg26[%dma_start3A_228] : memref<3x!tpu.dma_semaphore, #tpu.memory_space<semaphore_mem>> -> memref<1x!tpu.dma_semaphore, #tpu.memory_space<semaphore_mem>>
    %dma_start3A_233 = tpu.memref_squeeze %dma_start3A_232 : memref<1x!tpu.dma_semaphore, #tpu.memory_space<semaphore_mem>> -> memref<!tpu.dma_semaphore, #tpu.memory_space<semaphore_mem>>
    tpu.enqueue_indirect_dma source(%arg20 : memref<80x128xf32, #tpu.memory_space<vmem>>) target(%dma_start3A_231 : memref<10000x128xf32, #tpu.memory_space<vmem_shared>>) offsets(%arg14 : memref<80xi32, #tpu.memory_space<vmem>>) semaphore(%dma_start3A_233 : memref<!tpu.dma_semaphore, #tpu.memory_space<semaphore_mem>>) {add = true}
    %get3A_234 = arith.constant 0 : index
    %get3A_235 = tpu.vector_load %arg14[%get3A_234] {strides = array<i32>} : memref<80xi32, #tpu.memory_space<vmem>>, vector<16xi32>,
    tpu.vector_store_idx %arg22[%get3A_235], %broadcast_in_dim3A_101 {add = true} : memref<10000xf32, #tpu.memory_space<vmem>>[vector<16xi32>], vector<16xf32>,
    %get3A_236 = arith.constant 16 : index
    %get3A_237 = tpu.vector_load %arg14[%get3A_236] {strides = array<i32>} : memref<80xi32, #tpu.memory_space<vmem>>, vector<16xi32>,
    tpu.vector_store_idx %arg22[%get3A_237], %broadcast_in_dim3A_101 {add = true} : memref<10000xf32, #tpu.memory_space<vmem>>[vector<16xi32>], vector<16xf32>,
    %get3A_238 = arith.constant 32 : index
    %get3A_239 = tpu.vector_load %arg14[%get3A_238] {strides = array<i32>} : memref<80xi32, #tpu.memory_space<vmem>>, vector<16xi32>,
    tpu.vector_store_idx %arg22[%get3A_239], %broadcast_in_dim3A_101 {add = true} : memref<10000xf32, #tpu.memory_space<vmem>>[vector<16xi32>], vector<16xf32>,
    %get3A_240 = arith.constant 48 : index
    %get3A_241 = tpu.vector_load %arg14[%get3A_240] {strides = array<i32>} : memref<80xi32, #tpu.memory_space<vmem>>, vector<16xi32>,
    tpu.vector_store_idx %arg22[%get3A_241], %broadcast_in_dim3A_101 {add = true} : memref<10000xf32, #tpu.memory_space<vmem>>[vector<16xi32>], vector<16xf32>,
    %get3A_242 = arith.constant 64 : index
    %get3A_243 = tpu.vector_load %arg14[%get3A_242] {strides = array<i32>} : memref<80xi32, #tpu.memory_space<vmem>>, vector<16xi32>,
    tpu.vector_store_idx %arg22[%get3A_243], %broadcast_in_dim3A_101 {add = true} : memref<10000xf32, #tpu.memory_space<vmem>>[vector<16xi32>], vector<16xf32>,
    %mul3A_244 = arith.constant 10000 : i32
    %mul3A_245 = arith.muli %add3A, %mul3A_244 : i32
    %add3A_246 = arith.constant 400 : i32
    %add3A_247 = arith.addi %mul3A_245, %add3A_246 : i32
    %dma_start3A_248 = arith.constant 5 : i32
    %dma_start3A_249 = tpu.memref_slice %arg3[%add3A_247] : memref<320000xi32, #tpu.memory_space<hbm>> -> memref<80xi32, #tpu.memory_space<hbm>>
    %dma_start3A_250 = tpu.memref_slice %arg25[%dma_start3A_248] : memref<6x!tpu.dma_semaphore, #tpu.memory_space<semaphore_mem>> -> memref<1x!tpu.dma_semaphore, #tpu.memory_space<semaphore_mem>>
    %dma_start3A_251 = tpu.memref_squeeze %dma_start3A_250 : memref<1x!tpu.dma_semaphore, #tpu.memory_space<semaphore_mem>> -> memref<!tpu.dma_semaphore, #tpu.memory_space<semaphore_mem>>
    %dma_start3A_252 = tpu.memref_slice %arg3[%add3A_247] : memref<320000xi32, #tpu.memory_space<hbm>> -> memref<80xi32, #tpu.memory_space<hbm>>
    tpu.enqueue_dma source(%dma_start3A_252 : memref<80xi32, #tpu.memory_space<hbm>>) target(%arg12 : memref<80xi32, #tpu.memory_space<vmem>>) target_semaphore(%dma_start3A_251 : memref<!tpu.dma_semaphore, #tpu.memory_space<semaphore_mem>>)
    %dma_start3A_253 = arith.constant 5 : i32
    %dma_start3A_254 = tpu.memref_slice %arg4[%add3A_247] : memref<320000xi32, #tpu.memory_space<hbm>> -> memref<80xi32, #tpu.memory_space<hbm>>
    %dma_start3A_255 = tpu.memref_slice %arg25[%dma_start3A_253] : memref<6x!tpu.dma_semaphore, #tpu.memory_space<semaphore_mem>> -> memref<1x!tpu.dma_semaphore, #tpu.memory_space<semaphore_mem>>
    %dma_start3A_256 = tpu.memref_squeeze %dma_start3A_255 : memref<1x!tpu.dma_semaphore, #tpu.memory_space<semaphore_mem>> -> memref<!tpu.dma_semaphore, #tpu.memory_space<semaphore_mem>>
    %dma_start3A_257 = tpu.memref_slice %arg4[%add3A_247] : memref<320000xi32, #tpu.memory_space<hbm>> -> memref<80xi32, #tpu.memory_space<hbm>>
    tpu.enqueue_dma source(%dma_start3A_257 : memref<80xi32, #tpu.memory_space<hbm>>) target(%arg18 : memref<80xi32, #tpu.memory_space<vmem>>) target_semaphore(%dma_start3A_256 : memref<!tpu.dma_semaphore, #tpu.memory_space<semaphore_mem>>)
    %dma_wait3A_258 = arith.constant 1 : i32
    %dma_wait3A_259 = arith.constant 0 : i32
    %dma_wait3A_260 = arith.constant 0 : i32
    %dma_wait3A_261 = tpu.memref_slice %arg23[%dma_wait3A_259, %dma_wait3A_260] : memref<10000x128xf32, #tpu.memory_space<vmem_shared>> -> memref<10000x128xf32, #tpu.memory_space<vmem_shared>>
    %dma_wait3A_262 = tpu.memref_slice %arg26[%dma_wait3A_258] : memref<3x!tpu.dma_semaphore, #tpu.memory_space<semaphore_mem>> -> memref<1x!tpu.dma_semaphore, #tpu.memory_space<semaphore_mem>>
    %dma_wait3A_263 = tpu.memref_squeeze %dma_wait3A_262 : memref<1x!tpu.dma_semaphore, #tpu.memory_space<semaphore_mem>> -> memref<!tpu.dma_semaphore, #tpu.memory_space<semaphore_mem>>
    tpu.wait_indirect_dma semaphore(%dma_wait3A_263 : memref<!tpu.dma_semaphore, #tpu.memory_space<semaphore_mem>>) src(%arg20 : memref<80x128xf32, #tpu.memory_space<vmem>>) dst(%dma_wait3A_261 : memref<10000x128xf32, #tpu.memory_space<vmem_shared>>)
    %mul3A_264 = arith.constant 10000 : i32
    %mul3A_265 = arith.muli %add3A, %mul3A_264 : i32
    %add3A_266 = arith.constant 320 : i32
    %add3A_267 = arith.addi %mul3A_265, %add3A_266 : i32
    %dma_wait3A_268 = arith.constant 4 : i32
    %dma_wait3A_269 = tpu.memref_slice %arg3[%add3A_267] : memref<320000xi32, #tpu.memory_space<hbm>> -> memref<80xi32, #tpu.memory_space<hbm>>
    %dma_wait3A_270 = tpu.memref_slice %arg25[%dma_wait3A_268] : memref<6x!tpu.dma_semaphore, #tpu.memory_space<semaphore_mem>> -> memref<1x!tpu.dma_semaphore, #tpu.memory_space<semaphore_mem>>
    %dma_wait3A_271 = tpu.memref_squeeze %dma_wait3A_270 : memref<1x!tpu.dma_semaphore, #tpu.memory_space<semaphore_mem>> -> memref<!tpu.dma_semaphore, #tpu.memory_space<semaphore_mem>>
    %dma_wait3A_272 = tpu.memref_slice %arg3[%add3A_267] : memref<320000xi32, #tpu.memory_space<hbm>> -> memref<80xi32, #tpu.memory_space<hbm>>
    tpu.wait_dma2 semaphore(%dma_wait3A_271 : memref<!tpu.dma_semaphore, #tpu.memory_space<semaphore_mem>>) src(%dma_wait3A_272 : memref<80xi32, #tpu.memory_space<hbm>>) dst(%arg11 : memref<80xi32, #tpu.memory_space<vmem>>)
    %dma_wait3A_273 = arith.constant 4 : i32
    %dma_wait3A_274 = tpu.memref_slice %arg4[%add3A_267] : memref<320000xi32, #tpu.memory_space<hbm>> -> memref<80xi32, #tpu.memory_space<hbm>>
    %dma_wait3A_275 = tpu.memref_slice %arg25[%dma_wait3A_273] : memref<6x!tpu.dma_semaphore, #tpu.memory_space<semaphore_mem>> -> memref<1x!tpu.dma_semaphore, #tpu.memory_space<semaphore_mem>>
    %dma_wait3A_276 = tpu.memref_squeeze %dma_wait3A_275 : memref<1x!tpu.dma_semaphore, #tpu.memory_space<semaphore_mem>> -> memref<!tpu.dma_semaphore, #tpu.memory_space<semaphore_mem>>
    %dma_wait3A_277 = tpu.memref_slice %arg4[%add3A_267] : memref<320000xi32, #tpu.memory_space<hbm>> -> memref<80xi32, #tpu.memory_space<hbm>>
    tpu.wait_dma2 semaphore(%dma_wait3A_276 : memref<!tpu.dma_semaphore, #tpu.memory_space<semaphore_mem>>) src(%dma_wait3A_277 : memref<80xi32, #tpu.memory_space<hbm>>) dst(%arg17 : memref<80xi32, #tpu.memory_space<vmem>>)
    %dma_start3A_278 = arith.constant 1 : i32
    %dma_start3A_279 = arith.constant 0 : i32
    %dma_start3A_280 = arith.constant 0 : i32
    %dma_start3A_281 = tpu.memref_slice %arg2[%dma_start3A_279, %dma_start3A_280] : memref<10000x128xf32, #tpu.memory_space<hbm>> -> memref<10000x128xf32, #tpu.memory_space<hbm>>
    %dma_start3A_282 = tpu.memref_slice %arg24[%dma_start3A_278] : memref<3x!tpu.dma_semaphore, #tpu.memory_space<semaphore_mem>> -> memref<1x!tpu.dma_semaphore, #tpu.memory_space<semaphore_mem>>
    %dma_start3A_283 = tpu.memref_squeeze %dma_start3A_282 : memref<1x!tpu.dma_semaphore, #tpu.memory_space<semaphore_mem>> -> memref<!tpu.dma_semaphore, #tpu.memory_space<semaphore_mem>>
    tpu.enqueue_indirect_dma source(%dma_start3A_281 : memref<10000x128xf32, #tpu.memory_space<hbm>>) target(%arg20 : memref<80x128xf32, #tpu.memory_space<vmem>>) offsets(%arg11 : memref<80xi32, #tpu.memory_space<vmem>>) semaphore(%dma_start3A_283 : memref<!tpu.dma_semaphore, #tpu.memory_space<semaphore_mem>>)
    %dma_wait3A_284 = arith.constant 2 : i32
    %dma_wait3A_285 = arith.constant 0 : i32
    %dma_wait3A_286 = arith.constant 0 : i32
    %dma_wait3A_287 = tpu.memref_slice %arg2[%dma_wait3A_285, %dma_wait3A_286] : memref<10000x128xf32, #tpu.memory_space<hbm>> -> memref<10000x128xf32, #tpu.memory_space<hbm>>
    %dma_wait3A_288 = tpu.memref_slice %arg24[%dma_wait3A_284] : memref<3x!tpu.dma_semaphore, #tpu.memory_space<semaphore_mem>> -> memref<1x!tpu.dma_semaphore, #tpu.memory_space<semaphore_mem>>
    %dma_wait3A_289 = tpu.memref_squeeze %dma_wait3A_288 : memref<1x!tpu.dma_semaphore, #tpu.memory_space<semaphore_mem>> -> memref<!tpu.dma_semaphore, #tpu.memory_space<semaphore_mem>>
    tpu.wait_indirect_dma semaphore(%dma_wait3A_289 : memref<!tpu.dma_semaphore, #tpu.memory_space<semaphore_mem>>) src(%dma_wait3A_287 : memref<10000x128xf32, #tpu.memory_space<hbm>>) dst(%arg21 : memref<80x128xf32, #tpu.memory_space<vmem>>)
    %dma_start3A_290 = arith.constant 2 : i32
    %dma_start3A_291 = arith.constant 0 : i32
    %dma_start3A_292 = arith.constant 0 : i32
    %dma_start3A_293 = tpu.memref_slice %arg23[%dma_start3A_291, %dma_start3A_292] : memref<10000x128xf32, #tpu.memory_space<vmem_shared>> -> memref<10000x128xf32, #tpu.memory_space<vmem_shared>>
    %dma_start3A_294 = tpu.memref_slice %arg26[%dma_start3A_290] : memref<3x!tpu.dma_semaphore, #tpu.memory_space<semaphore_mem>> -> memref<1x!tpu.dma_semaphore, #tpu.memory_space<semaphore_mem>>
    %dma_start3A_295 = tpu.memref_squeeze %dma_start3A_294 : memref<1x!tpu.dma_semaphore, #tpu.memory_space<semaphore_mem>> -> memref<!tpu.dma_semaphore, #tpu.memory_space<semaphore_mem>>
    tpu.enqueue_indirect_dma source(%arg21 : memref<80x128xf32, #tpu.memory_space<vmem>>) target(%dma_start3A_293 : memref<10000x128xf32, #tpu.memory_space<vmem_shared>>) offsets(%arg15 : memref<80xi32, #tpu.memory_space<vmem>>) semaphore(%dma_start3A_295 : memref<!tpu.dma_semaphore, #tpu.memory_space<semaphore_mem>>) {add = true}
    %get3A_296 = arith.constant 0 : index
    %get3A_297 = tpu.vector_load %arg15[%get3A_296] {strides = array<i32>} : memref<80xi32, #tpu.memory_space<vmem>>, vector<16xi32>,
    tpu.vector_store_idx %arg22[%get3A_297], %broadcast_in_dim3A_101 {add = true} : memref<10000xf32, #tpu.memory_space<vmem>>[vector<16xi32>], vector<16xf32>,
    %get3A_298 = arith.constant 16 : index
    %get3A_299 = tpu.vector_load %arg15[%get3A_298] {strides = array<i32>} : memref<80xi32, #tpu.memory_space<vmem>>, vector<16xi32>,
    tpu.vector_store_idx %arg22[%get3A_299], %broadcast_in_dim3A_101 {add = true} : memref<10000xf32, #tpu.memory_space<vmem>>[vector<16xi32>], vector<16xf32>,
    %get3A_300 = arith.constant 32 : index
    %get3A_301 = tpu.vector_load %arg15[%get3A_300] {strides = array<i32>} : memref<80xi32, #tpu.memory_space<vmem>>, vector<16xi32>,
    tpu.vector_store_idx %arg22[%get3A_301], %broadcast_in_dim3A_101 {add = true} : memref<10000xf32, #tpu.memory_space<vmem>>[vector<16xi32>], vector<16xf32>,
    %get3A_302 = arith.constant 48 : index
    %get3A_303 = tpu.vector_load %arg15[%get3A_302] {strides = array<i32>} : memref<80xi32, #tpu.memory_space<vmem>>, vector<16xi32>,
    tpu.vector_store_idx %arg22[%get3A_303], %broadcast_in_dim3A_101 {add = true} : memref<10000xf32, #tpu.memory_space<vmem>>[vector<16xi32>], vector<16xf32>,
    %get3A_304 = arith.constant 64 : index
    %get3A_305 = tpu.vector_load %arg15[%get3A_304] {strides = array<i32>} : memref<80xi32, #tpu.memory_space<vmem>>, vector<16xi32>,
    tpu.vector_store_idx %arg22[%get3A_305], %broadcast_in_dim3A_101 {add = true} : memref<10000xf32, #tpu.memory_space<vmem>>[vector<16xi32>], vector<16xf32>,
    %mul3A_306 = arith.constant 10000 : i32
    %mul3A_307 = arith.muli %add3A, %mul3A_306 : i32
    %add3A_308 = arith.constant 480 : i32
    %add3A_309 = arith.addi %mul3A_307, %add3A_308 : i32
    %dma_start3A_310 = arith.constant 0 : i32
    %dma_start3A_311 = tpu.memref_slice %arg3[%add3A_309] : memref<320000xi32, #tpu.memory_space<hbm>> -> memref<80xi32, #tpu.memory_space<hbm>>
    %dma_start3A_312 = tpu.memref_slice %arg25[%dma_start3A_310] : memref<6x!tpu.dma_semaphore, #tpu.memory_space<semaphore_mem>> -> memref<1x!tpu.dma_semaphore, #tpu.memory_space<semaphore_mem>>
    %dma_start3A_313 = tpu.memref_squeeze %dma_start3A_312 : memref<1x!tpu.dma_semaphore, #tpu.memory_space<semaphore_mem>> -> memref<!tpu.dma_semaphore, #tpu.memory_space<semaphore_mem>>
    %dma_start3A_314 = tpu.memref_slice %arg3[%add3A_309] : memref<320000xi32, #tpu.memory_space<hbm>> -> memref<80xi32, #tpu.memory_space<hbm>>
    tpu.enqueue_dma source(%dma_start3A_314 : memref<80xi32, #tpu.memory_space<hbm>>) target(%arg7 : memref<80xi32, #tpu.memory_space<vmem>>) target_semaphore(%dma_start3A_313 : memref<!tpu.dma_semaphore, #tpu.memory_space<semaphore_mem>>)
    %dma_start3A_315 = arith.constant 0 : i32
    %dma_start3A_316 = tpu.memref_slice %arg4[%add3A_309] : memref<320000xi32, #tpu.memory_space<hbm>> -> memref<80xi32, #tpu.memory_space<hbm>>
    %dma_start3A_317 = tpu.memref_slice %arg25[%dma_start3A_315] : memref<6x!tpu.dma_semaphore, #tpu.memory_space<semaphore_mem>> -> memref<1x!tpu.dma_semaphore, #tpu.memory_space<semaphore_mem>>
    %dma_start3A_318 = tpu.memref_squeeze %dma_start3A_317 : memref<1x!tpu.dma_semaphore, #tpu.memory_space<semaphore_mem>> -> memref<!tpu.dma_semaphore, #tpu.memory_space<semaphore_mem>>
    %dma_start3A_319 = tpu.memref_slice %arg4[%add3A_309] : memref<320000xi32, #tpu.memory_space<hbm>> -> memref<80xi32, #tpu.memory_space<hbm>>
    tpu.enqueue_dma source(%dma_start3A_319 : memref<80xi32, #tpu.memory_space<hbm>>) target(%arg13 : memref<80xi32, #tpu.memory_space<vmem>>) target_semaphore(%dma_start3A_318 : memref<!tpu.dma_semaphore, #tpu.memory_space<semaphore_mem>>)
    %dma_wait3A_320 = arith.constant 2 : i32
    %dma_wait3A_321 = arith.constant 0 : i32
    %dma_wait3A_322 = arith.constant 0 : i32
    %dma_wait3A_323 = tpu.memref_slice %arg23[%dma_wait3A_321, %dma_wait3A_322] : memref<10000x128xf32, #tpu.memory_space<vmem_shared>> -> memref<10000x128xf32, #tpu.memory_space<vmem_shared>>
    %dma_wait3A_324 = tpu.memref_slice %arg26[%dma_wait3A_320] : memref<3x!tpu.dma_semaphore, #tpu.memory_space<semaphore_mem>> -> memref<1x!tpu.dma_semaphore, #tpu.memory_space<semaphore_mem>>
    %dma_wait3A_325 = tpu.memref_squeeze %dma_wait3A_324 : memref<1x!tpu.dma_semaphore, #tpu.memory_space<semaphore_mem>> -> memref<!tpu.dma_semaphore, #tpu.memory_space<semaphore_mem>>
    tpu.wait_indirect_dma semaphore(%dma_wait3A_325 : memref<!tpu.dma_semaphore, #tpu.memory_space<semaphore_mem>>) src(%arg21 : memref<80x128xf32, #tpu.memory_space<vmem>>) dst(%dma_wait3A_323 : memref<10000x128xf32, #tpu.memory_space<vmem_shared>>)
    %mul3A_326 = arith.constant 10000 : i32
    %mul3A_327 = arith.muli %add3A, %mul3A_326 : i32
    %add3A_328 = arith.constant 400 : i32
    %add3A_329 = arith.addi %mul3A_327, %add3A_328 : i32
    %dma_wait3A_330 = arith.constant 5 : i32
    %dma_wait3A_331 = tpu.memref_slice %arg3[%add3A_329] : memref<320000xi32, #tpu.memory_space<hbm>> -> memref<80xi32, #tpu.memory_space<hbm>>
    %dma_wait3A_332 = tpu.memref_slice %arg25[%dma_wait3A_330] : memref<6x!tpu.dma_semaphore, #tpu.memory_space<semaphore_mem>> -> memref<1x!tpu.dma_semaphore, #tpu.memory_space<semaphore_mem>>
    %dma_wait3A_333 = tpu.memref_squeeze %dma_wait3A_332 : memref<1x!tpu.dma_semaphore, #tpu.memory_space<semaphore_mem>> -> memref<!tpu.dma_semaphore, #tpu.memory_space<semaphore_mem>>
    %dma_wait3A_334 = tpu.memref_slice %arg3[%add3A_329] : memref<320000xi32, #tpu.memory_space<hbm>> -> memref<80xi32, #tpu.memory_space<hbm>>
    tpu.wait_dma2 semaphore(%dma_wait3A_333 : memref<!tpu.dma_semaphore, #tpu.memory_space<semaphore_mem>>) src(%dma_wait3A_334 : memref<80xi32, #tpu.memory_space<hbm>>) dst(%arg12 : memref<80xi32, #tpu.memory_space<vmem>>)
    %dma_wait3A_335 = arith.constant 5 : i32
    %dma_wait3A_336 = tpu.memref_slice %arg4[%add3A_329] : memref<320000xi32, #tpu.memory_space<hbm>> -> memref<80xi32, #tpu.memory_space<hbm>>
    %dma_wait3A_337 = tpu.memref_slice %arg25[%dma_wait3A_335] : memref<6x!tpu.dma_semaphore, #tpu.memory_space<semaphore_mem>> -> memref<1x!tpu.dma_semaphore, #tpu.memory_space<semaphore_mem>>
    %dma_wait3A_338 = tpu.memref_squeeze %dma_wait3A_337 : memref<1x!tpu.dma_semaphore, #tpu.memory_space<semaphore_mem>> -> memref<!tpu.dma_semaphore, #tpu.memory_space<semaphore_mem>>
    %dma_wait3A_339 = tpu.memref_slice %arg4[%add3A_329] : memref<320000xi32, #tpu.memory_space<hbm>> -> memref<80xi32, #tpu.memory_space<hbm>>
    tpu.wait_dma2 semaphore(%dma_wait3A_338 : memref<!tpu.dma_semaphore, #tpu.memory_space<semaphore_mem>>) src(%dma_wait3A_339 : memref<80xi32, #tpu.memory_space<hbm>>) dst(%arg18 : memref<80xi32, #tpu.memory_space<vmem>>)
    %dma_start3A_340 = arith.constant 2 : i32
    %dma_start3A_341 = arith.constant 0 : i32
    %dma_start3A_342 = arith.constant 0 : i32
    %dma_start3A_343 = tpu.memref_slice %arg2[%dma_start3A_341, %dma_start3A_342] : memref<10000x128xf32, #tpu.memory_space<hbm>> -> memref<10000x128xf32, #tpu.memory_space<hbm>>
    %dma_start3A_344 = tpu.memref_slice %arg24[%dma_start3A_340] : memref<3x!tpu.dma_semaphore, #tpu.memory_space<semaphore_mem>> -> memref<1x!tpu.dma_semaphore, #tpu.memory_space<semaphore_mem>>
    %dma_start3A_345 = tpu.memref_squeeze %dma_start3A_344 : memref<1x!tpu.dma_semaphore, #tpu.memory_space<semaphore_mem>> -> memref<!tpu.dma_semaphore, #tpu.memory_space<semaphore_mem>>
    tpu.enqueue_indirect_dma source(%dma_start3A_343 : memref<10000x128xf32, #tpu.memory_space<hbm>>) target(%arg21 : memref<80x128xf32, #tpu.memory_space<vmem>>) offsets(%arg12 : memref<80xi32, #tpu.memory_space<vmem>>) semaphore(%dma_start3A_345 : memref<!tpu.dma_semaphore, #tpu.memory_space<semaphore_mem>>)
    %dma_wait3A_346 = arith.constant 0 : i32
    %dma_wait3A_347 = arith.constant 0 : i32
    %dma_wait3A_348 = arith.constant 0 : i32
    %dma_wait3A_349 = tpu.memref_slice %arg2[%dma_wait3A_347, %dma_wait3A_348] : memref<10000x128xf32, #tpu.memory_space<hbm>> -> memref<10000x128xf32, #tpu.memory_space<hbm>>
    %dma_wait3A_350 = tpu.memref_slice %arg24[%dma_wait3A_346] : memref<3x!tpu.dma_semaphore, #tpu.memory_space<semaphore_mem>> -> memref<1x!tpu.dma_semaphore, #tpu.memory_space<semaphore_mem>>
    %dma_wait3A_351 = tpu.memref_squeeze %dma_wait3A_350 : memref<1x!tpu.dma_semaphore, #tpu.memory_space<semaphore_mem>> -> memref<!tpu.dma_semaphore, #tpu.memory_space<semaphore_mem>>
    tpu.wait_indirect_dma semaphore(%dma_wait3A_351 : memref<!tpu.dma_semaphore, #tpu.memory_space<semaphore_mem>>) src(%dma_wait3A_349 : memref<10000x128xf32, #tpu.memory_space<hbm>>) dst(%arg19 : memref<80x128xf32, #tpu.memory_space<vmem>>)
    %dma_start3A_352 = arith.constant 0 : i32
    %dma_start3A_353 = arith.constant 0 : i32
    %dma_start3A_354 = arith.constant 0 : i32
    %dma_start3A_355 = tpu.memref_slice %arg23[%dma_start3A_353, %dma_start3A_354] : memref<10000x128xf32, #tpu.memory_space<vmem_shared>> -> memref<10000x128xf32, #tpu.memory_space<vmem_shared>>
    %dma_start3A_356 = tpu.memref_slice %arg26[%dma_start3A_352] : memref<3x!tpu.dma_semaphore, #tpu.memory_space<semaphore_mem>> -> memref<1x!tpu.dma_semaphore, #tpu.memory_space<semaphore_mem>>
    %dma_start3A_357 = tpu.memref_squeeze %dma_start3A_356 : memref<1x!tpu.dma_semaphore, #tpu.memory_space<semaphore_mem>> -> memref<!tpu.dma_semaphore, #tpu.memory_space<semaphore_mem>>
    tpu.enqueue_indirect_dma source(%arg19 : memref<80x128xf32, #tpu.memory_space<vmem>>) target(%dma_start3A_355 : memref<10000x128xf32, #tpu.memory_space<vmem_shared>>) offsets(%arg16 : memref<80xi32, #tpu.memory_space<vmem>>) semaphore(%dma_start3A_357 : memref<!tpu.dma_semaphore, #tpu.memory_space<semaphore_mem>>) {add = true}
    %get3A_358 = arith.constant 0 : index
    %get3A_359 = tpu.vector_load %arg16[%get3A_358] {strides = array<i32>} : memref<80xi32, #tpu.memory_space<vmem>>, vector<16xi32>,
    tpu.vector_store_idx %arg22[%get3A_359], %broadcast_in_dim3A_101 {add = true} : memref<10000xf32, #tpu.memory_space<vmem>>[vector<16xi32>], vector<16xf32>,
    %get3A_360 = arith.constant 16 : index
    %get3A_361 = tpu.vector_load %arg16[%get3A_360] {strides = array<i32>} : memref<80xi32, #tpu.memory_space<vmem>>, vector<16xi32>,
    tpu.vector_store_idx %arg22[%get3A_361], %broadcast_in_dim3A_101 {add = true} : memref<10000xf32, #tpu.memory_space<vmem>>[vector<16xi32>], vector<16xf32>,
    %get3A_362 = arith.constant 32 : index
    %get3A_363 = tpu.vector_load %arg16[%get3A_362] {strides = array<i32>} : memref<80xi32, #tpu.memory_space<vmem>>, vector<16xi32>,
    tpu.vector_store_idx %arg22[%get3A_363], %broadcast_in_dim3A_101 {add = true} : memref<10000xf32, #tpu.memory_space<vmem>>[vector<16xi32>], vector<16xf32>,
    %get3A_364 = arith.constant 48 : index
    %get3A_365 = tpu.vector_load %arg16[%get3A_364] {strides = array<i32>} : memref<80xi32, #tpu.memory_space<vmem>>, vector<16xi32>,
    tpu.vector_store_idx %arg22[%get3A_365], %broadcast_in_dim3A_101 {add = true} : memref<10000xf32, #tpu.memory_space<vmem>>[vector<16xi32>], vector<16xf32>,
    %get3A_366 = arith.constant 64 : index
    %get3A_367 = tpu.vector_load %arg16[%get3A_366] {strides = array<i32>} : memref<80xi32, #tpu.memory_space<vmem>>, vector<16xi32>,
    tpu.vector_store_idx %arg22[%get3A_367], %broadcast_in_dim3A_101 {add = true} : memref<10000xf32, #tpu.memory_space<vmem>>[vector<16xi32>], vector<16xf32>,
    %mul3A_368 = arith.constant 10000 : i32
    %mul3A_369 = arith.muli %add3A, %mul3A_368 : i32
    %add3A_370 = arith.constant 560 : i32
    %add3A_371 = arith.addi %mul3A_369, %add3A_370 : i32
    %dma_start3A_372 = arith.constant 1 : i32
    %dma_start3A_373 = tpu.memref_slice %arg3[%add3A_371] : memref<320000xi32, #tpu.memory_space<hbm>> -> memref<80xi32, #tpu.memory_space<hbm>>
    %dma_start3A_374 = tpu.memref_slice %arg25[%dma_start3A_372] : memref<6x!tpu.dma_semaphore, #tpu.memory_space<semaphore_mem>> -> memref<1x!tpu.dma_semaphore, #tpu.memory_space<semaphore_mem>>
    %dma_start3A_375 = tpu.memref_squeeze %dma_start3A_374 : memref<1x!tpu.dma_semaphore, #tpu.memory_space<semaphore_mem>> -> memref<!tpu.dma_semaphore, #tpu.memory_space<semaphore_mem>>
    %dma_start3A_376 = tpu.memref_slice %arg3[%add3A_371] : memref<320000xi32, #tpu.memory_space<hbm>> -> memref<80xi32, #tpu.memory_space<hbm>>
    tpu.enqueue_dma source(%dma_start3A_376 : memref<80xi32, #tpu.memory_space<hbm>>) target(%arg8 : memref<80xi32, #tpu.memory_space<vmem>>) target_semaphore(%dma_start3A_375 : memref<!tpu.dma_semaphore, #tpu.memory_space<semaphore_mem>>)
    %dma_start3A_377 = arith.constant 1 : i32
    %dma_start3A_378 = tpu.memref_slice %arg4[%add3A_371] : memref<320000xi32, #tpu.memory_space<hbm>> -> memref<80xi32, #tpu.memory_space<hbm>>
    %dma_start3A_379 = tpu.memref_slice %arg25[%dma_start3A_377] : memref<6x!tpu.dma_semaphore, #tpu.memory_space<semaphore_mem>> -> memref<1x!tpu.dma_semaphore, #tpu.memory_space<semaphore_mem>>
    %dma_start3A_380 = tpu.memref_squeeze %dma_start3A_379 : memref<1x!tpu.dma_semaphore, #tpu.memory_space<semaphore_mem>> -> memref<!tpu.dma_semaphore, #tpu.memory_space<semaphore_mem>>
    %dma_start3A_381 = tpu.memref_slice %arg4[%add3A_371] : memref<320000xi32, #tpu.memory_space<hbm>> -> memref<80xi32, #tpu.memory_space<hbm>>
    tpu.enqueue_dma source(%dma_start3A_381 : memref<80xi32, #tpu.memory_space<hbm>>) target(%arg14 : memref<80xi32, #tpu.memory_space<vmem>>) target_semaphore(%dma_start3A_380 : memref<!tpu.dma_semaphore, #tpu.memory_space<semaphore_mem>>)
    %dma_wait3A_382 = arith.constant 0 : i32
    %dma_wait3A_383 = arith.constant 0 : i32
    %dma_wait3A_384 = arith.constant 0 : i32
    %dma_wait3A_385 = tpu.memref_slice %arg23[%dma_wait3A_383, %dma_wait3A_384] : memref<10000x128xf32, #tpu.memory_space<vmem_shared>> -> memref<10000x128xf32, #tpu.memory_space<vmem_shared>>
    %dma_wait3A_386 = tpu.memref_slice %arg26[%dma_wait3A_382] : memref<3x!tpu.dma_semaphore, #tpu.memory_space<semaphore_mem>> -> memref<1x!tpu.dma_semaphore, #tpu.memory_space<semaphore_mem>>
    %dma_wait3A_387 = tpu.memref_squeeze %dma_wait3A_386 : memref<1x!tpu.dma_semaphore, #tpu.memory_space<semaphore_mem>> -> memref<!tpu.dma_semaphore, #tpu.memory_space<semaphore_mem>>
    tpu.wait_indirect_dma semaphore(%dma_wait3A_387 : memref<!tpu.dma_semaphore, #tpu.memory_space<semaphore_mem>>) src(%arg19 : memref<80x128xf32, #tpu.memory_space<vmem>>) dst(%dma_wait3A_385 : memref<10000x128xf32, #tpu.memory_space<vmem_shared>>)
    %mul3A_388 = arith.constant 10000 : i32
    %mul3A_389 = arith.muli %add3A, %mul3A_388 : i32
    %add3A_390 = arith.constant 480 : i32
    %add3A_391 = arith.addi %mul3A_389, %add3A_390 : i32
    %dma_wait3A_392 = arith.constant 0 : i32
    %dma_wait3A_393 = tpu.memref_slice %arg3[%add3A_391] : memref<320000xi32, #tpu.memory_space<hbm>> -> memref<80xi32, #tpu.memory_space<hbm>>
    %dma_wait3A_394 = tpu.memref_slice %arg25[%dma_wait3A_392] : memref<6x!tpu.dma_semaphore, #tpu.memory_space<semaphore_mem>> -> memref<1x!tpu.dma_semaphore, #tpu.memory_space<semaphore_mem>>
    %dma_wait3A_395 = tpu.memref_squeeze %dma_wait3A_394 : memref<1x!tpu.dma_semaphore, #tpu.memory_space<semaphore_mem>> -> memref<!tpu.dma_semaphore, #tpu.memory_space<semaphore_mem>>
    %dma_wait3A_396 = tpu.memref_slice %arg3[%add3A_391] : memref<320000xi32, #tpu.memory_space<hbm>> -> memref<80xi32, #tpu.memory_space<hbm>>
    tpu.wait_dma2 semaphore(%dma_wait3A_395 : memref<!tpu.dma_semaphore, #tpu.memory_space<semaphore_mem>>) src(%dma_wait3A_396 : memref<80xi32, #tpu.memory_space<hbm>>) dst(%arg7 : memref<80xi32, #tpu.memory_space<vmem>>)
    %dma_wait3A_397 = arith.constant 0 : i32
    %dma_wait3A_398 = tpu.memref_slice %arg4[%add3A_391] : memref<320000xi32, #tpu.memory_space<hbm>> -> memref<80xi32, #tpu.memory_space<hbm>>
    %dma_wait3A_399 = tpu.memref_slice %arg25[%dma_wait3A_397] : memref<6x!tpu.dma_semaphore, #tpu.memory_space<semaphore_mem>> -> memref<1x!tpu.dma_semaphore, #tpu.memory_space<semaphore_mem>>
    %dma_wait3A_400 = tpu.memref_squeeze %dma_wait3A_399 : memref<1x!tpu.dma_semaphore, #tpu.memory_space<semaphore_mem>> -> memref<!tpu.dma_semaphore, #tpu.memory_space<semaphore_mem>>
    %dma_wait3A_401 = tpu.memref_slice %arg4[%add3A_391] : memref<320000xi32, #tpu.memory_space<hbm>> -> memref<80xi32, #tpu.memory_space<hbm>>
    tpu.wait_dma2 semaphore(%dma_wait3A_400 : memref<!tpu.dma_semaphore, #tpu.memory_space<semaphore_mem>>) src(%dma_wait3A_401 : memref<80xi32, #tpu.memory_space<hbm>>) dst(%arg13 : memref<80xi32, #tpu.memory_space<vmem>>)
    %dma_start3A_402 = arith.constant 0 : i32
    %dma_start3A_403 = arith.constant 0 : i32
    %dma_start3A_404 = arith.constant 0 : i32
    %dma_start3A_405 = tpu.memref_slice %arg2[%dma_start3A_403, %dma_start3A_404] : memref<10000x128xf32, #tpu.memory_space<hbm>> -> memref<10000x128xf32, #tpu.memory_space<hbm>>
    %dma_start3A_406 = tpu.memref_slice %arg24[%dma_start3A_402] : memref<3x!tpu.dma_semaphore, #tpu.memory_space<semaphore_mem>> -> memref<1x!tpu.dma_semaphore, #tpu.memory_space<semaphore_mem>>
    %dma_start3A_407 = tpu.memref_squeeze %dma_start3A_406 : memref<1x!tpu.dma_semaphore, #tpu.memory_space<semaphore_mem>> -> memref<!tpu.dma_semaphore, #tpu.memory_space<semaphore_mem>>
    tpu.enqueue_indirect_dma source(%dma_start3A_405 : memref<10000x128xf32, #tpu.memory_space<hbm>>) target(%arg19 : memref<80x128xf32, #tpu.memory_space<vmem>>) offsets(%arg7 : memref<80xi32, #tpu.memory_space<vmem>>) semaphore(%dma_start3A_407 : memref<!tpu.dma_semaphore, #tpu.memory_space<semaphore_mem>>)
    %dma_wait3A_408 = arith.constant 1 : i32
    %dma_wait3A_409 = arith.constant 0 : i32
    %dma_wait3A_410 = arith.constant 0 : i32
    %dma_wait3A_411 = tpu.memref_slice %arg2[%dma_wait3A_409, %dma_wait3A_410] : memref<10000x128xf32, #tpu.memory_space<hbm>> -> memref<10000x128xf32, #tpu.memory_space<hbm>>
    %dma_wait3A_412 = tpu.memref_slice %arg24[%dma_wait3A_408] : memref<3x!tpu.dma_semaphore, #tpu.memory_space<semaphore_mem>> -> memref<1x!tpu.dma_semaphore, #tpu.memory_space<semaphore_mem>>
    %dma_wait3A_413 = tpu.memref_squeeze %dma_wait3A_412 : memref<1x!tpu.dma_semaphore, #tpu.memory_space<semaphore_mem>> -> memref<!tpu.dma_semaphore, #tpu.memory_space<semaphore_mem>>
    tpu.wait_indirect_dma semaphore(%dma_wait3A_413 : memref<!tpu.dma_semaphore, #tpu.memory_space<semaphore_mem>>) src(%dma_wait3A_411 : memref<10000x128xf32, #tpu.memory_space<hbm>>) dst(%arg20 : memref<80x128xf32, #tpu.memory_space<vmem>>)
    %dma_start3A_414 = arith.constant 1 : i32
    %dma_start3A_415 = arith.constant 0 : i32
    %dma_start3A_416 = arith.constant 0 : i32
    %dma_start3A_417 = tpu.memref_slice %arg23[%dma_start3A_415, %dma_start3A_416] : memref<10000x128xf32, #tpu.memory_space<vmem_shared>> -> memref<10000x128xf32, #tpu.memory_space<vmem_shared>>
    %dma_start3A_418 = tpu.memref_slice %arg26[%dma_start3A_414] : memref<3x!tpu.dma_semaphore, #tpu.memory_space<semaphore_mem>> -> memref<1x!tpu.dma_semaphore, #tpu.memory_space<semaphore_mem>>
    %dma_start3A_419 = tpu.memref_squeeze %dma_start3A_418 : memref<1x!tpu.dma_semaphore, #tpu.memory_space<semaphore_mem>> -> memref<!tpu.dma_semaphore, #tpu.memory_space<semaphore_mem>>
    tpu.enqueue_indirect_dma source(%arg20 : memref<80x128xf32, #tpu.memory_space<vmem>>) target(%dma_start3A_417 : memref<10000x128xf32, #tpu.memory_space<vmem_shared>>) offsets(%arg17 : memref<80xi32, #tpu.memory_space<vmem>>) semaphore(%dma_start3A_419 : memref<!tpu.dma_semaphore, #tpu.memory_space<semaphore_mem>>) {add = true}
    %get3A_420 = arith.constant 0 : index
    %get3A_421 = tpu.vector_load %arg17[%get3A_420] {strides = array<i32>} : memref<80xi32, #tpu.memory_space<vmem>>, vector<16xi32>,
    tpu.vector_store_idx %arg22[%get3A_421], %broadcast_in_dim3A_101 {add = true} : memref<10000xf32, #tpu.memory_space<vmem>>[vector<16xi32>], vector<16xf32>,
    %get3A_422 = arith.constant 16 : index
    %get3A_423 = tpu.vector_load %arg17[%get3A_422] {strides = array<i32>} : memref<80xi32, #tpu.memory_space<vmem>>, vector<16xi32>,
    tpu.vector_store_idx %arg22[%get3A_423], %broadcast_in_dim3A_101 {add = true} : memref<10000xf32, #tpu.memory_space<vmem>>[vector<16xi32>], vector<16xf32>,
    %get3A_424 = arith.constant 32 : index
    %get3A_425 = tpu.vector_load %arg17[%get3A_424] {strides = array<i32>} : memref<80xi32, #tpu.memory_space<vmem>>, vector<16xi32>,
    tpu.vector_store_idx %arg22[%get3A_425], %broadcast_in_dim3A_101 {add = true} : memref<10000xf32, #tpu.memory_space<vmem>>[vector<16xi32>], vector<16xf32>,
    %get3A_426 = arith.constant 48 : index
    %get3A_427 = tpu.vector_load %arg17[%get3A_426] {strides = array<i32>} : memref<80xi32, #tpu.memory_space<vmem>>, vector<16xi32>,
    tpu.vector_store_idx %arg22[%get3A_427], %broadcast_in_dim3A_101 {add = true} : memref<10000xf32, #tpu.memory_space<vmem>>[vector<16xi32>], vector<16xf32>,
    %get3A_428 = arith.constant 64 : index
    %get3A_429 = tpu.vector_load %arg17[%get3A_428] {strides = array<i32>} : memref<80xi32, #tpu.memory_space<vmem>>, vector<16xi32>,
    tpu.vector_store_idx %arg22[%get3A_429], %broadcast_in_dim3A_101 {add = true} : memref<10000xf32, #tpu.memory_space<vmem>>[vector<16xi32>], vector<16xf32>,
    %mul3A_430 = arith.constant 10000 : i32
    %mul3A_431 = arith.muli %add3A, %mul3A_430 : i32
    %add3A_432 = arith.constant 640 : i32
    %add3A_433 = arith.addi %mul3A_431, %add3A_432 : i32
    %dma_start3A_434 = arith.constant 2 : i32
    %dma_start3A_435 = tpu.memref_slice %arg3[%add3A_433] : memref<320000xi32, #tpu.memory_space<hbm>> -> memref<80xi32, #tpu.memory_space<hbm>>
    %dma_start3A_436 = tpu.memref_slice %arg25[%dma_start3A_434] : memref<6x!tpu.dma_semaphore, #tpu.memory_space<semaphore_mem>> -> memref<1x!tpu.dma_semaphore, #tpu.memory_space<semaphore_mem>>
    %dma_start3A_437 = tpu.memref_squeeze %dma_start3A_436 : memref<1x!tpu.dma_semaphore, #tpu.memory_space<semaphore_mem>> -> memref<!tpu.dma_semaphore, #tpu.memory_space<semaphore_mem>>
    %dma_start3A_438 = tpu.memref_slice %arg3[%add3A_433] : memref<320000xi32, #tpu.memory_space<hbm>> -> memref<80xi32, #tpu.memory_space<hbm>>
    tpu.enqueue_dma source(%dma_start3A_438 : memref<80xi32, #tpu.memory_space<hbm>>) target(%arg9 : memref<80xi32, #tpu.memory_space<vmem>>) target_semaphore(%dma_start3A_437 : memref<!tpu.dma_semaphore, #tpu.memory_space<semaphore_mem>>)
    %dma_start3A_439 = arith.constant 2 : i32
    %dma_start3A_440 = tpu.memref_slice %arg4[%add3A_433] : memref<320000xi32, #tpu.memory_space<hbm>> -> memref<80xi32, #tpu.memory_space<hbm>>
    %dma_start3A_441 = tpu.memref_slice %arg25[%dma_start3A_439] : memref<6x!tpu.dma_semaphore, #tpu.memory_space<semaphore_mem>> -> memref<1x!tpu.dma_semaphore, #tpu.memory_space<semaphore_mem>>
    %dma_start3A_442 = tpu.memref_squeeze %dma_start3A_441 : memref<1x!tpu.dma_semaphore, #tpu.memory_space<semaphore_mem>> -> memref<!tpu.dma_semaphore, #tpu.memory_space<semaphore_mem>>
    %dma_start3A_443 = tpu.memref_slice %arg4[%add3A_433] : memref<320000xi32, #tpu.memory_space<hbm>> -> memref<80xi32, #tpu.memory_space<hbm>>
    tpu.enqueue_dma source(%dma_start3A_443 : memref<80xi32, #tpu.memory_space<hbm>>) target(%arg15 : memref<80xi32, #tpu.memory_space<vmem>>) target_semaphore(%dma_start3A_442 : memref<!tpu.dma_semaphore, #tpu.memory_space<semaphore_mem>>)
    %scan3A_444 = arith.constant 0 : i32
    %scan3A_445 = arith.constant 0 : i32
    %scan3A_446 = arith.constant 20 : i32
    %scan3A_447 = arith.addi %scan3A_445, %scan3A_446 : i32
    %scan3A_448 = arith.constant 1 : i32
    scf.for %scan3A_459 = %scan3A_445 to %scan3A_447 step %scan3A_448  : i32 {
      %mul3A_460 = arith.constant 6 : i32
      %mul3A_461 = arith.muli %mul3A_460, %scan3A_459 : i32
      %add3A_462 = arith.constant 5 : i32
      %add3A_463 = arith.addi %mul3A_461, %add3A_462 : i32
      %add3A_464 = arith.constant 0 : i32
      %add3A_465 = arith.addi %add3A_463, %add3A_464 : i32
      %dma_wait3A_466 = arith.constant 1 : i32
      %dma_wait3A_467 = arith.constant 0 : i32
      %dma_wait3A_468 = arith.constant 0 : i32
      %dma_wait3A_469 = tpu.memref_slice %arg23[%dma_wait3A_467, %dma_wait3A_468] : memref<10000x128xf32, #tpu.memory_space<vmem_shared>> -> memref<10000x128xf32, #tpu.memory_space<vmem_shared>>
      %dma_wait3A_470 = tpu.memref_slice %arg26[%dma_wait3A_466] : memref<3x!tpu.dma_semaphore, #tpu.memory_space<semaphore_mem>> -> memref<1x!tpu.dma_semaphore, #tpu.memory_space<semaphore_mem>>
      %dma_wait3A_471 = tpu.memref_squeeze %dma_wait3A_470 : memref<1x!tpu.dma_semaphore, #tpu.memory_space<semaphore_mem>> -> memref<!tpu.dma_semaphore, #tpu.memory_space<semaphore_mem>>
      tpu.wait_indirect_dma semaphore(%dma_wait3A_471 : memref<!tpu.dma_semaphore, #tpu.memory_space<semaphore_mem>>) src(%arg20 : memref<80x128xf32, #tpu.memory_space<vmem>>) dst(%dma_wait3A_469 : memref<10000x128xf32, #tpu.memory_space<vmem_shared>>)
      %le3A = arith.constant 122 : i32
      %le3A_472 = arith.cmpi sle, %add3A_465, %le3A : i32
      %convert_element_type3A = arith.extui %le3A_472 : i1 to i32
      %cond3A = arith.constant 0 : i32
      %cond3A_473 = arith.cmpi ne, %convert_element_type3A, %cond3A : i32
      scf.if %cond3A_473 {
        %add3A_721 = arith.constant 2 : i32
        %add3A_722 = arith.addi %add3A_465, %add3A_721 : i32
        %mul3A_723 = arith.constant 10000 : i32
        %mul3A_724 = arith.muli %add3A, %mul3A_723 : i32
        %mul3A_725 = arith.constant 80 : i32
        %mul3A_726 = arith.muli %add3A_722, %mul3A_725 : i32
        %add3A_727 = arith.addi %mul3A_724, %mul3A_726 : i32
        %dma_wait3A_728 = arith.constant 1 : i32
        %dma_wait3A_729 = tpu.memref_slice %arg3[%add3A_727] : memref<320000xi32, #tpu.memory_space<hbm>> -> memref<80xi32, #tpu.memory_space<hbm>>
        %dma_wait3A_730 = tpu.memref_slice %arg25[%dma_wait3A_728] : memref<6x!tpu.dma_semaphore, #tpu.memory_space<semaphore_mem>> -> memref<1x!tpu.dma_semaphore, #tpu.memory_space<semaphore_mem>>
        %dma_wait3A_731 = tpu.memref_squeeze %dma_wait3A_730 : memref<1x!tpu.dma_semaphore, #tpu.memory_space<semaphore_mem>> -> memref<!tpu.dma_semaphore, #tpu.memory_space<semaphore_mem>>
        %dma_wait3A_732 = tpu.memref_slice %arg3[%add3A_727] : memref<320000xi32, #tpu.memory_space<hbm>> -> memref<80xi32, #tpu.memory_space<hbm>>
        tpu.wait_dma2 semaphore(%dma_wait3A_731 : memref<!tpu.dma_semaphore, #tpu.memory_space<semaphore_mem>>) src(%dma_wait3A_732 : memref<80xi32, #tpu.memory_space<hbm>>) dst(%arg8 : memref<80xi32, #tpu.memory_space<vmem>>)
        %dma_wait3A_733 = arith.constant 1 : i32
        %dma_wait3A_734 = tpu.memref_slice %arg4[%add3A_727] : memref<320000xi32, #tpu.memory_space<hbm>> -> memref<80xi32, #tpu.memory_space<hbm>>
        %dma_wait3A_735 = tpu.memref_slice %arg25[%dma_wait3A_733] : memref<6x!tpu.dma_semaphore, #tpu.memory_space<semaphore_mem>> -> memref<1x!tpu.dma_semaphore, #tpu.memory_space<semaphore_mem>>
        %dma_wait3A_736 = tpu.memref_squeeze %dma_wait3A_735 : memref<1x!tpu.dma_semaphore, #tpu.memory_space<semaphore_mem>> -> memref<!tpu.dma_semaphore, #tpu.memory_space<semaphore_mem>>
        %dma_wait3A_737 = tpu.memref_slice %arg4[%add3A_727] : memref<320000xi32, #tpu.memory_space<hbm>> -> memref<80xi32, #tpu.memory_space<hbm>>
        tpu.wait_dma2 semaphore(%dma_wait3A_736 : memref<!tpu.dma_semaphore, #tpu.memory_space<semaphore_mem>>) src(%dma_wait3A_737 : memref<80xi32, #tpu.memory_space<hbm>>) dst(%arg14 : memref<80xi32, #tpu.memory_space<vmem>>)
        %dma_start3A_738 = arith.constant 1 : i32
        %dma_start3A_739 = arith.constant 0 : i32
        %dma_start3A_740 = arith.constant 0 : i32
        %dma_start3A_741 = tpu.memref_slice %arg2[%dma_start3A_739, %dma_start3A_740] : memref<10000x128xf32, #tpu.memory_space<hbm>> -> memref<10000x128xf32, #tpu.memory_space<hbm>>
        %dma_start3A_742 = tpu.memref_slice %arg24[%dma_start3A_738] : memref<3x!tpu.dma_semaphore, #tpu.memory_space<semaphore_mem>> -> memref<1x!tpu.dma_semaphore, #tpu.memory_space<semaphore_mem>>
        %dma_start3A_743 = tpu.memref_squeeze %dma_start3A_742 : memref<1x!tpu.dma_semaphore, #tpu.memory_space<semaphore_mem>> -> memref<!tpu.dma_semaphore, #tpu.memory_space<semaphore_mem>>
        tpu.enqueue_indirect_dma source(%dma_start3A_741 : memref<10000x128xf32, #tpu.memory_space<hbm>>) target(%arg20 : memref<80x128xf32, #tpu.memory_space<vmem>>) offsets(%arg8 : memref<80xi32, #tpu.memory_space<vmem>>) semaphore(%dma_start3A_743 : memref<!tpu.dma_semaphore, #tpu.memory_space<semaphore_mem>>)
      } else {
      }
      %dma_wait3A_474 = arith.constant 2 : i32
      %dma_wait3A_475 = arith.constant 0 : i32
      %dma_wait3A_476 = arith.constant 0 : i32
      %dma_wait3A_477 = tpu.memref_slice %arg2[%dma_wait3A_475, %dma_wait3A_476] : memref<10000x128xf32, #tpu.memory_space<hbm>> -> memref<10000x128xf32, #tpu.memory_space<hbm>>
      %dma_wait3A_478 = tpu.memref_slice %arg24[%dma_wait3A_474] : memref<3x!tpu.dma_semaphore, #tpu.memory_space<semaphore_mem>> -> memref<1x!tpu.dma_semaphore, #tpu.memory_space<semaphore_mem>>
      %dma_wait3A_479 = tpu.memref_squeeze %dma_wait3A_478 : memref<1x!tpu.dma_semaphore, #tpu.memory_space<semaphore_mem>> -> memref<!tpu.dma_semaphore, #tpu.memory_space<semaphore_mem>>
      tpu.wait_indirect_dma semaphore(%dma_wait3A_479 : memref<!tpu.dma_semaphore, #tpu.memory_space<semaphore_mem>>) src(%dma_wait3A_477 : memref<10000x128xf32, #tpu.memory_space<hbm>>) dst(%arg21 : memref<80x128xf32, #tpu.memory_space<vmem>>)
      %dma_start3A_480 = arith.constant 2 : i32
      %dma_start3A_481 = arith.constant 0 : i32
      %dma_start3A_482 = arith.constant 0 : i32
      %dma_start3A_483 = tpu.memref_slice %arg23[%dma_start3A_481, %dma_start3A_482] : memref<10000x128xf32, #tpu.memory_space<vmem_shared>> -> memref<10000x128xf32, #tpu.memory_space<vmem_shared>>
      %dma_start3A_484 = tpu.memref_slice %arg26[%dma_start3A_480] : memref<3x!tpu.dma_semaphore, #tpu.memory_space<semaphore_mem>> -> memref<1x!tpu.dma_semaphore, #tpu.memory_space<semaphore_mem>>
      %dma_start3A_485 = tpu.memref_squeeze %dma_start3A_484 : memref<1x!tpu.dma_semaphore, #tpu.memory_space<semaphore_mem>> -> memref<!tpu.dma_semaphore, #tpu.memory_space<semaphore_mem>>
      tpu.enqueue_indirect_dma source(%arg21 : memref<80x128xf32, #tpu.memory_space<vmem>>) target(%dma_start3A_483 : memref<10000x128xf32, #tpu.memory_space<vmem_shared>>) offsets(%arg18 : memref<80xi32, #tpu.memory_space<vmem>>) semaphore(%dma_start3A_485 : memref<!tpu.dma_semaphore, #tpu.memory_space<semaphore_mem>>) {add = true}
      %get3A_486 = arith.constant 0 : index
      %get3A_487 = tpu.vector_load %arg18[%get3A_486] {strides = array<i32>} : memref<80xi32, #tpu.memory_space<vmem>>, vector<16xi32>,
      tpu.vector_store_idx %arg22[%get3A_487], %broadcast_in_dim3A_101 {add = true} : memref<10000xf32, #tpu.memory_space<vmem>>[vector<16xi32>], vector<16xf32>,
      %get3A_488 = arith.constant 16 : index
      %get3A_489 = tpu.vector_load %arg18[%get3A_488] {strides = array<i32>} : memref<80xi32, #tpu.memory_space<vmem>>, vector<16xi32>,
      tpu.vector_store_idx %arg22[%get3A_489], %broadcast_in_dim3A_101 {add = true} : memref<10000xf32, #tpu.memory_space<vmem>>[vector<16xi32>], vector<16xf32>,
      %get3A_490 = arith.constant 32 : index
      %get3A_491 = tpu.vector_load %arg18[%get3A_490] {strides = array<i32>} : memref<80xi32, #tpu.memory_space<vmem>>, vector<16xi32>,
      tpu.vector_store_idx %arg22[%get3A_491], %broadcast_in_dim3A_101 {add = true} : memref<10000xf32, #tpu.memory_space<vmem>>[vector<16xi32>], vector<16xf32>,
      %get3A_492 = arith.constant 48 : index
      %get3A_493 = tpu.vector_load %arg18[%get3A_492] {strides = array<i32>} : memref<80xi32, #tpu.memory_space<vmem>>, vector<16xi32>,
      tpu.vector_store_idx %arg22[%get3A_493], %broadcast_in_dim3A_101 {add = true} : memref<10000xf32, #tpu.memory_space<vmem>>[vector<16xi32>], vector<16xf32>,
      %get3A_494 = arith.constant 64 : index
      %get3A_495 = tpu.vector_load %arg18[%get3A_494] {strides = array<i32>} : memref<80xi32, #tpu.memory_space<vmem>>, vector<16xi32>,
      tpu.vector_store_idx %arg22[%get3A_495], %broadcast_in_dim3A_101 {add = true} : memref<10000xf32, #tpu.memory_space<vmem>>[vector<16xi32>], vector<16xf32>,
      %le3A_496 = arith.constant 120 : i32
      %le3A_497 = arith.cmpi sle, %add3A_465, %le3A_496 : i32
      %convert_element_type3A_498 = arith.extui %le3A_497 : i1 to i32
      %cond3A_499 = arith.constant 0 : i32
      %cond3A_500 = arith.cmpi ne, %convert_element_type3A_498, %cond3A_499 : i32
      scf.if %cond3A_500 {
        %add3A_721 = arith.constant 4 : i32
        %add3A_722 = arith.addi %add3A_465, %add3A_721 : i32
        %mul3A_723 = arith.constant 10000 : i32
        %mul3A_724 = arith.muli %add3A, %mul3A_723 : i32
        %mul3A_725 = arith.constant 80 : i32
        %mul3A_726 = arith.muli %add3A_722, %mul3A_725 : i32
        %add3A_727 = arith.addi %mul3A_724, %mul3A_726 : i32
        %dma_start3A_728 = arith.constant 3 : i32
        %dma_start3A_729 = tpu.memref_slice %arg3[%add3A_727] : memref<320000xi32, #tpu.memory_space<hbm>> -> memref<80xi32, #tpu.memory_space<hbm>>
        %dma_start3A_730 = tpu.memref_slice %arg25[%dma_start3A_728] : memref<6x!tpu.dma_semaphore, #tpu.memory_space<semaphore_mem>> -> memref<1x!tpu.dma_semaphore, #tpu.memory_space<semaphore_mem>>
        %dma_start3A_731 = tpu.memref_squeeze %dma_start3A_730 : memref<1x!tpu.dma_semaphore, #tpu.memory_space<semaphore_mem>> -> memref<!tpu.dma_semaphore, #tpu.memory_space<semaphore_mem>>
        %dma_start3A_732 = tpu.memref_slice %arg3[%add3A_727] : memref<320000xi32, #tpu.memory_space<hbm>> -> memref<80xi32, #tpu.memory_space<hbm>>
        tpu.enqueue_dma source(%dma_start3A_732 : memref<80xi32, #tpu.memory_space<hbm>>) target(%arg10 : memref<80xi32, #tpu.memory_space<vmem>>) target_semaphore(%dma_start3A_731 : memref<!tpu.dma_semaphore, #tpu.memory_space<semaphore_mem>>)
        %dma_start3A_733 = arith.constant 3 : i32
        %dma_start3A_734 = tpu.memref_slice %arg4[%add3A_727] : memref<320000xi32, #tpu.memory_space<hbm>> -> memref<80xi32, #tpu.memory_space<hbm>>
        %dma_start3A_735 = tpu.memref_slice %arg25[%dma_start3A_733] : memref<6x!tpu.dma_semaphore, #tpu.memory_space<semaphore_mem>> -> memref<1x!tpu.dma_semaphore, #tpu.memory_space<semaphore_mem>>
        %dma_start3A_736 = tpu.memref_squeeze %dma_start3A_735 : memref<1x!tpu.dma_semaphore, #tpu.memory_space<semaphore_mem>> -> memref<!tpu.dma_semaphore, #tpu.memory_space<semaphore_mem>>
        %dma_start3A_737 = tpu.memref_slice %arg4[%add3A_727] : memref<320000xi32, #tpu.memory_space<hbm>> -> memref<80xi32, #tpu.memory_space<hbm>>
        tpu.enqueue_dma source(%dma_start3A_737 : memref<80xi32, #tpu.memory_space<hbm>>) target(%arg16 : memref<80xi32, #tpu.memory_space<vmem>>) target_semaphore(%dma_start3A_736 : memref<!tpu.dma_semaphore, #tpu.memory_space<semaphore_mem>>)
      } else {
      }
      %mul3A_501 = arith.constant 6 : i32
      %mul3A_502 = arith.muli %mul3A_501, %scan3A_459 : i32
      %add3A_503 = arith.constant 5 : i32
      %add3A_504 = arith.addi %mul3A_502, %add3A_503 : i32
      %add3A_505 = arith.constant 1 : i32
      %add3A_506 = arith.addi %add3A_504, %add3A_505 : i32
      %dma_wait3A_507 = arith.constant 2 : i32
      %dma_wait3A_508 = arith.constant 0 : i32
      %dma_wait3A_509 = arith.constant 0 : i32
      %dma_wait3A_510 = tpu.memref_slice %arg23[%dma_wait3A_508, %dma_wait3A_509] : memref<10000x128xf32, #tpu.memory_space<vmem_shared>> -> memref<10000x128xf32, #tpu.memory_space<vmem_shared>>
      %dma_wait3A_511 = tpu.memref_slice %arg26[%dma_wait3A_507] : memref<3x!tpu.dma_semaphore, #tpu.memory_space<semaphore_mem>> -> memref<1x!tpu.dma_semaphore, #tpu.memory_space<semaphore_mem>>
      %dma_wait3A_512 = tpu.memref_squeeze %dma_wait3A_511 : memref<1x!tpu.dma_semaphore, #tpu.memory_space<semaphore_mem>> -> memref<!tpu.dma_semaphore, #tpu.memory_space<semaphore_mem>>
      tpu.wait_indirect_dma semaphore(%dma_wait3A_512 : memref<!tpu.dma_semaphore, #tpu.memory_space<semaphore_mem>>) src(%arg21 : memref<80x128xf32, #tpu.memory_space<vmem>>) dst(%dma_wait3A_510 : memref<10000x128xf32, #tpu.memory_space<vmem_shared>>)
      %le3A_513 = arith.constant 122 : i32
      %le3A_514 = arith.cmpi sle, %add3A_506, %le3A_513 : i32
      %convert_element_type3A_515 = arith.extui %le3A_514 : i1 to i32
      %cond3A_516 = arith.constant 0 : i32
      %cond3A_517 = arith.cmpi ne, %convert_element_type3A_515, %cond3A_516 : i32
      scf.if %cond3A_517 {
        %add3A_721 = arith.constant 2 : i32
        %add3A_722 = arith.addi %add3A_506, %add3A_721 : i32
        %mul3A_723 = arith.constant 10000 : i32
        %mul3A_724 = arith.muli %add3A, %mul3A_723 : i32
        %mul3A_725 = arith.constant 80 : i32
        %mul3A_726 = arith.muli %add3A_722, %mul3A_725 : i32
        %add3A_727 = arith.addi %mul3A_724, %mul3A_726 : i32
        %dma_wait3A_728 = arith.constant 2 : i32
        %dma_wait3A_729 = tpu.memref_slice %arg3[%add3A_727] : memref<320000xi32, #tpu.memory_space<hbm>> -> memref<80xi32, #tpu.memory_space<hbm>>
        %dma_wait3A_730 = tpu.memref_slice %arg25[%dma_wait3A_728] : memref<6x!tpu.dma_semaphore, #tpu.memory_space<semaphore_mem>> -> memref<1x!tpu.dma_semaphore, #tpu.memory_space<semaphore_mem>>
        %dma_wait3A_731 = tpu.memref_squeeze %dma_wait3A_730 : memref<1x!tpu.dma_semaphore, #tpu.memory_space<semaphore_mem>> -> memref<!tpu.dma_semaphore, #tpu.memory_space<semaphore_mem>>
        %dma_wait3A_732 = tpu.memref_slice %arg3[%add3A_727] : memref<320000xi32, #tpu.memory_space<hbm>> -> memref<80xi32, #tpu.memory_space<hbm>>
        tpu.wait_dma2 semaphore(%dma_wait3A_731 : memref<!tpu.dma_semaphore, #tpu.memory_space<semaphore_mem>>) src(%dma_wait3A_732 : memref<80xi32, #tpu.memory_space<hbm>>) dst(%arg9 : memref<80xi32, #tpu.memory_space<vmem>>)
        %dma_wait3A_733 = arith.constant 2 : i32
        %dma_wait3A_734 = tpu.memref_slice %arg4[%add3A_727] : memref<320000xi32, #tpu.memory_space<hbm>> -> memref<80xi32, #tpu.memory_space<hbm>>
        %dma_wait3A_735 = tpu.memref_slice %arg25[%dma_wait3A_733] : memref<6x!tpu.dma_semaphore, #tpu.memory_space<semaphore_mem>> -> memref<1x!tpu.dma_semaphore, #tpu.memory_space<semaphore_mem>>
        %dma_wait3A_736 = tpu.memref_squeeze %dma_wait3A_735 : memref<1x!tpu.dma_semaphore, #tpu.memory_space<semaphore_mem>> -> memref<!tpu.dma_semaphore, #tpu.memory_space<semaphore_mem>>
        %dma_wait3A_737 = tpu.memref_slice %arg4[%add3A_727] : memref<320000xi32, #tpu.memory_space<hbm>> -> memref<80xi32, #tpu.memory_space<hbm>>
        tpu.wait_dma2 semaphore(%dma_wait3A_736 : memref<!tpu.dma_semaphore, #tpu.memory_space<semaphore_mem>>) src(%dma_wait3A_737 : memref<80xi32, #tpu.memory_space<hbm>>) dst(%arg15 : memref<80xi32, #tpu.memory_space<vmem>>)
        %dma_start3A_738 = arith.constant 2 : i32
        %dma_start3A_739 = arith.constant 0 : i32
        %dma_start3A_740 = arith.constant 0 : i32
        %dma_start3A_741 = tpu.memref_slice %arg2[%dma_start3A_739, %dma_start3A_740] : memref<10000x128xf32, #tpu.memory_space<hbm>> -> memref<10000x128xf32, #tpu.memory_space<hbm>>
        %dma_start3A_742 = tpu.memref_slice %arg24[%dma_start3A_738] : memref<3x!tpu.dma_semaphore, #tpu.memory_space<semaphore_mem>> -> memref<1x!tpu.dma_semaphore, #tpu.memory_space<semaphore_mem>>
        %dma_start3A_743 = tpu.memref_squeeze %dma_start3A_742 : memref<1x!tpu.dma_semaphore, #tpu.memory_space<semaphore_mem>> -> memref<!tpu.dma_semaphore, #tpu.memory_space<semaphore_mem>>
        tpu.enqueue_indirect_dma source(%dma_start3A_741 : memref<10000x128xf32, #tpu.memory_space<hbm>>) target(%arg21 : memref<80x128xf32, #tpu.memory_space<vmem>>) offsets(%arg9 : memref<80xi32, #tpu.memory_space<vmem>>) semaphore(%dma_start3A_743 : memref<!tpu.dma_semaphore, #tpu.memory_space<semaphore_mem>>)
      } else {
      }
      %dma_wait3A_518 = arith.constant 0 : i32
      %dma_wait3A_519 = arith.constant 0 : i32
      %dma_wait3A_520 = arith.constant 0 : i32
      %dma_wait3A_521 = tpu.memref_slice %arg2[%dma_wait3A_519, %dma_wait3A_520] : memref<10000x128xf32, #tpu.memory_space<hbm>> -> memref<10000x128xf32, #tpu.memory_space<hbm>>
      %dma_wait3A_522 = tpu.memref_slice %arg24[%dma_wait3A_518] : memref<3x!tpu.dma_semaphore, #tpu.memory_space<semaphore_mem>> -> memref<1x!tpu.dma_semaphore, #tpu.memory_space<semaphore_mem>>
      %dma_wait3A_523 = tpu.memref_squeeze %dma_wait3A_522 : memref<1x!tpu.dma_semaphore, #tpu.memory_space<semaphore_mem>> -> memref<!tpu.dma_semaphore, #tpu.memory_space<semaphore_mem>>
      tpu.wait_indirect_dma semaphore(%dma_wait3A_523 : memref<!tpu.dma_semaphore, #tpu.memory_space<semaphore_mem>>) src(%dma_wait3A_521 : memref<10000x128xf32, #tpu.memory_space<hbm>>) dst(%arg19 : memref<80x128xf32, #tpu.memory_space<vmem>>)
      %dma_start3A_524 = arith.constant 0 : i32
      %dma_start3A_525 = arith.constant 0 : i32
      %dma_start3A_526 = arith.constant 0 : i32
      %dma_start3A_527 = tpu.memref_slice %arg23[%dma_start3A_525, %dma_start3A_526] : memref<10000x128xf32, #tpu.memory_space<vmem_shared>> -> memref<10000x128xf32, #tpu.memory_space<vmem_shared>>
      %dma_start3A_528 = tpu.memref_slice %arg26[%dma_start3A_524] : memref<3x!tpu.dma_semaphore, #tpu.memory_space<semaphore_mem>> -> memref<1x!tpu.dma_semaphore, #tpu.memory_space<semaphore_mem>>
      %dma_start3A_529 = tpu.memref_squeeze %dma_start3A_528 : memref<1x!tpu.dma_semaphore, #tpu.memory_space<semaphore_mem>> -> memref<!tpu.dma_semaphore, #tpu.memory_space<semaphore_mem>>
      tpu.enqueue_indirect_dma source(%arg19 : memref<80x128xf32, #tpu.memory_space<vmem>>) target(%dma_start3A_527 : memref<10000x128xf32, #tpu.memory_space<vmem_shared>>) offsets(%arg13 : memref<80xi32, #tpu.memory_space<vmem>>) semaphore(%dma_start3A_529 : memref<!tpu.dma_semaphore, #tpu.memory_space<semaphore_mem>>) {add = true}
      %get3A_530 = arith.constant 0 : index
      %get3A_531 = tpu.vector_load %arg13[%get3A_530] {strides = array<i32>} : memref<80xi32, #tpu.memory_space<vmem>>, vector<16xi32>,
      tpu.vector_store_idx %arg22[%get3A_531], %broadcast_in_dim3A_101 {add = true} : memref<10000xf32, #tpu.memory_space<vmem>>[vector<16xi32>], vector<16xf32>,
      %get3A_532 = arith.constant 16 : index
      %get3A_533 = tpu.vector_load %arg13[%get3A_532] {strides = array<i32>} : memref<80xi32, #tpu.memory_space<vmem>>, vector<16xi32>,
      tpu.vector_store_idx %arg22[%get3A_533], %broadcast_in_dim3A_101 {add = true} : memref<10000xf32, #tpu.memory_space<vmem>>[vector<16xi32>], vector<16xf32>,
      %get3A_534 = arith.constant 32 : index
      %get3A_535 = tpu.vector_load %arg13[%get3A_534] {strides = array<i32>} : memref<80xi32, #tpu.memory_space<vmem>>, vector<16xi32>,
      tpu.vector_store_idx %arg22[%get3A_535], %broadcast_in_dim3A_101 {add = true} : memref<10000xf32, #tpu.memory_space<vmem>>[vector<16xi32>], vector<16xf32>,
      %get3A_536 = arith.constant 48 : index
      %get3A_537 = tpu.vector_load %arg13[%get3A_536] {strides = array<i32>} : memref<80xi32, #tpu.memory_space<vmem>>, vector<16xi32>,
      tpu.vector_store_idx %arg22[%get3A_537], %broadcast_in_dim3A_101 {add = true} : memref<10000xf32, #tpu.memory_space<vmem>>[vector<16xi32>], vector<16xf32>,
      %get3A_538 = arith.constant 64 : index
      %get3A_539 = tpu.vector_load %arg13[%get3A_538] {strides = array<i32>} : memref<80xi32, #tpu.memory_space<vmem>>, vector<16xi32>,
      tpu.vector_store_idx %arg22[%get3A_539], %broadcast_in_dim3A_101 {add = true} : memref<10000xf32, #tpu.memory_space<vmem>>[vector<16xi32>], vector<16xf32>,
      %le3A_540 = arith.constant 120 : i32
      %le3A_541 = arith.cmpi sle, %add3A_506, %le3A_540 : i32
      %convert_element_type3A_542 = arith.extui %le3A_541 : i1 to i32
      %cond3A_543 = arith.constant 0 : i32
      %cond3A_544 = arith.cmpi ne, %convert_element_type3A_542, %cond3A_543 : i32
      scf.if %cond3A_544 {
        %add3A_721 = arith.constant 4 : i32
        %add3A_722 = arith.addi %add3A_506, %add3A_721 : i32
        %mul3A_723 = arith.constant 10000 : i32
        %mul3A_724 = arith.muli %add3A, %mul3A_723 : i32
        %mul3A_725 = arith.constant 80 : i32
        %mul3A_726 = arith.muli %add3A_722, %mul3A_725 : i32
        %add3A_727 = arith.addi %mul3A_724, %mul3A_726 : i32
        %dma_start3A_728 = arith.constant 4 : i32
        %dma_start3A_729 = tpu.memref_slice %arg3[%add3A_727] : memref<320000xi32, #tpu.memory_space<hbm>> -> memref<80xi32, #tpu.memory_space<hbm>>
        %dma_start3A_730 = tpu.memref_slice %arg25[%dma_start3A_728] : memref<6x!tpu.dma_semaphore, #tpu.memory_space<semaphore_mem>> -> memref<1x!tpu.dma_semaphore, #tpu.memory_space<semaphore_mem>>
        %dma_start3A_731 = tpu.memref_squeeze %dma_start3A_730 : memref<1x!tpu.dma_semaphore, #tpu.memory_space<semaphore_mem>> -> memref<!tpu.dma_semaphore, #tpu.memory_space<semaphore_mem>>
        %dma_start3A_732 = tpu.memref_slice %arg3[%add3A_727] : memref<320000xi32, #tpu.memory_space<hbm>> -> memref<80xi32, #tpu.memory_space<hbm>>
        tpu.enqueue_dma source(%dma_start3A_732 : memref<80xi32, #tpu.memory_space<hbm>>) target(%arg11 : memref<80xi32, #tpu.memory_space<vmem>>) target_semaphore(%dma_start3A_731 : memref<!tpu.dma_semaphore, #tpu.memory_space<semaphore_mem>>)
        %dma_start3A_733 = arith.constant 4 : i32
        %dma_start3A_734 = tpu.memref_slice %arg4[%add3A_727] : memref<320000xi32, #tpu.memory_space<hbm>> -> memref<80xi32, #tpu.memory_space<hbm>>
        %dma_start3A_735 = tpu.memref_slice %arg25[%dma_start3A_733] : memref<6x!tpu.dma_semaphore, #tpu.memory_space<semaphore_mem>> -> memref<1x!tpu.dma_semaphore, #tpu.memory_space<semaphore_mem>>
        %dma_start3A_736 = tpu.memref_squeeze %dma_start3A_735 : memref<1x!tpu.dma_semaphore, #tpu.memory_space<semaphore_mem>> -> memref<!tpu.dma_semaphore, #tpu.memory_space<semaphore_mem>>
        %dma_start3A_737 = tpu.memref_slice %arg4[%add3A_727] : memref<320000xi32, #tpu.memory_space<hbm>> -> memref<80xi32, #tpu.memory_space<hbm>>
        tpu.enqueue_dma source(%dma_start3A_737 : memref<80xi32, #tpu.memory_space<hbm>>) target(%arg17 : memref<80xi32, #tpu.memory_space<vmem>>) target_semaphore(%dma_start3A_736 : memref<!tpu.dma_semaphore, #tpu.memory_space<semaphore_mem>>)
      } else {
      }
      %mul3A_545 = arith.constant 6 : i32
      %mul3A_546 = arith.muli %mul3A_545, %scan3A_459 : i32
      %add3A_547 = arith.constant 5 : i32
      %add3A_548 = arith.addi %mul3A_546, %add3A_547 : i32
      %add3A_549 = arith.constant 2 : i32
      %add3A_550 = arith.addi %add3A_548, %add3A_549 : i32
      %dma_wait3A_551 = arith.constant 0 : i32
      %dma_wait3A_552 = arith.constant 0 : i32
      %dma_wait3A_553 = arith.constant 0 : i32
      %dma_wait3A_554 = tpu.memref_slice %arg23[%dma_wait3A_552, %dma_wait3A_553] : memref<10000x128xf32, #tpu.memory_space<vmem_shared>> -> memref<10000x128xf32, #tpu.memory_space<vmem_shared>>
      %dma_wait3A_555 = tpu.memref_slice %arg26[%dma_wait3A_551] : memref<3x!tpu.dma_semaphore, #tpu.memory_space<semaphore_mem>> -> memref<1x!tpu.dma_semaphore, #tpu.memory_space<semaphore_mem>>
      %dma_wait3A_556 = tpu.memref_squeeze %dma_wait3A_555 : memref<1x!tpu.dma_semaphore, #tpu.memory_space<semaphore_mem>> -> memref<!tpu.dma_semaphore, #tpu.memory_space<semaphore_mem>>
      tpu.wait_indirect_dma semaphore(%dma_wait3A_556 : memref<!tpu.dma_semaphore, #tpu.memory_space<semaphore_mem>>) src(%arg19 : memref<80x128xf32, #tpu.memory_space<vmem>>) dst(%dma_wait3A_554 : memref<10000x128xf32, #tpu.memory_space<vmem_shared>>)
      %le3A_557 = arith.constant 122 : i32
      %le3A_558 = arith.cmpi sle, %add3A_550, %le3A_557 : i32
      %convert_element_type3A_559 = arith.extui %le3A_558 : i1 to i32
      %cond3A_560 = arith.constant 0 : i32
      %cond3A_561 = arith.cmpi ne, %convert_element_type3A_559, %cond3A_560 : i32
      scf.if %cond3A_561 {
        %add3A_721 = arith.constant 2 : i32
        %add3A_722 = arith.addi %add3A_550, %add3A_721 : i32
        %mul3A_723 = arith.constant 10000 : i32
        %mul3A_724 = arith.muli %add3A, %mul3A_723 : i32
        %mul3A_725 = arith.constant 80 : i32
        %mul3A_726 = arith.muli %add3A_722, %mul3A_725 : i32
        %add3A_727 = arith.addi %mul3A_724, %mul3A_726 : i32
        %dma_wait3A_728 = arith.constant 3 : i32
        %dma_wait3A_729 = tpu.memref_slice %arg3[%add3A_727] : memref<320000xi32, #tpu.memory_space<hbm>> -> memref<80xi32, #tpu.memory_space<hbm>>
        %dma_wait3A_730 = tpu.memref_slice %arg25[%dma_wait3A_728] : memref<6x!tpu.dma_semaphore, #tpu.memory_space<semaphore_mem>> -> memref<1x!tpu.dma_semaphore, #tpu.memory_space<semaphore_mem>>
        %dma_wait3A_731 = tpu.memref_squeeze %dma_wait3A_730 : memref<1x!tpu.dma_semaphore, #tpu.memory_space<semaphore_mem>> -> memref<!tpu.dma_semaphore, #tpu.memory_space<semaphore_mem>>
        %dma_wait3A_732 = tpu.memref_slice %arg3[%add3A_727] : memref<320000xi32, #tpu.memory_space<hbm>> -> memref<80xi32, #tpu.memory_space<hbm>>
        tpu.wait_dma2 semaphore(%dma_wait3A_731 : memref<!tpu.dma_semaphore, #tpu.memory_space<semaphore_mem>>) src(%dma_wait3A_732 : memref<80xi32, #tpu.memory_space<hbm>>) dst(%arg10 : memref<80xi32, #tpu.memory_space<vmem>>)
        %dma_wait3A_733 = arith.constant 3 : i32
        %dma_wait3A_734 = tpu.memref_slice %arg4[%add3A_727] : memref<320000xi32, #tpu.memory_space<hbm>> -> memref<80xi32, #tpu.memory_space<hbm>>
        %dma_wait3A_735 = tpu.memref_slice %arg25[%dma_wait3A_733] : memref<6x!tpu.dma_semaphore, #tpu.memory_space<semaphore_mem>> -> memref<1x!tpu.dma_semaphore, #tpu.memory_space<semaphore_mem>>
        %dma_wait3A_736 = tpu.memref_squeeze %dma_wait3A_735 : memref<1x!tpu.dma_semaphore, #tpu.memory_space<semaphore_mem>> -> memref<!tpu.dma_semaphore, #tpu.memory_space<semaphore_mem>>
        %dma_wait3A_737 = tpu.memref_slice %arg4[%add3A_727] : memref<320000xi32, #tpu.memory_space<hbm>> -> memref<80xi32, #tpu.memory_space<hbm>>
        tpu.wait_dma2 semaphore(%dma_wait3A_736 : memref<!tpu.dma_semaphore, #tpu.memory_space<semaphore_mem>>) src(%dma_wait3A_737 : memref<80xi32, #tpu.memory_space<hbm>>) dst(%arg16 : memref<80xi32, #tpu.memory_space<vmem>>)
        %dma_start3A_738 = arith.constant 0 : i32
        %dma_start3A_739 = arith.constant 0 : i32
        %dma_start3A_740 = arith.constant 0 : i32
        %dma_start3A_741 = tpu.memref_slice %arg2[%dma_start3A_739, %dma_start3A_740] : memref<10000x128xf32, #tpu.memory_space<hbm>> -> memref<10000x128xf32, #tpu.memory_space<hbm>>
        %dma_start3A_742 = tpu.memref_slice %arg24[%dma_start3A_738] : memref<3x!tpu.dma_semaphore, #tpu.memory_space<semaphore_mem>> -> memref<1x!tpu.dma_semaphore, #tpu.memory_space<semaphore_mem>>
        %dma_start3A_743 = tpu.memref_squeeze %dma_start3A_742 : memref<1x!tpu.dma_semaphore, #tpu.memory_space<semaphore_mem>> -> memref<!tpu.dma_semaphore, #tpu.memory_space<semaphore_mem>>
        tpu.enqueue_indirect_dma source(%dma_start3A_741 : memref<10000x128xf32, #tpu.memory_space<hbm>>) target(%arg19 : memref<80x128xf32, #tpu.memory_space<vmem>>) offsets(%arg10 : memref<80xi32, #tpu.memory_space<vmem>>) semaphore(%dma_start3A_743 : memref<!tpu.dma_semaphore, #tpu.memory_space<semaphore_mem>>)
      } else {
      }
      %dma_wait3A_562 = arith.constant 1 : i32
      %dma_wait3A_563 = arith.constant 0 : i32
      %dma_wait3A_564 = arith.constant 0 : i32
      %dma_wait3A_565 = tpu.memref_slice %arg2[%dma_wait3A_563, %dma_wait3A_564] : memref<10000x128xf32, #tpu.memory_space<hbm>> -> memref<10000x128xf32, #tpu.memory_space<hbm>>
      %dma_wait3A_566 = tpu.memref_slice %arg24[%dma_wait3A_562] : memref<3x!tpu.dma_semaphore, #tpu.memory_space<semaphore_mem>> -> memref<1x!tpu.dma_semaphore, #tpu.memory_space<semaphore_mem>>
      %dma_wait3A_567 = tpu.memref_squeeze %dma_wait3A_566 : memref<1x!tpu.dma_semaphore, #tpu.memory_space<semaphore_mem>> -> memref<!tpu.dma_semaphore, #tpu.memory_space<semaphore_mem>>
      tpu.wait_indirect_dma semaphore(%dma_wait3A_567 : memref<!tpu.dma_semaphore, #tpu.memory_space<semaphore_mem>>) src(%dma_wait3A_565 : memref<10000x128xf32, #tpu.memory_space<hbm>>) dst(%arg20 : memref<80x128xf32, #tpu.memory_space<vmem>>)
      %dma_start3A_568 = arith.constant 1 : i32
      %dma_start3A_569 = arith.constant 0 : i32
      %dma_start3A_570 = arith.constant 0 : i32
      %dma_start3A_571 = tpu.memref_slice %arg23[%dma_start3A_569, %dma_start3A_570] : memref<10000x128xf32, #tpu.memory_space<vmem_shared>> -> memref<10000x128xf32, #tpu.memory_space<vmem_shared>>
      %dma_start3A_572 = tpu.memref_slice %arg26[%dma_start3A_568] : memref<3x!tpu.dma_semaphore, #tpu.memory_space<semaphore_mem>> -> memref<1x!tpu.dma_semaphore, #tpu.memory_space<semaphore_mem>>
      %dma_start3A_573 = tpu.memref_squeeze %dma_start3A_572 : memref<1x!tpu.dma_semaphore, #tpu.memory_space<semaphore_mem>> -> memref<!tpu.dma_semaphore, #tpu.memory_space<semaphore_mem>>
      tpu.enqueue_indirect_dma source(%arg20 : memref<80x128xf32, #tpu.memory_space<vmem>>) target(%dma_start3A_571 : memref<10000x128xf32, #tpu.memory_space<vmem_shared>>) offsets(%arg14 : memref<80xi32, #tpu.memory_space<vmem>>) semaphore(%dma_start3A_573 : memref<!tpu.dma_semaphore, #tpu.memory_space<semaphore_mem>>) {add = true}
      %get3A_574 = arith.constant 0 : index
      %get3A_575 = tpu.vector_load %arg14[%get3A_574] {strides = array<i32>} : memref<80xi32, #tpu.memory_space<vmem>>, vector<16xi32>,
      tpu.vector_store_idx %arg22[%get3A_575], %broadcast_in_dim3A_101 {add = true} : memref<10000xf32, #tpu.memory_space<vmem>>[vector<16xi32>], vector<16xf32>,
      %get3A_576 = arith.constant 16 : index
      %get3A_577 = tpu.vector_load %arg14[%get3A_576] {strides = array<i32>} : memref<80xi32, #tpu.memory_space<vmem>>, vector<16xi32>,
      tpu.vector_store_idx %arg22[%get3A_577], %broadcast_in_dim3A_101 {add = true} : memref<10000xf32, #tpu.memory_space<vmem>>[vector<16xi32>], vector<16xf32>,
      %get3A_578 = arith.constant 32 : index
      %get3A_579 = tpu.vector_load %arg14[%get3A_578] {strides = array<i32>} : memref<80xi32, #tpu.memory_space<vmem>>, vector<16xi32>,
      tpu.vector_store_idx %arg22[%get3A_579], %broadcast_in_dim3A_101 {add = true} : memref<10000xf32, #tpu.memory_space<vmem>>[vector<16xi32>], vector<16xf32>,
      %get3A_580 = arith.constant 48 : index
      %get3A_581 = tpu.vector_load %arg14[%get3A_580] {strides = array<i32>} : memref<80xi32, #tpu.memory_space<vmem>>, vector<16xi32>,
      tpu.vector_store_idx %arg22[%get3A_581], %broadcast_in_dim3A_101 {add = true} : memref<10000xf32, #tpu.memory_space<vmem>>[vector<16xi32>], vector<16xf32>,
      %get3A_582 = arith.constant 64 : index
      %get3A_583 = tpu.vector_load %arg14[%get3A_582] {strides = array<i32>} : memref<80xi32, #tpu.memory_space<vmem>>, vector<16xi32>,
      tpu.vector_store_idx %arg22[%get3A_583], %broadcast_in_dim3A_101 {add = true} : memref<10000xf32, #tpu.memory_space<vmem>>[vector<16xi32>], vector<16xf32>,
      %le3A_584 = arith.constant 120 : i32
      %le3A_585 = arith.cmpi sle, %add3A_550, %le3A_584 : i32
      %convert_element_type3A_586 = arith.extui %le3A_585 : i1 to i32
      %cond3A_587 = arith.constant 0 : i32
      %cond3A_588 = arith.cmpi ne, %convert_element_type3A_586, %cond3A_587 : i32
      scf.if %cond3A_588 {
        %add3A_721 = arith.constant 4 : i32
        %add3A_722 = arith.addi %add3A_550, %add3A_721 : i32
        %mul3A_723 = arith.constant 10000 : i32
        %mul3A_724 = arith.muli %add3A, %mul3A_723 : i32
        %mul3A_725 = arith.constant 80 : i32
        %mul3A_726 = arith.muli %add3A_722, %mul3A_725 : i32
        %add3A_727 = arith.addi %mul3A_724, %mul3A_726 : i32
        %dma_start3A_728 = arith.constant 5 : i32
        %dma_start3A_729 = tpu.memref_slice %arg3[%add3A_727] : memref<320000xi32, #tpu.memory_space<hbm>> -> memref<80xi32, #tpu.memory_space<hbm>>
        %dma_start3A_730 = tpu.memref_slice %arg25[%dma_start3A_728] : memref<6x!tpu.dma_semaphore, #tpu.memory_space<semaphore_mem>> -> memref<1x!tpu.dma_semaphore, #tpu.memory_space<semaphore_mem>>
        %dma_start3A_731 = tpu.memref_squeeze %dma_start3A_730 : memref<1x!tpu.dma_semaphore, #tpu.memory_space<semaphore_mem>> -> memref<!tpu.dma_semaphore, #tpu.memory_space<semaphore_mem>>
        %dma_start3A_732 = tpu.memref_slice %arg3[%add3A_727] : memref<320000xi32, #tpu.memory_space<hbm>> -> memref<80xi32, #tpu.memory_space<hbm>>
        tpu.enqueue_dma source(%dma_start3A_732 : memref<80xi32, #tpu.memory_space<hbm>>) target(%arg12 : memref<80xi32, #tpu.memory_space<vmem>>) target_semaphore(%dma_start3A_731 : memref<!tpu.dma_semaphore, #tpu.memory_space<semaphore_mem>>)
        %dma_start3A_733 = arith.constant 5 : i32
        %dma_start3A_734 = tpu.memref_slice %arg4[%add3A_727] : memref<320000xi32, #tpu.memory_space<hbm>> -> memref<80xi32, #tpu.memory_space<hbm>>
        %dma_start3A_735 = tpu.memref_slice %arg25[%dma_start3A_733] : memref<6x!tpu.dma_semaphore, #tpu.memory_space<semaphore_mem>> -> memref<1x!tpu.dma_semaphore, #tpu.memory_space<semaphore_mem>>
        %dma_start3A_736 = tpu.memref_squeeze %dma_start3A_735 : memref<1x!tpu.dma_semaphore, #tpu.memory_space<semaphore_mem>> -> memref<!tpu.dma_semaphore, #tpu.memory_space<semaphore_mem>>
        %dma_start3A_737 = tpu.memref_slice %arg4[%add3A_727] : memref<320000xi32, #tpu.memory_space<hbm>> -> memref<80xi32, #tpu.memory_space<hbm>>
        tpu.enqueue_dma source(%dma_start3A_737 : memref<80xi32, #tpu.memory_space<hbm>>) target(%arg18 : memref<80xi32, #tpu.memory_space<vmem>>) target_semaphore(%dma_start3A_736 : memref<!tpu.dma_semaphore, #tpu.memory_space<semaphore_mem>>)
      } else {
      }
      %mul3A_589 = arith.constant 6 : i32
      %mul3A_590 = arith.muli %mul3A_589, %scan3A_459 : i32
      %add3A_591 = arith.constant 5 : i32
      %add3A_592 = arith.addi %mul3A_590, %add3A_591 : i32
      %add3A_593 = arith.constant 3 : i32
      %add3A_594 = arith.addi %add3A_592, %add3A_593 : i32
      %dma_wait3A_595 = arith.constant 1 : i32
      %dma_wait3A_596 = arith.constant 0 : i32
      %dma_wait3A_597 = arith.constant 0 : i32
      %dma_wait3A_598 = tpu.memref_slice %arg23[%dma_wait3A_596, %dma_wait3A_597] : memref<10000x128xf32, #tpu.memory_space<vmem_shared>> -> memref<10000x128xf32, #tpu.memory_space<vmem_shared>>
      %dma_wait3A_599 = tpu.memref_slice %arg26[%dma_wait3A_595] : memref<3x!tpu.dma_semaphore, #tpu.memory_space<semaphore_mem>> -> memref<1x!tpu.dma_semaphore, #tpu.memory_space<semaphore_mem>>
      %dma_wait3A_600 = tpu.memref_squeeze %dma_wait3A_599 : memref<1x!tpu.dma_semaphore, #tpu.memory_space<semaphore_mem>> -> memref<!tpu.dma_semaphore, #tpu.memory_space<semaphore_mem>>
      tpu.wait_indirect_dma semaphore(%dma_wait3A_600 : memref<!tpu.dma_semaphore, #tpu.memory_space<semaphore_mem>>) src(%arg20 : memref<80x128xf32, #tpu.memory_space<vmem>>) dst(%dma_wait3A_598 : memref<10000x128xf32, #tpu.memory_space<vmem_shared>>)
      %le3A_601 = arith.constant 122 : i32
      %le3A_602 = arith.cmpi sle, %add3A_594, %le3A_601 : i32
      %convert_element_type3A_603 = arith.extui %le3A_602 : i1 to i32
      %cond3A_604 = arith.constant 0 : i32
      %cond3A_605 = arith.cmpi ne, %convert_element_type3A_603, %cond3A_604 : i32
      scf.if %cond3A_605 {
        %add3A_721 = arith.constant 2 : i32
        %add3A_722 = arith.addi %add3A_594, %add3A_721 : i32
        %mul3A_723 = arith.constant 10000 : i32
        %mul3A_724 = arith.muli %add3A, %mul3A_723 : i32
        %mul3A_725 = arith.constant 80 : i32
        %mul3A_726 = arith.muli %add3A_722, %mul3A_725 : i32
        %add3A_727 = arith.addi %mul3A_724, %mul3A_726 : i32
        %dma_wait3A_728 = arith.constant 4 : i32
        %dma_wait3A_729 = tpu.memref_slice %arg3[%add3A_727] : memref<320000xi32, #tpu.memory_space<hbm>> -> memref<80xi32, #tpu.memory_space<hbm>>
        %dma_wait3A_730 = tpu.memref_slice %arg25[%dma_wait3A_728] : memref<6x!tpu.dma_semaphore, #tpu.memory_space<semaphore_mem>> -> memref<1x!tpu.dma_semaphore, #tpu.memory_space<semaphore_mem>>
        %dma_wait3A_731 = tpu.memref_squeeze %dma_wait3A_730 : memref<1x!tpu.dma_semaphore, #tpu.memory_space<semaphore_mem>> -> memref<!tpu.dma_semaphore, #tpu.memory_space<semaphore_mem>>
        %dma_wait3A_732 = tpu.memref_slice %arg3[%add3A_727] : memref<320000xi32, #tpu.memory_space<hbm>> -> memref<80xi32, #tpu.memory_space<hbm>>
        tpu.wait_dma2 semaphore(%dma_wait3A_731 : memref<!tpu.dma_semaphore, #tpu.memory_space<semaphore_mem>>) src(%dma_wait3A_732 : memref<80xi32, #tpu.memory_space<hbm>>) dst(%arg11 : memref<80xi32, #tpu.memory_space<vmem>>)
        %dma_wait3A_733 = arith.constant 4 : i32
        %dma_wait3A_734 = tpu.memref_slice %arg4[%add3A_727] : memref<320000xi32, #tpu.memory_space<hbm>> -> memref<80xi32, #tpu.memory_space<hbm>>
        %dma_wait3A_735 = tpu.memref_slice %arg25[%dma_wait3A_733] : memref<6x!tpu.dma_semaphore, #tpu.memory_space<semaphore_mem>> -> memref<1x!tpu.dma_semaphore, #tpu.memory_space<semaphore_mem>>
        %dma_wait3A_736 = tpu.memref_squeeze %dma_wait3A_735 : memref<1x!tpu.dma_semaphore, #tpu.memory_space<semaphore_mem>> -> memref<!tpu.dma_semaphore, #tpu.memory_space<semaphore_mem>>
        %dma_wait3A_737 = tpu.memref_slice %arg4[%add3A_727] : memref<320000xi32, #tpu.memory_space<hbm>> -> memref<80xi32, #tpu.memory_space<hbm>>
        tpu.wait_dma2 semaphore(%dma_wait3A_736 : memref<!tpu.dma_semaphore, #tpu.memory_space<semaphore_mem>>) src(%dma_wait3A_737 : memref<80xi32, #tpu.memory_space<hbm>>) dst(%arg17 : memref<80xi32, #tpu.memory_space<vmem>>)
        %dma_start3A_738 = arith.constant 1 : i32
        %dma_start3A_739 = arith.constant 0 : i32
        %dma_start3A_740 = arith.constant 0 : i32
        %dma_start3A_741 = tpu.memref_slice %arg2[%dma_start3A_739, %dma_start3A_740] : memref<10000x128xf32, #tpu.memory_space<hbm>> -> memref<10000x128xf32, #tpu.memory_space<hbm>>
        %dma_start3A_742 = tpu.memref_slice %arg24[%dma_start3A_738] : memref<3x!tpu.dma_semaphore, #tpu.memory_space<semaphore_mem>> -> memref<1x!tpu.dma_semaphore, #tpu.memory_space<semaphore_mem>>
        %dma_start3A_743 = tpu.memref_squeeze %dma_start3A_742 : memref<1x!tpu.dma_semaphore, #tpu.memory_space<semaphore_mem>> -> memref<!tpu.dma_semaphore, #tpu.memory_space<semaphore_mem>>
        tpu.enqueue_indirect_dma source(%dma_start3A_741 : memref<10000x128xf32, #tpu.memory_space<hbm>>) target(%arg20 : memref<80x128xf32, #tpu.memory_space<vmem>>) offsets(%arg11 : memref<80xi32, #tpu.memory_space<vmem>>) semaphore(%dma_start3A_743 : memref<!tpu.dma_semaphore, #tpu.memory_space<semaphore_mem>>)
      } else {
      }
      %dma_wait3A_606 = arith.constant 2 : i32
      %dma_wait3A_607 = arith.constant 0 : i32
      %dma_wait3A_608 = arith.constant 0 : i32
      %dma_wait3A_609 = tpu.memref_slice %arg2[%dma_wait3A_607, %dma_wait3A_608] : memref<10000x128xf32, #tpu.memory_space<hbm>> -> memref<10000x128xf32, #tpu.memory_space<hbm>>
      %dma_wait3A_610 = tpu.memref_slice %arg24[%dma_wait3A_606] : memref<3x!tpu.dma_semaphore, #tpu.memory_space<semaphore_mem>> -> memref<1x!tpu.dma_semaphore, #tpu.memory_space<semaphore_mem>>
      %dma_wait3A_611 = tpu.memref_squeeze %dma_wait3A_610 : memref<1x!tpu.dma_semaphore, #tpu.memory_space<semaphore_mem>> -> memref<!tpu.dma_semaphore, #tpu.memory_space<semaphore_mem>>
      tpu.wait_indirect_dma semaphore(%dma_wait3A_611 : memref<!tpu.dma_semaphore, #tpu.memory_space<semaphore_mem>>) src(%dma_wait3A_609 : memref<10000x128xf32, #tpu.memory_space<hbm>>) dst(%arg21 : memref<80x128xf32, #tpu.memory_space<vmem>>)
      %dma_start3A_612 = arith.constant 2 : i32
      %dma_start3A_613 = arith.constant 0 : i32
      %dma_start3A_614 = arith.constant 0 : i32
      %dma_start3A_615 = tpu.memref_slice %arg23[%dma_start3A_613, %dma_start3A_614] : memref<10000x128xf32, #tpu.memory_space<vmem_shared>> -> memref<10000x128xf32, #tpu.memory_space<vmem_shared>>
      %dma_start3A_616 = tpu.memref_slice %arg26[%dma_start3A_612] : memref<3x!tpu.dma_semaphore, #tpu.memory_space<semaphore_mem>> -> memref<1x!tpu.dma_semaphore, #tpu.memory_space<semaphore_mem>>
      %dma_start3A_617 = tpu.memref_squeeze %dma_start3A_616 : memref<1x!tpu.dma_semaphore, #tpu.memory_space<semaphore_mem>> -> memref<!tpu.dma_semaphore, #tpu.memory_space<semaphore_mem>>
      tpu.enqueue_indirect_dma source(%arg21 : memref<80x128xf32, #tpu.memory_space<vmem>>) target(%dma_start3A_615 : memref<10000x128xf32, #tpu.memory_space<vmem_shared>>) offsets(%arg15 : memref<80xi32, #tpu.memory_space<vmem>>) semaphore(%dma_start3A_617 : memref<!tpu.dma_semaphore, #tpu.memory_space<semaphore_mem>>) {add = true}
      %get3A_618 = arith.constant 0 : index
      %get3A_619 = tpu.vector_load %arg15[%get3A_618] {strides = array<i32>} : memref<80xi32, #tpu.memory_space<vmem>>, vector<16xi32>,
      tpu.vector_store_idx %arg22[%get3A_619], %broadcast_in_dim3A_101 {add = true} : memref<10000xf32, #tpu.memory_space<vmem>>[vector<16xi32>], vector<16xf32>,
      %get3A_620 = arith.constant 16 : index
      %get3A_621 = tpu.vector_load %arg15[%get3A_620] {strides = array<i32>} : memref<80xi32, #tpu.memory_space<vmem>>, vector<16xi32>,
      tpu.vector_store_idx %arg22[%get3A_621], %broadcast_in_dim3A_101 {add = true} : memref<10000xf32, #tpu.memory_space<vmem>>[vector<16xi32>], vector<16xf32>,
      %get3A_622 = arith.constant 32 : index
      %get3A_623 = tpu.vector_load %arg15[%get3A_622] {strides = array<i32>} : memref<80xi32, #tpu.memory_space<vmem>>, vector<16xi32>,
      tpu.vector_store_idx %arg22[%get3A_623], %broadcast_in_dim3A_101 {add = true} : memref<10000xf32, #tpu.memory_space<vmem>>[vector<16xi32>], vector<16xf32>,
      %get3A_624 = arith.constant 48 : index
      %get3A_625 = tpu.vector_load %arg15[%get3A_624] {strides = array<i32>} : memref<80xi32, #tpu.memory_space<vmem>>, vector<16xi32>,
      tpu.vector_store_idx %arg22[%get3A_625], %broadcast_in_dim3A_101 {add = true} : memref<10000xf32, #tpu.memory_space<vmem>>[vector<16xi32>], vector<16xf32>,
      %get3A_626 = arith.constant 64 : index
      %get3A_627 = tpu.vector_load %arg15[%get3A_626] {strides = array<i32>} : memref<80xi32, #tpu.memory_space<vmem>>, vector<16xi32>,
      tpu.vector_store_idx %arg22[%get3A_627], %broadcast_in_dim3A_101 {add = true} : memref<10000xf32, #tpu.memory_space<vmem>>[vector<16xi32>], vector<16xf32>,
      %le3A_628 = arith.constant 120 : i32
      %le3A_629 = arith.cmpi sle, %add3A_594, %le3A_628 : i32
      %convert_element_type3A_630 = arith.extui %le3A_629 : i1 to i32
      %cond3A_631 = arith.constant 0 : i32
      %cond3A_632 = arith.cmpi ne, %convert_element_type3A_630, %cond3A_631 : i32
      scf.if %cond3A_632 {
        %add3A_721 = arith.constant 4 : i32
        %add3A_722 = arith.addi %add3A_594, %add3A_721 : i32
        %mul3A_723 = arith.constant 10000 : i32
        %mul3A_724 = arith.muli %add3A, %mul3A_723 : i32
        %mul3A_725 = arith.constant 80 : i32
        %mul3A_726 = arith.muli %add3A_722, %mul3A_725 : i32
        %add3A_727 = arith.addi %mul3A_724, %mul3A_726 : i32
        %dma_start3A_728 = arith.constant 0 : i32
        %dma_start3A_729 = tpu.memref_slice %arg3[%add3A_727] : memref<320000xi32, #tpu.memory_space<hbm>> -> memref<80xi32, #tpu.memory_space<hbm>>
        %dma_start3A_730 = tpu.memref_slice %arg25[%dma_start3A_728] : memref<6x!tpu.dma_semaphore, #tpu.memory_space<semaphore_mem>> -> memref<1x!tpu.dma_semaphore, #tpu.memory_space<semaphore_mem>>
        %dma_start3A_731 = tpu.memref_squeeze %dma_start3A_730 : memref<1x!tpu.dma_semaphore, #tpu.memory_space<semaphore_mem>> -> memref<!tpu.dma_semaphore, #tpu.memory_space<semaphore_mem>>
        %dma_start3A_732 = tpu.memref_slice %arg3[%add3A_727] : memref<320000xi32, #tpu.memory_space<hbm>> -> memref<80xi32, #tpu.memory_space<hbm>>
        tpu.enqueue_dma source(%dma_start3A_732 : memref<80xi32, #tpu.memory_space<hbm>>) target(%arg7 : memref<80xi32, #tpu.memory_space<vmem>>) target_semaphore(%dma_start3A_731 : memref<!tpu.dma_semaphore, #tpu.memory_space<semaphore_mem>>)
        %dma_start3A_733 = arith.constant 0 : i32
        %dma_start3A_734 = tpu.memref_slice %arg4[%add3A_727] : memref<320000xi32, #tpu.memory_space<hbm>> -> memref<80xi32, #tpu.memory_space<hbm>>
        %dma_start3A_735 = tpu.memref_slice %arg25[%dma_start3A_733] : memref<6x!tpu.dma_semaphore, #tpu.memory_space<semaphore_mem>> -> memref<1x!tpu.dma_semaphore, #tpu.memory_space<semaphore_mem>>
        %dma_start3A_736 = tpu.memref_squeeze %dma_start3A_735 : memref<1x!tpu.dma_semaphore, #tpu.memory_space<semaphore_mem>> -> memref<!tpu.dma_semaphore, #tpu.memory_space<semaphore_mem>>
        %dma_start3A_737 = tpu.memref_slice %arg4[%add3A_727] : memref<320000xi32, #tpu.memory_space<hbm>> -> memref<80xi32, #tpu.memory_space<hbm>>
        tpu.enqueue_dma source(%dma_start3A_737 : memref<80xi32, #tpu.memory_space<hbm>>) target(%arg13 : memref<80xi32, #tpu.memory_space<vmem>>) target_semaphore(%dma_start3A_736 : memref<!tpu.dma_semaphore, #tpu.memory_space<semaphore_mem>>)
      } else {
      }
      %mul3A_633 = arith.constant 6 : i32
      %mul3A_634 = arith.muli %mul3A_633, %scan3A_459 : i32
      %add3A_635 = arith.constant 5 : i32
      %add3A_636 = arith.addi %mul3A_634, %add3A_635 : i32
      %add3A_637 = arith.constant 4 : i32
      %add3A_638 = arith.addi %add3A_636, %add3A_637 : i32
      %dma_wait3A_639 = arith.constant 2 : i32
      %dma_wait3A_640 = arith.constant 0 : i32
      %dma_wait3A_641 = arith.constant 0 : i32
      %dma_wait3A_642 = tpu.memref_slice %arg23[%dma_wait3A_640, %dma_wait3A_641] : memref<10000x128xf32, #tpu.memory_space<vmem_shared>> -> memref<10000x128xf32, #tpu.memory_space<vmem_shared>>
      %dma_wait3A_643 = tpu.memref_slice %arg26[%dma_wait3A_639] : memref<3x!tpu.dma_semaphore, #tpu.memory_space<semaphore_mem>> -> memref<1x!tpu.dma_semaphore, #tpu.memory_space<semaphore_mem>>
      %dma_wait3A_644 = tpu.memref_squeeze %dma_wait3A_643 : memref<1x!tpu.dma_semaphore, #tpu.memory_space<semaphore_mem>> -> memref<!tpu.dma_semaphore, #tpu.memory_space<semaphore_mem>>
      tpu.wait_indirect_dma semaphore(%dma_wait3A_644 : memref<!tpu.dma_semaphore, #tpu.memory_space<semaphore_mem>>) src(%arg21 : memref<80x128xf32, #tpu.memory_space<vmem>>) dst(%dma_wait3A_642 : memref<10000x128xf32, #tpu.memory_space<vmem_shared>>)
      %le3A_645 = arith.constant 122 : i32
      %le3A_646 = arith.cmpi sle, %add3A_638, %le3A_645 : i32
      %convert_element_type3A_647 = arith.extui %le3A_646 : i1 to i32
      %cond3A_648 = arith.constant 0 : i32
      %cond3A_649 = arith.cmpi ne, %convert_element_type3A_647, %cond3A_648 : i32
      scf.if %cond3A_649 {
        %add3A_721 = arith.constant 2 : i32
        %add3A_722 = arith.addi %add3A_638, %add3A_721 : i32
        %mul3A_723 = arith.constant 10000 : i32
        %mul3A_724 = arith.muli %add3A, %mul3A_723 : i32
        %mul3A_725 = arith.constant 80 : i32
        %mul3A_726 = arith.muli %add3A_722, %mul3A_725 : i32
        %add3A_727 = arith.addi %mul3A_724, %mul3A_726 : i32
        %dma_wait3A_728 = arith.constant 5 : i32
        %dma_wait3A_729 = tpu.memref_slice %arg3[%add3A_727] : memref<320000xi32, #tpu.memory_space<hbm>> -> memref<80xi32, #tpu.memory_space<hbm>>
        %dma_wait3A_730 = tpu.memref_slice %arg25[%dma_wait3A_728] : memref<6x!tpu.dma_semaphore, #tpu.memory_space<semaphore_mem>> -> memref<1x!tpu.dma_semaphore, #tpu.memory_space<semaphore_mem>>
        %dma_wait3A_731 = tpu.memref_squeeze %dma_wait3A_730 : memref<1x!tpu.dma_semaphore, #tpu.memory_space<semaphore_mem>> -> memref<!tpu.dma_semaphore, #tpu.memory_space<semaphore_mem>>
        %dma_wait3A_732 = tpu.memref_slice %arg3[%add3A_727] : memref<320000xi32, #tpu.memory_space<hbm>> -> memref<80xi32, #tpu.memory_space<hbm>>
        tpu.wait_dma2 semaphore(%dma_wait3A_731 : memref<!tpu.dma_semaphore, #tpu.memory_space<semaphore_mem>>) src(%dma_wait3A_732 : memref<80xi32, #tpu.memory_space<hbm>>) dst(%arg12 : memref<80xi32, #tpu.memory_space<vmem>>)
        %dma_wait3A_733 = arith.constant 5 : i32
        %dma_wait3A_734 = tpu.memref_slice %arg4[%add3A_727] : memref<320000xi32, #tpu.memory_space<hbm>> -> memref<80xi32, #tpu.memory_space<hbm>>
        %dma_wait3A_735 = tpu.memref_slice %arg25[%dma_wait3A_733] : memref<6x!tpu.dma_semaphore, #tpu.memory_space<semaphore_mem>> -> memref<1x!tpu.dma_semaphore, #tpu.memory_space<semaphore_mem>>
        %dma_wait3A_736 = tpu.memref_squeeze %dma_wait3A_735 : memref<1x!tpu.dma_semaphore, #tpu.memory_space<semaphore_mem>> -> memref<!tpu.dma_semaphore, #tpu.memory_space<semaphore_mem>>
        %dma_wait3A_737 = tpu.memref_slice %arg4[%add3A_727] : memref<320000xi32, #tpu.memory_space<hbm>> -> memref<80xi32, #tpu.memory_space<hbm>>
        tpu.wait_dma2 semaphore(%dma_wait3A_736 : memref<!tpu.dma_semaphore, #tpu.memory_space<semaphore_mem>>) src(%dma_wait3A_737 : memref<80xi32, #tpu.memory_space<hbm>>) dst(%arg18 : memref<80xi32, #tpu.memory_space<vmem>>)
        %dma_start3A_738 = arith.constant 2 : i32
        %dma_start3A_739 = arith.constant 0 : i32
        %dma_start3A_740 = arith.constant 0 : i32
        %dma_start3A_741 = tpu.memref_slice %arg2[%dma_start3A_739, %dma_start3A_740] : memref<10000x128xf32, #tpu.memory_space<hbm>> -> memref<10000x128xf32, #tpu.memory_space<hbm>>
        %dma_start3A_742 = tpu.memref_slice %arg24[%dma_start3A_738] : memref<3x!tpu.dma_semaphore, #tpu.memory_space<semaphore_mem>> -> memref<1x!tpu.dma_semaphore, #tpu.memory_space<semaphore_mem>>
        %dma_start3A_743 = tpu.memref_squeeze %dma_start3A_742 : memref<1x!tpu.dma_semaphore, #tpu.memory_space<semaphore_mem>> -> memref<!tpu.dma_semaphore, #tpu.memory_space<semaphore_mem>>
        tpu.enqueue_indirect_dma source(%dma_start3A_741 : memref<10000x128xf32, #tpu.memory_space<hbm>>) target(%arg21 : memref<80x128xf32, #tpu.memory_space<vmem>>) offsets(%arg12 : memref<80xi32, #tpu.memory_space<vmem>>) semaphore(%dma_start3A_743 : memref<!tpu.dma_semaphore, #tpu.memory_space<semaphore_mem>>)
      } else {
      }
      %dma_wait3A_650 = arith.constant 0 : i32
      %dma_wait3A_651 = arith.constant 0 : i32
      %dma_wait3A_652 = arith.constant 0 : i32
      %dma_wait3A_653 = tpu.memref_slice %arg2[%dma_wait3A_651, %dma_wait3A_652] : memref<10000x128xf32, #tpu.memory_space<hbm>> -> memref<10000x128xf32, #tpu.memory_space<hbm>>
      %dma_wait3A_654 = tpu.memref_slice %arg24[%dma_wait3A_650] : memref<3x!tpu.dma_semaphore, #tpu.memory_space<semaphore_mem>> -> memref<1x!tpu.dma_semaphore, #tpu.memory_space<semaphore_mem>>
      %dma_wait3A_655 = tpu.memref_squeeze %dma_wait3A_654 : memref<1x!tpu.dma_semaphore, #tpu.memory_space<semaphore_mem>> -> memref<!tpu.dma_semaphore, #tpu.memory_space<semaphore_mem>>
      tpu.wait_indirect_dma semaphore(%dma_wait3A_655 : memref<!tpu.dma_semaphore, #tpu.memory_space<semaphore_mem>>) src(%dma_wait3A_653 : memref<10000x128xf32, #tpu.memory_space<hbm>>) dst(%arg19 : memref<80x128xf32, #tpu.memory_space<vmem>>)
      %dma_start3A_656 = arith.constant 0 : i32
      %dma_start3A_657 = arith.constant 0 : i32
      %dma_start3A_658 = arith.constant 0 : i32
      %dma_start3A_659 = tpu.memref_slice %arg23[%dma_start3A_657, %dma_start3A_658] : memref<10000x128xf32, #tpu.memory_space<vmem_shared>> -> memref<10000x128xf32, #tpu.memory_space<vmem_shared>>
      %dma_start3A_660 = tpu.memref_slice %arg26[%dma_start3A_656] : memref<3x!tpu.dma_semaphore, #tpu.memory_space<semaphore_mem>> -> memref<1x!tpu.dma_semaphore, #tpu.memory_space<semaphore_mem>>
      %dma_start3A_661 = tpu.memref_squeeze %dma_start3A_660 : memref<1x!tpu.dma_semaphore, #tpu.memory_space<semaphore_mem>> -> memref<!tpu.dma_semaphore, #tpu.memory_space<semaphore_mem>>
      tpu.enqueue_indirect_dma source(%arg19 : memref<80x128xf32, #tpu.memory_space<vmem>>) target(%dma_start3A_659 : memref<10000x128xf32, #tpu.memory_space<vmem_shared>>) offsets(%arg16 : memref<80xi32, #tpu.memory_space<vmem>>) semaphore(%dma_start3A_661 : memref<!tpu.dma_semaphore, #tpu.memory_space<semaphore_mem>>) {add = true}
      %get3A_662 = arith.constant 0 : index
      %get3A_663 = tpu.vector_load %arg16[%get3A_662] {strides = array<i32>} : memref<80xi32, #tpu.memory_space<vmem>>, vector<16xi32>,
      tpu.vector_store_idx %arg22[%get3A_663], %broadcast_in_dim3A_101 {add = true} : memref<10000xf32, #tpu.memory_space<vmem>>[vector<16xi32>], vector<16xf32>,
      %get3A_664 = arith.constant 16 : index
      %get3A_665 = tpu.vector_load %arg16[%get3A_664] {strides = array<i32>} : memref<80xi32, #tpu.memory_space<vmem>>, vector<16xi32>,
      tpu.vector_store_idx %arg22[%get3A_665], %broadcast_in_dim3A_101 {add = true} : memref<10000xf32, #tpu.memory_space<vmem>>[vector<16xi32>], vector<16xf32>,
      %get3A_666 = arith.constant 32 : index
      %get3A_667 = tpu.vector_load %arg16[%get3A_666] {strides = array<i32>} : memref<80xi32, #tpu.memory_space<vmem>>, vector<16xi32>,
      tpu.vector_store_idx %arg22[%get3A_667], %broadcast_in_dim3A_101 {add = true} : memref<10000xf32, #tpu.memory_space<vmem>>[vector<16xi32>], vector<16xf32>,
      %get3A_668 = arith.constant 48 : index
      %get3A_669 = tpu.vector_load %arg16[%get3A_668] {strides = array<i32>} : memref<80xi32, #tpu.memory_space<vmem>>, vector<16xi32>,
      tpu.vector_store_idx %arg22[%get3A_669], %broadcast_in_dim3A_101 {add = true} : memref<10000xf32, #tpu.memory_space<vmem>>[vector<16xi32>], vector<16xf32>,
      %get3A_670 = arith.constant 64 : index
      %get3A_671 = tpu.vector_load %arg16[%get3A_670] {strides = array<i32>} : memref<80xi32, #tpu.memory_space<vmem>>, vector<16xi32>,
      tpu.vector_store_idx %arg22[%get3A_671], %broadcast_in_dim3A_101 {add = true} : memref<10000xf32, #tpu.memory_space<vmem>>[vector<16xi32>], vector<16xf32>,
      %le3A_672 = arith.constant 120 : i32
      %le3A_673 = arith.cmpi sle, %add3A_638, %le3A_672 : i32
      %convert_element_type3A_674 = arith.extui %le3A_673 : i1 to i32
      %cond3A_675 = arith.constant 0 : i32
      %cond3A_676 = arith.cmpi ne, %convert_element_type3A_674, %cond3A_675 : i32
      scf.if %cond3A_676 {
        %add3A_721 = arith.constant 4 : i32
        %add3A_722 = arith.addi %add3A_638, %add3A_721 : i32
        %mul3A_723 = arith.constant 10000 : i32
        %mul3A_724 = arith.muli %add3A, %mul3A_723 : i32
        %mul3A_725 = arith.constant 80 : i32
        %mul3A_726 = arith.muli %add3A_722, %mul3A_725 : i32
        %add3A_727 = arith.addi %mul3A_724, %mul3A_726 : i32
        %dma_start3A_728 = arith.constant 1 : i32
        %dma_start3A_729 = tpu.memref_slice %arg3[%add3A_727] : memref<320000xi32, #tpu.memory_space<hbm>> -> memref<80xi32, #tpu.memory_space<hbm>>
        %dma_start3A_730 = tpu.memref_slice %arg25[%dma_start3A_728] : memref<6x!tpu.dma_semaphore, #tpu.memory_space<semaphore_mem>> -> memref<1x!tpu.dma_semaphore, #tpu.memory_space<semaphore_mem>>
        %dma_start3A_731 = tpu.memref_squeeze %dma_start3A_730 : memref<1x!tpu.dma_semaphore, #tpu.memory_space<semaphore_mem>> -> memref<!tpu.dma_semaphore, #tpu.memory_space<semaphore_mem>>
        %dma_start3A_732 = tpu.memref_slice %arg3[%add3A_727] : memref<320000xi32, #tpu.memory_space<hbm>> -> memref<80xi32, #tpu.memory_space<hbm>>
        tpu.enqueue_dma source(%dma_start3A_732 : memref<80xi32, #tpu.memory_space<hbm>>) target(%arg8 : memref<80xi32, #tpu.memory_space<vmem>>) target_semaphore(%dma_start3A_731 : memref<!tpu.dma_semaphore, #tpu.memory_space<semaphore_mem>>)
        %dma_start3A_733 = arith.constant 1 : i32
        %dma_start3A_734 = tpu.memref_slice %arg4[%add3A_727] : memref<320000xi32, #tpu.memory_space<hbm>> -> memref<80xi32, #tpu.memory_space<hbm>>
        %dma_start3A_735 = tpu.memref_slice %arg25[%dma_start3A_733] : memref<6x!tpu.dma_semaphore, #tpu.memory_space<semaphore_mem>> -> memref<1x!tpu.dma_semaphore, #tpu.memory_space<semaphore_mem>>
        %dma_start3A_736 = tpu.memref_squeeze %dma_start3A_735 : memref<1x!tpu.dma_semaphore, #tpu.memory_space<semaphore_mem>> -> memref<!tpu.dma_semaphore, #tpu.memory_space<semaphore_mem>>
        %dma_start3A_737 = tpu.memref_slice %arg4[%add3A_727] : memref<320000xi32, #tpu.memory_space<hbm>> -> memref<80xi32, #tpu.memory_space<hbm>>
        tpu.enqueue_dma source(%dma_start3A_737 : memref<80xi32, #tpu.memory_space<hbm>>) target(%arg14 : memref<80xi32, #tpu.memory_space<vmem>>) target_semaphore(%dma_start3A_736 : memref<!tpu.dma_semaphore, #tpu.memory_space<semaphore_mem>>)
      } else {
      }
      %mul3A_677 = arith.constant 6 : i32
      %mul3A_678 = arith.muli %mul3A_677, %scan3A_459 : i32
      %add3A_679 = arith.constant 5 : i32
      %add3A_680 = arith.addi %mul3A_678, %add3A_679 : i32
      %add3A_681 = arith.constant 5 : i32
      %add3A_682 = arith.addi %add3A_680, %add3A_681 : i32
      %dma_wait3A_683 = arith.constant 0 : i32
      %dma_wait3A_684 = arith.constant 0 : i32
      %dma_wait3A_685 = arith.constant 0 : i32
      %dma_wait3A_686 = tpu.memref_slice %arg23[%dma_wait3A_684, %dma_wait3A_685] : memref<10000x128xf32, #tpu.memory_space<vmem_shared>> -> memref<10000x128xf32, #tpu.memory_space<vmem_shared>>
      %dma_wait3A_687 = tpu.memref_slice %arg26[%dma_wait3A_683] : memref<3x!tpu.dma_semaphore, #tpu.memory_space<semaphore_mem>> -> memref<1x!tpu.dma_semaphore, #tpu.memory_space<semaphore_mem>>
      %dma_wait3A_688 = tpu.memref_squeeze %dma_wait3A_687 : memref<1x!tpu.dma_semaphore, #tpu.memory_space<semaphore_mem>> -> memref<!tpu.dma_semaphore, #tpu.memory_space<semaphore_mem>>
      tpu.wait_indirect_dma semaphore(%dma_wait3A_688 : memref<!tpu.dma_semaphore, #tpu.memory_space<semaphore_mem>>) src(%arg19 : memref<80x128xf32, #tpu.memory_space<vmem>>) dst(%dma_wait3A_686 : memref<10000x128xf32, #tpu.memory_space<vmem_shared>>)
      %le3A_689 = arith.constant 122 : i32
      %le3A_690 = arith.cmpi sle, %add3A_682, %le3A_689 : i32
      %convert_element_type3A_691 = arith.extui %le3A_690 : i1 to i32
      %cond3A_692 = arith.constant 0 : i32
      %cond3A_693 = arith.cmpi ne, %convert_element_type3A_691, %cond3A_692 : i32
      scf.if %cond3A_693 {
        %add3A_721 = arith.constant 2 : i32
        %add3A_722 = arith.addi %add3A_682, %add3A_721 : i32
        %mul3A_723 = arith.constant 10000 : i32
        %mul3A_724 = arith.muli %add3A, %mul3A_723 : i32
        %mul3A_725 = arith.constant 80 : i32
        %mul3A_726 = arith.muli %add3A_722, %mul3A_725 : i32
        %add3A_727 = arith.addi %mul3A_724, %mul3A_726 : i32
        %dma_wait3A_728 = arith.constant 0 : i32
        %dma_wait3A_729 = tpu.memref_slice %arg3[%add3A_727] : memref<320000xi32, #tpu.memory_space<hbm>> -> memref<80xi32, #tpu.memory_space<hbm>>
        %dma_wait3A_730 = tpu.memref_slice %arg25[%dma_wait3A_728] : memref<6x!tpu.dma_semaphore, #tpu.memory_space<semaphore_mem>> -> memref<1x!tpu.dma_semaphore, #tpu.memory_space<semaphore_mem>>
        %dma_wait3A_731 = tpu.memref_squeeze %dma_wait3A_730 : memref<1x!tpu.dma_semaphore, #tpu.memory_space<semaphore_mem>> -> memref<!tpu.dma_semaphore, #tpu.memory_space<semaphore_mem>>
        %dma_wait3A_732 = tpu.memref_slice %arg3[%add3A_727] : memref<320000xi32, #tpu.memory_space<hbm>> -> memref<80xi32, #tpu.memory_space<hbm>>
        tpu.wait_dma2 semaphore(%dma_wait3A_731 : memref<!tpu.dma_semaphore, #tpu.memory_space<semaphore_mem>>) src(%dma_wait3A_732 : memref<80xi32, #tpu.memory_space<hbm>>) dst(%arg7 : memref<80xi32, #tpu.memory_space<vmem>>)
        %dma_wait3A_733 = arith.constant 0 : i32
        %dma_wait3A_734 = tpu.memref_slice %arg4[%add3A_727] : memref<320000xi32, #tpu.memory_space<hbm>> -> memref<80xi32, #tpu.memory_space<hbm>>
        %dma_wait3A_735 = tpu.memref_slice %arg25[%dma_wait3A_733] : memref<6x!tpu.dma_semaphore, #tpu.memory_space<semaphore_mem>> -> memref<1x!tpu.dma_semaphore, #tpu.memory_space<semaphore_mem>>
        %dma_wait3A_736 = tpu.memref_squeeze %dma_wait3A_735 : memref<1x!tpu.dma_semaphore, #tpu.memory_space<semaphore_mem>> -> memref<!tpu.dma_semaphore, #tpu.memory_space<semaphore_mem>>
        %dma_wait3A_737 = tpu.memref_slice %arg4[%add3A_727] : memref<320000xi32, #tpu.memory_space<hbm>> -> memref<80xi32, #tpu.memory_space<hbm>>
        tpu.wait_dma2 semaphore(%dma_wait3A_736 : memref<!tpu.dma_semaphore, #tpu.memory_space<semaphore_mem>>) src(%dma_wait3A_737 : memref<80xi32, #tpu.memory_space<hbm>>) dst(%arg13 : memref<80xi32, #tpu.memory_space<vmem>>)
        %dma_start3A_738 = arith.constant 0 : i32
        %dma_start3A_739 = arith.constant 0 : i32
        %dma_start3A_740 = arith.constant 0 : i32
        %dma_start3A_741 = tpu.memref_slice %arg2[%dma_start3A_739, %dma_start3A_740] : memref<10000x128xf32, #tpu.memory_space<hbm>> -> memref<10000x128xf32, #tpu.memory_space<hbm>>
        %dma_start3A_742 = tpu.memref_slice %arg24[%dma_start3A_738] : memref<3x!tpu.dma_semaphore, #tpu.memory_space<semaphore_mem>> -> memref<1x!tpu.dma_semaphore, #tpu.memory_space<semaphore_mem>>
        %dma_start3A_743 = tpu.memref_squeeze %dma_start3A_742 : memref<1x!tpu.dma_semaphore, #tpu.memory_space<semaphore_mem>> -> memref<!tpu.dma_semaphore, #tpu.memory_space<semaphore_mem>>
        tpu.enqueue_indirect_dma source(%dma_start3A_741 : memref<10000x128xf32, #tpu.memory_space<hbm>>) target(%arg19 : memref<80x128xf32, #tpu.memory_space<vmem>>) offsets(%arg7 : memref<80xi32, #tpu.memory_space<vmem>>) semaphore(%dma_start3A_743 : memref<!tpu.dma_semaphore, #tpu.memory_space<semaphore_mem>>)
      } else {
      }
      %dma_wait3A_694 = arith.constant 1 : i32
      %dma_wait3A_695 = arith.constant 0 : i32
      %dma_wait3A_696 = arith.constant 0 : i32
      %dma_wait3A_697 = tpu.memref_slice %arg2[%dma_wait3A_695, %dma_wait3A_696] : memref<10000x128xf32, #tpu.memory_space<hbm>> -> memref<10000x128xf32, #tpu.memory_space<hbm>>
      %dma_wait3A_698 = tpu.memref_slice %arg24[%dma_wait3A_694] : memref<3x!tpu.dma_semaphore, #tpu.memory_space<semaphore_mem>> -> memref<1x!tpu.dma_semaphore, #tpu.memory_space<semaphore_mem>>
      %dma_wait3A_699 = tpu.memref_squeeze %dma_wait3A_698 : memref<1x!tpu.dma_semaphore, #tpu.memory_space<semaphore_mem>> -> memref<!tpu.dma_semaphore, #tpu.memory_space<semaphore_mem>>
      tpu.wait_indirect_dma semaphore(%dma_wait3A_699 : memref<!tpu.dma_semaphore, #tpu.memory_space<semaphore_mem>>) src(%dma_wait3A_697 : memref<10000x128xf32, #tpu.memory_space<hbm>>) dst(%arg20 : memref<80x128xf32, #tpu.memory_space<vmem>>)
      %dma_start3A_700 = arith.constant 1 : i32
      %dma_start3A_701 = arith.constant 0 : i32
      %dma_start3A_702 = arith.constant 0 : i32
      %dma_start3A_703 = tpu.memref_slice %arg23[%dma_start3A_701, %dma_start3A_702] : memref<10000x128xf32, #tpu.memory_space<vmem_shared>> -> memref<10000x128xf32, #tpu.memory_space<vmem_shared>>
      %dma_start3A_704 = tpu.memref_slice %arg26[%dma_start3A_700] : memref<3x!tpu.dma_semaphore, #tpu.memory_space<semaphore_mem>> -> memref<1x!tpu.dma_semaphore, #tpu.memory_space<semaphore_mem>>
      %dma_start3A_705 = tpu.memref_squeeze %dma_start3A_704 : memref<1x!tpu.dma_semaphore, #tpu.memory_space<semaphore_mem>> -> memref<!tpu.dma_semaphore, #tpu.memory_space<semaphore_mem>>
      tpu.enqueue_indirect_dma source(%arg20 : memref<80x128xf32, #tpu.memory_space<vmem>>) target(%dma_start3A_703 : memref<10000x128xf32, #tpu.memory_space<vmem_shared>>) offsets(%arg17 : memref<80xi32, #tpu.memory_space<vmem>>) semaphore(%dma_start3A_705 : memref<!tpu.dma_semaphore, #tpu.memory_space<semaphore_mem>>) {add = true}
      %get3A_706 = arith.constant 0 : index
      %get3A_707 = tpu.vector_load %arg17[%get3A_706] {strides = array<i32>} : memref<80xi32, #tpu.memory_space<vmem>>, vector<16xi32>,
      tpu.vector_store_idx %arg22[%get3A_707], %broadcast_in_dim3A_101 {add = true} : memref<10000xf32, #tpu.memory_space<vmem>>[vector<16xi32>], vector<16xf32>,
      %get3A_708 = arith.constant 16 : index
      %get3A_709 = tpu.vector_load %arg17[%get3A_708] {strides = array<i32>} : memref<80xi32, #tpu.memory_space<vmem>>, vector<16xi32>,
      tpu.vector_store_idx %arg22[%get3A_709], %broadcast_in_dim3A_101 {add = true} : memref<10000xf32, #tpu.memory_space<vmem>>[vector<16xi32>], vector<16xf32>,
      %get3A_710 = arith.constant 32 : index
      %get3A_711 = tpu.vector_load %arg17[%get3A_710] {strides = array<i32>} : memref<80xi32, #tpu.memory_space<vmem>>, vector<16xi32>,
      tpu.vector_store_idx %arg22[%get3A_711], %broadcast_in_dim3A_101 {add = true} : memref<10000xf32, #tpu.memory_space<vmem>>[vector<16xi32>], vector<16xf32>,
      %get3A_712 = arith.constant 48 : index
      %get3A_713 = tpu.vector_load %arg17[%get3A_712] {strides = array<i32>} : memref<80xi32, #tpu.memory_space<vmem>>, vector<16xi32>,
      tpu.vector_store_idx %arg22[%get3A_713], %broadcast_in_dim3A_101 {add = true} : memref<10000xf32, #tpu.memory_space<vmem>>[vector<16xi32>], vector<16xf32>,
      %get3A_714 = arith.constant 64 : index
      %get3A_715 = tpu.vector_load %arg17[%get3A_714] {strides = array<i32>} : memref<80xi32, #tpu.memory_space<vmem>>, vector<16xi32>,
      tpu.vector_store_idx %arg22[%get3A_715], %broadcast_in_dim3A_101 {add = true} : memref<10000xf32, #tpu.memory_space<vmem>>[vector<16xi32>], vector<16xf32>,
      %le3A_716 = arith.constant 120 : i32
      %le3A_717 = arith.cmpi sle, %add3A_682, %le3A_716 : i32
      %convert_element_type3A_718 = arith.extui %le3A_717 : i1 to i32
      %cond3A_719 = arith.constant 0 : i32
      %cond3A_720 = arith.cmpi ne, %convert_element_type3A_718, %cond3A_719 : i32
      scf.if %cond3A_720 {
        %add3A_721 = arith.constant 4 : i32
        %add3A_722 = arith.addi %add3A_682, %add3A_721 : i32
        %mul3A_723 = arith.constant 10000 : i32
        %mul3A_724 = arith.muli %add3A, %mul3A_723 : i32
        %mul3A_725 = arith.constant 80 : i32
        %mul3A_726 = arith.muli %add3A_722, %mul3A_725 : i32
        %add3A_727 = arith.addi %mul3A_724, %mul3A_726 : i32
        %dma_start3A_728 = arith.constant 2 : i32
        %dma_start3A_729 = tpu.memref_slice %arg3[%add3A_727] : memref<320000xi32, #tpu.memory_space<hbm>> -> memref<80xi32, #tpu.memory_space<hbm>>
        %dma_start3A_730 = tpu.memref_slice %arg25[%dma_start3A_728] : memref<6x!tpu.dma_semaphore, #tpu.memory_space<semaphore_mem>> -> memref<1x!tpu.dma_semaphore, #tpu.memory_space<semaphore_mem>>
        %dma_start3A_731 = tpu.memref_squeeze %dma_start3A_730 : memref<1x!tpu.dma_semaphore, #tpu.memory_space<semaphore_mem>> -> memref<!tpu.dma_semaphore, #tpu.memory_space<semaphore_mem>>
        %dma_start3A_732 = tpu.memref_slice %arg3[%add3A_727] : memref<320000xi32, #tpu.memory_space<hbm>> -> memref<80xi32, #tpu.memory_space<hbm>>
        tpu.enqueue_dma source(%dma_start3A_732 : memref<80xi32, #tpu.memory_space<hbm>>) target(%arg9 : memref<80xi32, #tpu.memory_space<vmem>>) target_semaphore(%dma_start3A_731 : memref<!tpu.dma_semaphore, #tpu.memory_space<semaphore_mem>>)
        %dma_start3A_733 = arith.constant 2 : i32
        %dma_start3A_734 = tpu.memref_slice %arg4[%add3A_727] : memref<320000xi32, #tpu.memory_space<hbm>> -> memref<80xi32, #tpu.memory_space<hbm>>
        %dma_start3A_735 = tpu.memref_slice %arg25[%dma_start3A_733] : memref<6x!tpu.dma_semaphore, #tpu.memory_space<semaphore_mem>> -> memref<1x!tpu.dma_semaphore, #tpu.memory_space<semaphore_mem>>
        %dma_start3A_736 = tpu.memref_squeeze %dma_start3A_735 : memref<1x!tpu.dma_semaphore, #tpu.memory_space<semaphore_mem>> -> memref<!tpu.dma_semaphore, #tpu.memory_space<semaphore_mem>>
        %dma_start3A_737 = tpu.memref_slice %arg4[%add3A_727] : memref<320000xi32, #tpu.memory_space<hbm>> -> memref<80xi32, #tpu.memory_space<hbm>>
        tpu.enqueue_dma source(%dma_start3A_737 : memref<80xi32, #tpu.memory_space<hbm>>) target(%arg15 : memref<80xi32, #tpu.memory_space<vmem>>) target_semaphore(%dma_start3A_736 : memref<!tpu.dma_semaphore, #tpu.memory_space<semaphore_mem>>)
      } else {
      }
    }
    %scan3A_449 = arith.constant 20 : i32
    %dma_wait3A_450 = arith.constant 1 : i32
    %dma_wait3A_451 = arith.constant 0 : i32
    %dma_wait3A_452 = arith.constant 0 : i32
    %dma_wait3A_453 = tpu.memref_slice %arg23[%dma_wait3A_451, %dma_wait3A_452] : memref<10000x128xf32, #tpu.memory_space<vmem_shared>> -> memref<10000x128xf32, #tpu.memory_space<vmem_shared>>
    %dma_wait3A_454 = tpu.memref_slice %arg26[%dma_wait3A_450] : memref<3x!tpu.dma_semaphore, #tpu.memory_space<semaphore_mem>> -> memref<1x!tpu.dma_semaphore, #tpu.memory_space<semaphore_mem>>
    %dma_wait3A_455 = tpu.memref_squeeze %dma_wait3A_454 : memref<1x!tpu.dma_semaphore, #tpu.memory_space<semaphore_mem>> -> memref<!tpu.dma_semaphore, #tpu.memory_space<semaphore_mem>>
    tpu.wait_indirect_dma semaphore(%dma_wait3A_455 : memref<!tpu.dma_semaphore, #tpu.memory_space<semaphore_mem>>) src(%arg20 : memref<80x128xf32, #tpu.memory_space<vmem>>) dst(%dma_wait3A_453 : memref<10000x128xf32, #tpu.memory_space<vmem_shared>>)
    "tpu.region"() ({
      %run_scoped3A = tpu.sem_alloc : memref<!tpu.dma_semaphore, #tpu.memory_space<semaphore_mem>>
      %dma_start3A_459 = arith.constant 0 : i32
      %dma_start3A_460 = tpu.memref_slice %arg6[%add3A, %dma_start3A_459] : memref<32x10000xf32, #tpu.memory_space<hbm>> -> memref<1x10000xf32, #tpu.memory_space<hbm>>
      %dma_start3A_461 = tpu.memref_squeeze %dma_start3A_460 : memref<1x10000xf32, #tpu.memory_space<hbm>> -> memref<10000xf32, #tpu.memory_space<hbm>>
      %dma_start3A_462 = arith.constant 0 : i32
      %dma_start3A_463 = tpu.memref_slice %arg6[%add3A, %dma_start3A_462] : memref<32x10000xf32, #tpu.memory_space<hbm>> -> memref<1x10000xf32, #tpu.memory_space<hbm>>
      %dma_start3A_464 = tpu.memref_squeeze %dma_start3A_463 : memref<1x10000xf32, #tpu.memory_space<hbm>> -> memref<10000xf32, #tpu.memory_space<hbm>>
      tpu.enqueue_dma source(%arg22 : memref<10000xf32, #tpu.memory_space<vmem>>) target(%dma_start3A_464 : memref<10000xf32, #tpu.memory_space<hbm>>) target_semaphore(%run_scoped3A : memref<!tpu.dma_semaphore, #tpu.memory_space<semaphore_mem>>)
      %dma_wait3A_465 = arith.constant 0 : i32
      %dma_wait3A_466 = tpu.memref_slice %arg6[%add3A, %dma_wait3A_465] : memref<32x10000xf32, #tpu.memory_space<hbm>> -> memref<1x10000xf32, #tpu.memory_space<hbm>>
      %dma_wait3A_467 = tpu.memref_squeeze %dma_wait3A_466 : memref<1x10000xf32, #tpu.memory_space<hbm>> -> memref<10000xf32, #tpu.memory_space<hbm>>
      %dma_wait3A_468 = arith.constant 0 : i32
      %dma_wait3A_469 = tpu.memref_slice %arg6[%add3A, %dma_wait3A_468] : memref<32x10000xf32, #tpu.memory_space<hbm>> -> memref<1x10000xf32, #tpu.memory_space<hbm>>
      %dma_wait3A_470 = tpu.memref_squeeze %dma_wait3A_469 : memref<1x10000xf32, #tpu.memory_space<hbm>> -> memref<10000xf32, #tpu.memory_space<hbm>>
      tpu.wait_dma2 semaphore(%run_scoped3A : memref<!tpu.dma_semaphore, #tpu.memory_space<semaphore_mem>>) src(%arg22 : memref<10000xf32, #tpu.memory_space<vmem>>) dst(%dma_wait3A_470 : memref<10000xf32, #tpu.memory_space<hbm>>)
      tpu.yield
    }) : () -> ()
    %barrier3A_456 = arith.constant 0 : index
    tpu.barrier barrier_id(%barrier3A_456)
    %mul3A_457 = arith.constant 625 : i32
    %mul3A_458 = arith.muli %arg1, %mul3A_457 : i32
    "tpu.region"() ({
      %run_scoped3A = tpu.sem_alloc : memref<!tpu.dma_semaphore, #tpu.memory_space<semaphore_mem>>
      %dma_start3A_459 = arith.constant 0 : i32
      %dma_start3A_460 = arith.constant 0 : i32
      %dma_start3A_461 = tpu.memref_slice %arg5[%arg0, %arg1, %dma_start3A_459, %dma_start3A_460] : memref<2x16x625x128xf32, #tpu.memory_space<hbm>> -> memref<1x1x625x128xf32, #tpu.memory_space<hbm>>
      %dma_start3A_462 = tpu.memref_squeeze %dma_start3A_461 : memref<1x1x625x128xf32, #tpu.memory_space<hbm>> -> memref<625x128xf32, #tpu.memory_space<hbm>>
      %dma_start3A_463 = arith.constant 0 : i32
      %dma_start3A_464 = tpu.memref_slice %arg23[%mul3A_458, %dma_start3A_463] : memref<10000x128xf32, #tpu.memory_space<vmem_shared>> -> memref<625x128xf32, #tpu.memory_space<vmem_shared>>
      tpu.enqueue_dma source(%dma_start3A_464 : memref<625x128xf32, #tpu.memory_space<vmem_shared>>) target(%dma_start3A_462 : memref<625x128xf32, #tpu.memory_space<hbm>>) target_semaphore(%run_scoped3A : memref<!tpu.dma_semaphore, #tpu.memory_space<semaphore_mem>>)
      %dma_wait3A_465 = arith.constant 0 : i32
      %dma_wait3A_466 = arith.constant 0 : i32
      %dma_wait3A_467 = tpu.memref_slice %arg5[%arg0, %arg1, %dma_wait3A_465, %dma_wait3A_466] : memref<2x16x625x128xf32, #tpu.memory_space<hbm>> -> memref<1x1x625x128xf32, #tpu.memory_space<hbm>>
      %dma_wait3A_468 = tpu.memref_squeeze %dma_wait3A_467 : memref<1x1x625x128xf32, #tpu.memory_space<hbm>> -> memref<625x128xf32, #tpu.memory_space<hbm>>
      %dma_wait3A_469 = arith.constant 0 : i32
      %dma_wait3A_470 = tpu.memref_slice %arg23[%mul3A_458, %dma_wait3A_469] : memref<10000x128xf32, #tpu.memory_space<vmem_shared>> -> memref<625x128xf32, #tpu.memory_space<vmem_shared>>
      tpu.wait_dma2 semaphore(%run_scoped3A : memref<!tpu.dma_semaphore, #tpu.memory_space<semaphore_mem>>) src(%dma_wait3A_470 : memref<625x128xf32, #tpu.memory_space<vmem_shared>>) dst(%dma_wait3A_468 : memref<625x128xf32, #tpu.memory_space<hbm>>)
      tpu.yield
    }) : () -> ()
    return
  }
}

module attributes {stable_mosaic.version = 14 : i64} {
  func.func @mlp_kernel(%arg0: i32, %arg1: memref<2x1000x128xf32, #tpu.memory_space<vmem>>, %arg2: memref<32x10000xf32, #tpu.memory_space<vmem>>, %arg3: memref<128x128xf32, #tpu.memory_space<vmem>>, %arg4: memref<1x128xf32, #tpu.memory_space<vmem>>, %arg5: memref<1000x128xf32, #tpu.memory_space<vmem>>, %arg6: memref<1x1xf32, #tpu.memory_space<smem>>, %arg7: memref<10000x1xf32, #tpu.memory_space<vmem>>) attributes {dimension_semantics = [#tpu.dimension_semantics<arbitrary>], iteration_bounds = array<i64: 10>, scalar_prefetch = 0 : i64, scratch_operands = 1 : i64, tpu.core_type = #tpu.core_type<tc>, window_params = [{transform_indices = @transform_0, window_bounds = array<i64: 2, 1000, 128>}, {pipeline_mode = #tpu.pipeline_mode<synchronous>, transform_indices = @transform_1, window_bounds = array<i64: 32, 10000>}, {pipeline_mode = #tpu.pipeline_mode<synchronous>, transform_indices = @transform_2, window_bounds = array<i64: 128, 128>}, {pipeline_mode = #tpu.pipeline_mode<synchronous>, transform_indices = @transform_3, window_bounds = array<i64: 1, 128>}, {transform_indices = @transform_4, window_bounds = array<i64: 1000, 128>}, {transform_indices = @transform_5, window_bounds = array<i64: 1, 1>}]} {
    %eq3A = arith.constant 0 : i32
    %eq3A_0 = arith.cmpi eq, %arg0, %eq3A : i32
    %convert_element_type3A = arith.extui %eq3A_0 : i1 to i32
    %cond3A = arith.constant 0 : i32
    %cond3A_1 = arith.cmpi ne, %convert_element_type3A, %cond3A : i32
    scf.if %cond3A_1 {
      %broadcast_in_dim3A_64 = arith.constant 1.000000e+00 : f32
      %broadcast_in_dim3A_65 = vector.broadcast %broadcast_in_dim3A_64 : f32 to vector<32x1xf32>
      %get3A_66 = arith.constant 0 : index
      %get3A_67 = arith.constant 0 : index
      %get3A_68 = vector.load %arg2[%get3A_66, %get3A_67] : memref<32x10000xf32, #tpu.memory_space<vmem>>, vector<32x10000xf32>
      %dot_general3A_69 = arith.constant dense<0.000000e+00> : vector<10000x1xf32>
      %dot_general3A_70 = tpu.matmul %get3A_68, %broadcast_in_dim3A_65, %dot_general3A_69 {dimension_numbers = #tpu.dot_dimension_numbers<[0], [0], [1], [1], [0, 1, 1, 1], [], []>, transpose_lhs_hint = false} : vector<32x10000xf32>, vector<32x1xf32>, vector<10000x1xf32> -> vector<10000x1xf32>
      %swap3A_71 = arith.constant 0 : index
      %swap3A_72 = arith.constant 0 : index
      %swap3A_73 = vector.load %arg7[%swap3A_71, %swap3A_72] : memref<10000x1xf32, #tpu.memory_space<vmem>>, vector<10000x1xf32>
      tpu.vector_store %arg7[%swap3A_71, %swap3A_72], %dot_general3A_70 {strides = array<i32>} : memref<10000x1xf32, #tpu.memory_space<vmem>>, vector<10000x1xf32>,
    } else {
    }
    %get3A = arith.constant 0 : index
    %get3A_2 = arith.constant 0 : index
    %get3A_3 = arith.constant 0 : index
    %get3A_4 = vector.load %arg1[%get3A, %get3A_2, %get3A_3] : memref<2x1000x128xf32, #tpu.memory_space<vmem>>, vector<1x1000x128xf32>
    %get3A_5 = vector.shape_cast %get3A_4 : vector<1x1000x128xf32> to vector<1000x128xf32>
    %get3A_6 = arith.constant 1 : index
    %get3A_7 = arith.constant 0 : index
    %get3A_8 = arith.constant 0 : index
    %get3A_9 = vector.load %arg1[%get3A_6, %get3A_7, %get3A_8] : memref<2x1000x128xf32, #tpu.memory_space<vmem>>, vector<1x1000x128xf32>
    %get3A_10 = vector.shape_cast %get3A_9 : vector<1x1000x128xf32> to vector<1000x128xf32>
    %add3A = arith.addf %get3A_5, %get3A_10 : vector<1000x128xf32>
    %mul3A = arith.constant 1000 : i32
    %mul3A_11 = arith.muli %arg0, %mul3A : i32
    %get3A_12 = arith.index_cast %mul3A_11 : i32 to index
    %get3A_13 = arith.constant 0 : index
    %get3A_14 = vector.load %arg7[%get3A_12, %get3A_13] : memref<10000x1xf32, #tpu.memory_space<vmem>>, vector<1000x1xf32>
    %max3A = arith.constant 1.000000e+00 : f32
    %max3A_15 = vector.broadcast %max3A : f32 to vector<1000x1xf32>
    %max3A_16 = arith.maximumf %get3A_14, %max3A_15 : vector<1000x1xf32>
    %div3A = vector.broadcast %max3A_16 : vector<1000x1xf32> to vector<1000x128xf32>
    %div3A_17 = arith.divf %add3A, %div3A : vector<1000x128xf32>
    %mul3A_18 = arith.mulf %div3A_17, %div3A_17 : vector<1000x128xf32>
    %reduce_sum3A = arith.constant dense<0.000000e+00> : vector<1000xf32>
    %reduce_sum3A_19 = vector.multi_reduction <add>, %mul3A_18, %reduce_sum3A [1] : vector<1000x128xf32> to vector<1000xf32>
    %broadcast_in_dim3A = vector.shape_cast %reduce_sum3A_19 : vector<1000xf32> to vector<1000x1xf32>
    %div3A_20 = arith.constant 1.280000e+02 : f32
    %div3A_21 = vector.broadcast %div3A_20 : f32 to vector<1000x1xf32>
    %div3A_22 = arith.divf %broadcast_in_dim3A, %div3A_21 : vector<1000x1xf32>
    %sqrt3A = math.sqrt %div3A_22 : vector<1000x1xf32>
    %add3A_23 = arith.constant 9.99999993E-9 : f32
    %add3A_24 = vector.broadcast %add3A_23 : f32 to vector<1000x1xf32>
    %add3A_25 = arith.addf %sqrt3A, %add3A_24 : vector<1000x1xf32>
    %div3A_26 = vector.broadcast %add3A_25 : vector<1000x1xf32> to vector<1000x128xf32>
    %div3A_27 = arith.divf %div3A_17, %div3A_26 : vector<1000x128xf32>
    %get3A_28 = arith.constant 0 : index
    %get3A_29 = arith.constant 0 : index
    %get3A_30 = vector.load %arg3[%get3A_28, %get3A_29] : memref<128x128xf32, #tpu.memory_space<vmem>>, vector<128x128xf32>
    %dot_general3A = arith.constant dense<0.000000e+00> : vector<1000x128xf32>
    %dot_general3A_31 = tpu.matmul %div3A_27, %get3A_30, %dot_general3A {dimension_numbers = #tpu.dot_dimension_numbers<[1], [0], [0], [1], [0, 0, 1, 1], [], []>, transpose_lhs_hint = false} : vector<1000x128xf32>, vector<128x128xf32>, vector<1000x128xf32> -> vector<1000x128xf32>
    %get3A_32 = arith.constant 0 : index
    %get3A_33 = arith.constant 0 : index
    %get3A_34 = vector.load %arg4[%get3A_32, %get3A_33] : memref<1x128xf32, #tpu.memory_space<vmem>>, vector<1x128xf32>
    %add3A_35 = vector.broadcast %get3A_34 : vector<1x128xf32> to vector<1000x128xf32>
    %add3A_36 = arith.addf %dot_general3A_31, %add3A_35 : vector<1000x128xf32>
    %max3A_37 = arith.constant 0.000000e+00 : f32
    %max3A_38 = vector.broadcast %max3A_37 : f32 to vector<1000x128xf32>
    %max3A_39 = arith.maximumf %add3A_36, %max3A_38 : vector<1000x128xf32>
    %swap3A = arith.constant 0 : index
    %swap3A_40 = arith.constant 0 : index
    %swap3A_41 = vector.load %arg5[%swap3A, %swap3A_40] : memref<1000x128xf32, #tpu.memory_space<vmem>>, vector<1000x128xf32>
    tpu.vector_store %arg5[%swap3A, %swap3A_40], %max3A_39 {strides = array<i32>} : memref<1000x128xf32, #tpu.memory_space<vmem>>, vector<1000x128xf32>,
    %eq3A_42 = arith.constant 0 : i32
    %eq3A_43 = arith.cmpi eq, %arg0, %eq3A_42 : i32
    %convert_element_type3A_44 = arith.extui %eq3A_43 : i1 to i32
    %cond3A_45 = arith.constant 0 : i32
    %cond3A_46 = arith.cmpi ne, %convert_element_type3A_44, %cond3A_45 : i32
    scf.if %cond3A_46 {
      %swap3A_64 = arith.constant 0.000000e+00 : f32
      %swap3A_65 = arith.constant 0 : index
      %swap3A_66 = arith.constant 0 : index
      %swap3A_67 = memref.load %arg6[%swap3A_65, %swap3A_66] : memref<1x1xf32, #tpu.memory_space<smem>>
      memref.store %swap3A_64, %arg6[%swap3A_65, %swap3A_66] : memref<1x1xf32, #tpu.memory_space<smem>>
    } else {
    }
    %get3A_47 = arith.constant 0 : index
    %get3A_48 = arith.constant 0 : index
    %get3A_49 = memref.load %arg6[%get3A_47, %get3A_48] : memref<1x1xf32, #tpu.memory_space<smem>>
    %reduce_sum3A_50 = vector.shape_cast %add3A_36 : vector<1000x128xf32> to vector<1x1000x128xf32>
    %reduce_sum3A_51 = arith.constant dense<0.000000e+00> : vector<1xf32>
    %reduce_sum3A_52 = vector.multi_reduction <add>, %reduce_sum3A_50, %reduce_sum3A_51 [1, 2] : vector<1x1000x128xf32> to vector<1xf32>
    %reduce_sum3A_53 = vector.shape_cast %reduce_sum3A_52 : vector<1xf32> to vector<1x1x1xf32>
    %reduce_sum3A_54 = vector.extract %reduce_sum3A_53[0, 0, 0] : f32 from vector<1x1x1xf32>
    %add3A_55 = arith.addf %get3A_49, %reduce_sum3A_54 : f32
    %swap3A_56 = arith.constant 0 : index
    %swap3A_57 = arith.constant 0 : index
    %swap3A_58 = memref.load %arg6[%swap3A_56, %swap3A_57] : memref<1x1xf32, #tpu.memory_space<smem>>
    memref.store %add3A_55, %arg6[%swap3A_56, %swap3A_57] : memref<1x1xf32, #tpu.memory_space<smem>>
    %eq3A_59 = arith.constant 9 : i32
    %eq3A_60 = arith.cmpi eq, %arg0, %eq3A_59 : i32
    %convert_element_type3A_61 = arith.extui %eq3A_60 : i1 to i32
    %cond3A_62 = arith.constant 0 : i32
    %cond3A_63 = arith.cmpi ne, %convert_element_type3A_61, %cond3A_62 : i32
    scf.if %cond3A_63 {
      %get3A_64 = arith.constant 0 : index
      %get3A_65 = arith.constant 0 : index
      %get3A_66 = memref.load %arg6[%get3A_64, %get3A_65] : memref<1x1xf32, #tpu.memory_space<smem>>
      %div3A_67 = arith.constant 1.280000e+06 : f32
      %div3A_68 = arith.divf %get3A_66, %div3A_67 : f32
      %swap3A_69 = arith.constant 0 : index
      %swap3A_70 = arith.constant 0 : index
      %swap3A_71 = memref.load %arg6[%swap3A_69, %swap3A_70] : memref<1x1xf32, #tpu.memory_space<smem>>
      memref.store %div3A_68, %arg6[%swap3A_69, %swap3A_70] : memref<1x1xf32, #tpu.memory_space<smem>>
    } else {
    }
    return
  }
  func.func @transform_0(%arg0: i32) -> (i32, i32, i32) {
    %c0_i32 = arith.constant 0 : i32
    %c0_i32_0 = arith.constant 0 : i32
    %c0_i32_1 = arith.constant 0 : i32
    return %c0_i32, %arg0, %c0_i32_0 : i32, i32, i32
  }
  func.func @transform_1(%arg0: i32) -> (i32, i32) {
    %c0_i32 = arith.constant 0 : i32
    %c0_i32_0 = arith.constant 0 : i32
    %c0_i32_1 = arith.constant 0 : i32
    return %c0_i32, %c0_i32_0 : i32, i32
  }
  func.func @transform_2(%arg0: i32) -> (i32, i32) {
    %c0_i32 = arith.constant 0 : i32
    %c0_i32_0 = arith.constant 0 : i32
    %c0_i32_1 = arith.constant 0 : i32
    return %c0_i32, %c0_i32_0 : i32, i32
  }
  func.func @transform_3(%arg0: i32) -> (i32, i32) {
    %c0_i32 = arith.constant 0 : i32
    %c0_i32_0 = arith.constant 0 : i32
    %c0_i32_1 = arith.constant 0 : i32
    return %c0_i32, %c0_i32_0 : i32, i32
  }
  func.func @transform_4(%arg0: i32) -> (i32, i32) {
    %c0_i32 = arith.constant 0 : i32
    %c0_i32_0 = arith.constant 0 : i32
    return %arg0, %c0_i32 : i32, i32
  }
  func.func @transform_5(%arg0: i32) -> (i32, i32) {
    %c0_i32 = arith.constant 0 : i32
    %c0_i32_0 = arith.constant 0 : i32
    %c0_i32_1 = arith.constant 0 : i32
    return %c0_i32, %c0_i32_0 : i32, i32
  }
}

</mosaic_0001>

<sc_bundles>
// kernel: kernel.4.cloned.1.call-start
scs
__scs_entry_jumppad:
0x0: {  	(pc) =	sbr.rel $0x88, $3  }
0x1: {  	(tag) =	ssettag $0x0;
	lr =	simm.s32 $0x1  }
0x2: {  	[smem:$0x3F9D] =	sst lr;
	_ =	strace $0xD0000000  }
0x3: {  	_ = 	snop  }
0x4: {  	_ = 	snop  }
0x5: {  	_ = 	snop  }
0x6: {  	_ = 	snop  }
0x7: {  	_ = 	snop  }
__scs_overlays_trampoline_lowered:
0x8: {  	[smem:$0x3FAC] =	sst s0  }
0x9: {  	[smem:$0x3FAD] =	sst s1  }
0xa: {  	[smem:$0x3FAE] =	sst s2  }
0xb: {  	[smem:$0x3FAF] =	sst s3  }
0xc: {  	[smem:$0x3FB0] =	sst s4  }
0xd: {  	[smem:$0x3FB1] =	sst s5  }
0xe: {  	[smem:$0x3FB2] =	sst s6  }
0xf: {  	[smem:$0x3FB3] =	sst s7  }
0x10: {  	[smem:$0x3FB4] =	sst s8  }
0x11: {  	[smem:$0x3FB5] =	sst s9;
	s0 =	simm.s32 @!p0 $0x0  }
0x12: {  	s1 =	sld [smem:$0x3F9B];
	s0 =	simm.s32 @p0 $0x1  }
0x13: {  	[smem:$0x3FB6] =	sst s0;
	s0 =	simm.s32 @!p1 $0x0  }
0x14: {  	s2 =	sld [smem:$0x3F9A];
	s0 =	simm.s32 @p1 $0x1  }
0x15: {  	[smem:$0x3FB7] =	sst s0;
	s0 =	simm.s32 @!p2 $0x0  }
0x16: {  	s3 =	sld [smem:$0x3FDB];
	s0 =	simm.s32 @p2 $0x1  }
0x17: {  	s4 =	simm.s32 $0x1BF5;
	[smem:$0x3FB9] =	sst s0  }
0x18: {  	s0 =	sld [smem:$0x3F9C];
	_ =	swait.ge [sflag:s4], $0x0  }
0x19: {  	s7 =	sld [smem:$0x3F9D]  }
0x1a: {  	s8 =	sadd.s32 $0xFFFFE003, lr  }
0x1b: {  	s9 =	sadd.s32 $0xFFFFFEF7, lr;
	s5 =	simm.s32 $0xFFFFFFFF;
	p2 =	slt.u32 s8, $0xFFFFF086  }
0x1c: {  	p1 =	slt.u32 s9, $0xF7A;
	s5 =	simm.s32 @!p2 $0x0  }
0x1d: {  	s5 =	simm.s32 @p1 $0x1;
	p0 =	seq.s32 s7, s2  }
0x1e: {  	s7 =	smul.u32 @!p0 $0xF7A, s2;
	p2 =	seq.s32 @!p0 s5, $0x0  }
0x1f: {  	s9 =	smul.u32 $0xF7A, s1;
	s8 =	simm.s32 @!p0 $0x1BF5;
	p2 =	por !p2, p0  }
0x20: {  	[sflag:s8] =	ssyncset.s32 @!p0 $0xFFFFF086;
	s6 =	sadd.s32 @!p0 s3, s7;
	s7 =	simm.s32 @!p0 $0x108  }
0x21: {  	s3 =	sadd.s32 s3, s9;
	s6 =	sadd.s32 @!p0 $0x88, s6;
	s7 =	simm.s32 @p2 $0x1082  }
0x22: {  	[simem:s7], [sflag:s8] =	dma.local @!p0 [hbm:s6], $0xF7A  }
0x23: {  	s9 =	sor.u32 $0xD0000000, s2;
	s6 =	simm.s32 $0x108;
	_ =	swait.ge @!p0 [sflag:s8], $0x0  }
0x24: {  	s3 =	sadd.s32 $0x88, s3;
	s6 =	simm.s32 @!p1 $0x1082;
	[sflag:s4] =	ssyncset.s32 $0xFFFFF086  }
0x25: {  	[simem:s6], [sflag:s4] =	dma.local [hbm:s3], $0xF7A  }
0x26: {  	[smem:$0x3F9D] =	sst s1;
	(tag) =	ssettag s2;
	_ =	strace s9  }
0x27: {  	s1 =	sld [smem:$0x3FAD]  }
0x28: {  	s2 =	sld [smem:$0x3FAE]  }
0x29: {  	s4 =	sld [smem:$0x3FB0]  }
0x2a: {  	p0 =	seq.s32 s5, $0x0;
	s5 =	sld [smem:$0x3FB1]  }
0x2b: {  	s6 =	sld [smem:$0x3FB2]  }
0x2c: {  	s7 =	sld [smem:$0x3FB3]  }
0x2d: {  	s3 =	simm.s32 $0x108;
	s8 =	sld [smem:$0x3FB4]  }
0x2e: {  	s3 =	simm.s32 @!p0 $0x1082;
	s9 =	sld [smem:$0x3FB5]  }
0x2f: {  	lr =	sadd.s32 s0, s3;
	s0 =	sld [smem:$0x3FAC]  }
0x30: {  	s3 =	sld [smem:$0x3FAF]  }
0x31: {  	[smem:$0x3FB8] =	sst s10  }
0x32: {  	s10 =	sld [smem:$0x3FB6];
	_ =	sdelay $0x3  }
0x33: {  	p0 =	seq.s32 s10, $0x1;
	s10 =	sld [smem:$0x3FB8];
	_ =	sdelay $0x3  }
0x34: {  	[smem:$0x3FB8] =	sst s10  }
0x35: {  	s10 =	sld [smem:$0x3FB7];
	_ =	sdelay $0x3  }
0x36: {  	p1 =	seq.s32 s10, $0x1;
	s10 =	sld [smem:$0x3FB8];
	_ =	sdelay $0x3  }
0x37: {  	[smem:$0x3FB8] =	sst s10  }
0x38: {  	s10 =	sld [smem:$0x3FB9]  }
0x39: {  	_ = 	snop;
	(pc) =	sbr.ind lr, $3  }
0x3a: {  	_ = 	snop  }
0x3b: {  	_ = 	snop  }
0x3c: {  	p2 =	seq.s32 s10, $0x1;
	s10 =	sld [smem:$0x3FB8]  }
0x3d: {  	_ =	shalt  }
0x3e: {  	_ =	shalt  }
0x3f: {  	_ =	shalt  }
0x40: {  	_ =	shalt  }
0x41: {  	_ =	shalt  }
0x42: {  	_ =	shalt  }
0x43: {  	_ =	shalt  }
0x44: {  	_ =	shalt  }
0x45: {  	_ =	shalt  }
0x46: {  	_ =	shalt  }
0x47: {  	_ =	shalt  }
0x48: {  	_ =	shalt  }
0x49: {  	_ =	shalt  }
0x4a: {  	_ =	shalt  }
0x4b: {  	_ =	shalt  }
0x4c: {  	_ =	shalt  }
0x4d: {  	_ =	shalt  }
0x4e: {  	_ =	shalt  }
0x4f: {  	_ =	shalt  }
0x50: {  	_ =	shalt  }
0x51: {  	_ =	shalt  }
0x52: {  	_ =	shalt  }
0x53: {  	_ =	shalt  }
0x54: {  	_ =	shalt  }
0x55: {  	_ =	shalt  }
0x56: {  	_ =	shalt  }
0x57: {  	_ =	shalt  }
0x58: {  	_ =	shalt  }
0x59: {  	_ =	shalt  }
0x5a: {  	_ =	shalt  }
0x5b: {  	_ =	shalt  }
0x5c: {  	_ =	shalt  }
0x5d: {  	_ =	shalt  }
0x5e: {  	_ =	shalt  }
0x5f: {  	_ =	shalt  }
0x60: {  	_ =	shalt  }
0x61: {  	_ =	shalt  }
0x62: {  	_ =	shalt  }
0x63: {  	_ =	shalt  }
0x64: {  	_ =	shalt  }
0x65: {  	_ =	shalt  }
0x66: {  	_ =	shalt  }
0x67: {  	_ =	shalt  }
0x68: {  	_ =	shalt  }
0x69: {  	_ =	shalt  }
0x6a: {  	_ =	shalt  }
0x6b: {  	_ =	shalt  }
0x6c: {  	_ =	shalt  }
0x6d: {  	_ =	shalt  }
0x6e: {  	_ =	shalt  }
0x6f: {  	_ =	shalt  }
0x70: {  	_ =	shalt  }
0x71: {  	_ =	shalt  }
0x72: {  	_ =	shalt  }
0x73: {  	_ =	shalt  }
0x74: {  	_ =	shalt  }
0x75: {  	_ =	shalt  }
0x76: {  	_ =	shalt  }
0x77: {  	_ =	shalt  }
0x78: {  	_ =	shalt  }
0x79: {  	_ =	shalt  }
0x7a: {  	_ =	shalt  }
0x7b: {  	_ =	shalt  }
0x7c: {  	_ =	shalt  }
0x7d: {  	_ =	shalt  }
0x7e: {  	_ =	shalt  }
0x7f: {  	_ =	shalt  }
0x80: {  	_ =	shalt  }
0x81: {  	_ =	shalt  }
0x82: {  	_ =	shalt  }
0x83: {  	_ =	shalt  }
0x84: {  	_ =	shalt  }
0x85: {  	_ =	shalt  }
0x86: {  	_ =	shalt  }
0x87: {  	_ =	shalt  }
.Lfunc_end0:
.L_simem_size_0:
called_computation_lowered:
.L_overlay_start_0:
0x88: {  	s2 =	sld [smem:$0x3FD9]  }
0x89: {  	s3 =	sld [smem:$0x3FFE];
	_ =	sdelay $0x1  }
0x8a: {  	s1 =	srdreg.scid  }
0x8b: {  	s0 =	sand.u32 $0x1, s1  }
0x8c: {  	s14 =	sshll.u32 s0, $0xA;
	s2 =	sadd.s32 s3, s2  }
0x8d: {  	s2 =	sadd.s32 s2, s14  }
0x8e: {  	[smem:$0x3FC4] =	sst s2  }
0x8f: {  	_ = 	snop  }
0x90: {  	s2 =	sld [smem:$0x3FD0];
	_ =	sdelay $0x2  }
0x91: {  	s4 =	simm.s32 $0xA;
	s5 =	simm.s32 $0x10;
	s15 =	sld [smem:$0x3FC9]  }
0x92: {  	[smem:s5], [sflag:s4] =	dma.local [hbm:s2], $0x1  }
0x93: {  	_ =	swait.eq [sflag:s4], $0x1  }
0x94: {  	[sflag:s4] =	ssyncset.done $0x0  }
0x95: {  	[sflag:s4] =	ssyncadd.s32 $0xFFFFFFFF  }
0x96: {  	s16 =	sld [smem:$0x10];
	(tm) =	ssettm $0x1  }
0x97: {  	s17 =	sld [smem:$0x3FFB];
	_ =	sdelay $0x3  }
0x98: {  	_ =	strace s17  }
0x99: {  	s4 =	sld [smem:$0x3FFC];
	_ =	sdelay $0x3  }
0x9a: {  	_ =	strace s4  }
0x9b: {  	s4 =	sld [smem:$0x3FFD];
	_ =	sdelay $0x3  }
0x9c: {  	_ =	strace s4  }
0x9d: {  	_ =	strace $0x8FFFFFFF  }
0x9e: {  	s18 =	sld [smem:$0x3FDB];
	_ =	sdelay $0x1  }
0x9f: {  	s19 =	simm.s32 $_scs_section_size  }
0xa0: {  	s6 =	simm.s32 $_size__tile_overlayer_lowered;
	s7 =	simm.s32 $_tile_overlayer_lowered  }
0xa1: {  	s22 =	simm.s32 $0x1BFF;
	s21 =	sshll.u32 s7, $0x1;
	s4 =	sadd.s32 s19, s18  }
0xa2: {  	s8 =	simm.s32 $0x0;
	s20 =	sshll.u32 s6, $0x1;
	s6 =	sadd.s32 s21, s4  }
0xa3: {  	[timem:s8], [sflag:s22] =	dma.local [hbm:s6], s20  }
0xa4: {  	_ =	swait.ge [sflag:s22], s20  }
0xa5: {  	s5 =	ssub.s32 $0x0, s20;
	[sflag:s22] =	ssyncset.done $0x0  }
0xa6: {  	[sflag:s22] =	ssyncadd.s32 s5;
	_ =	sdelay $0x1  }
0xa7: {  	s23 =	simm.s32 $0x1B8B  }
0xa8: {  	_ =	swait.ge [sflag:s23], $0x1  }
0xa9: {  	[sflag:s23] =	ssyncset.done $0x0  }
0xaa: {  	s25 =	simm.s32 $0x1B8E;
	s24 =	sld [smem:$0x3FFE];
	[sflag:s23] =	ssyncadd.s32 $0xFFFFFFFF  }
0xab: {  	s26 =	simm.s32 $execute0_lowered;
	[smem:$0x3FD2] =	sst s25  }
0xac: {  	s6 =	sshll.u32 s26, $0x1;
	_ =	strace $0x80000046;
	[dreg:$0x1] =	wrdreg $0xFFFFFFFF  }
0xad: {  	s28 =	simm.s32 $_size_execute0_lowered;
	s4 =	sadd.s32 s4, s6;
	[dreg:$0x0] =	wrdreg $0x0  }
0xae: {  	s6 =	sshll.u32 s28, $0x1;
	[dreg:$0x2] =	wrdreg s4  }
0xaf: {  	[dreg:$0x3] =	wrdreg s6  }
0xb0: {  	[dreg:$0x4] =	wrdreg $0xC0  }
0xb1: {  	_ =	task [dreg:s8], $0x5FFFF  }
0xb2: {  	[dreg:$0x1] =	wrdreg $0xFFFFFFFF  }
0xb3: {  	[dreg:$0x0] =	wrdreg $0x60  }
0xb4: {  	[dreg:$0x2] =	wrdreg s15  }
0xb5: {  	[dreg:$0x3] =	wrdreg s24  }
0xb6: {  	[dreg:$0x4] =	wrdreg s16  }
0xb7: {  	[dreg:$0x5] =	wrdreg $0xA5800  }
0xb8: {  	[dreg:$0x6] =	wrdreg $0x9  }
0xb9: {  	_ =	task.clear_ibuf [dreg:s8], $0x7FFFF;
	_ =	strace $0x90000046  }
0xba: {  	s29 =	simm.s32 $0x9;
	_ =	strace $0x80000048  }
0xbb: {  	_ =	swait.ge [sflag:s29], $0x1  }
0xbc: {  	[sflag:s29] =	ssyncadd.s32 $0xFFFFFFFF  }
0xbd: {  	_ =	strace $0x90000048  }
0xbe: {  	_ =	sfence  }
0xbf: {  	s30 =	sld [smem:$0x0];
	_ =	sdelay $0x2  }
0xc0: {  	s31 =	sshll.u32 s1, $0xD;
	s1 =	sshrl.u32 s1, $0x2  }
0xc1: {  	s3 =	sand.u32 $0x4000, s31;
	s1 =	sadd.s32 s1, s30  }
0xc2: {  	s0 =	sor.u32 s3, s0;
	s1 =	sshll.u32 s1, $0x11  }
0xc3: {  	s0 =	sor.u32 s1, s0  }
0xc4: {  	s0 =	sadd.s32 $0x8F2B, s0  }
0xc5: {  	[sflag:s0] =	ssyncadd.remote.s32 $0x1  }
0xc6: {  	_ =	sfence.sel $0xFFFF  }
0xc7: {  	[dreg:$0x0] =	wrdreg $0xFFFFFFFF;
	(pc) =	sbr.abs _section_cstart, $3  }
0xc8: {  	[dreg:$0x1] =	wrdreg $0xFFFFFFFF  }
0xc9: {  	_ =	task.clear_ibuf [dreg:s8], $0x2FFFF;
	_ =	strace $0x9FFFFFFF  }
0xca: {  	(tm) =	ssettm $0x7FFFFFFF  }
0xcb: {  	_ =	shalt  }
tec
execute0_lowered:
.L_overlay_start_1:
0x0: {  	(tag) =	ssettag $0x1  }
0x1: {  	s0 =	rddreg [dreg:$0x1]  }
0x2: {  	s1 =	srdreg.scid;
	s2 =	rddreg [dreg:$0x2]  }
0x3: {  	s13 =	stileid.u32;
	s31 =	rddreg [dreg:$0x0]  }
0x4: {  	s30 =	rddreg [dreg:$0x3];
	s6 =	smul.u32 $0x13C00, s13  }
0x5: {  	s28 =	simm.s32 $0x80;
	s7 =	sand.u32 $0x1, s1;
	s18 =	smul.u32 $0x4E200, s13  }
0x6: {  	s1 =	simm.s32 $0x0;
	s26 =	smul.u32 $0x2710, s13;
	s3 =	sshll.u32 s7, $0x4  }
0x7: {  	s4 =	sadd.s32 $0xA600, s0;
	s5 =	smul.u32 $0x13C000, s7;
	s8 =	sor.u32 s13, s3  }
0x8: {  	[smem:$0x7FF] =	sst s1;
	s29 =	ssub.s32 $0x2, s7;
	s9 =	smul.u32 $0x2710, s8  }
0x9: {  	s7 =	smul.u32 $0x27100, s7;
	s3 =	sadd.s32 $0x800, s0;
	s10 =	sshrl.u32 s29, $0x1  }
0xa: {  	s5 =	sadd.s32 s6, s5;
	s6 =	ssub.s32 s29, s10;
	s9 =	sshrl.u32 s9, $0x3  }
0xb: {  	s8 =	sshrl.u32 s8, $0x3;
	s5 =	sshrl.u32 s5, $0x3;
	s10 =	sadd.s32 s4, s9  }
0xc: {  	s11 =	sadd.s32 s3, s9;
	s12 =	sadd.s32 $0xA, s9;
	[dreg:$0x5] =	wrdreg s10  }
0xd: {  	s5 =	sadd.s32 s5, s0;
	[dreg:$0x6] =	wrdreg s11;
	s11 =	sadd.s32 s4, s12  }
0xe: {  	s14 =	sadd.s32 $0x14, s9;
	s0 =	sadd.s32 s3, s12;
	[dreg:$0x7] =	wrdreg s11  }
0xf: {  	s8 =	smul.u32 $0x13C00, s8;
	s15 =	sadd.s32 s4, s14;
	[dreg:$0x8] =	wrdreg s0  }
0x10: {  	s17 =	sadd.s32 $0x1E, s9;
	s16 =	sadd.s32 s3, s14;
	[dreg:$0x9] =	wrdreg s15  }
0x11: {  	s20 =	sadd.s32 $0x28, s9;
	s19 =	sadd.s32 s4, s17;
	[dreg:$0xa] =	wrdreg s16  }
0x12: {  	s22 =	sadd.s32 $0x32, s9;
	s21 =	sadd.s32 s4, s20;
	[dreg:$0xb] =	wrdreg s19  }
0x13: {  	s25 =	sadd.s32 $0x3C, s9;
	s23 =	sadd.s32 s4, s22;
	[dreg:$0xd] =	wrdreg s21  }
0x14: {  	s10 =	sshrl.u32 s18, $0x2;
	s29 =	sadd.s32 s4, s25;
	[dreg:$0xf] =	wrdreg s23  }
0x15: {  	s12 =	sshll.u32 s13, $0x7;
	s14 =	sadd.s32 s3, s25;
	[dreg:$0x11] =	wrdreg s29  }
0x16: {  	s13 =	sadd.s32 $0x46, s9;
	s0 =	sadd.s32 s3, s17;
	[dreg:$0x13] =	wrdreg s14  }
0x17: {  	s24 =	sand.u32 $0x380, s12;
	s11 =	sadd.s32 s3, s22;
	[dreg:$0xc] =	wrdreg s0  }
0x18: {  	s15 =	sadd.s32 s26, s7;
	s16 =	sadd.s32 s4, s13;
	[dreg:$0x10] =	wrdreg s11  }
0x19: {  	s17 =	sadd.s32 $0x50, s9;
	s0 =	sadd.s32 s3, s20;
	[dreg:$0x14] =	wrdreg s16  }
0x1a: {  	s18 =	sadd.s32 $0x460, s15;
	s19 =	sadd.s32 s4, s17;
	s20 =	sadd.s32 $0x410, s15  }
0x1b: {  	s26 =	sadd.s32 $0x370, s15;
	s9 =	sadd.s32 $0x320, s15;
	s12 =	sadd.s32 $0x2D0, s15  }
0x1c: {  	[dreg:$0xe] =	wrdreg s0;
	s0 =	sor.u32 s24, s8;
	s7 =	sshrl.u32 s18, $0x3  }
0x1d: {  	[dreg:$0x16] =	wrdreg s19;
	s21 =	sshrl.u32 s20, $0x3;
	s22 =	sadd.s32 s7, s3  }
0x1e: {  	s24 =	sadd.s32 $0x3C0, s15;
	s7 =	sadd.s32 s7, s4;
	[dreg:$0x18] =	wrdreg s22  }
0x1f: {  	s11 =	sshrl.u32 s9, $0x3;
	s23 =	sadd.s32 s21, s3;
	[dreg:$0x19] =	wrdreg s7  }
0x20: {  	s8 =	sshrl.u32 s26, $0x3;
	s14 =	sadd.s32 s11, s3;
	[dreg:$0x1a] =	wrdreg s23  }
0x21: {  	s0 =	sshrl.u32 s0, $0x3;
	s15 =	sadd.s32 s11, s4;
	[smem:$0x7F0] =	sst s14  }
0x22: {  	s25 =	sshrl.u32 s24, $0x3;
	s0 =	sadd.s32 s2, s0;
	[smem:$0x7F1] =	sst s15  }
0x23: {  	s18 =	sadd.s32 s10, s30;
	s29 =	sadd.s32 s25, s3;
	[dreg:$0x12] =	wrdreg s0  }
0x24: {  	s19 =	sadd.s32 $0x14400, s5;
	s7 =	sadd.s32 s8, s3;
	[dreg:$0x1c] =	wrdreg s29  }
0x25: {  	s20 =	smax.u32 s6, $0x1;
	s0 =	sadd.s32 s3, s13;
	[dreg:$0x1e] =	wrdreg s7  }
0x26: {  	s13 =	sshrl.u32 s12, $0x3;
	[dreg:$0x15] =	wrdreg s0;
	s0 =	sadd.s32 s3, s17  }
0x27: {  	s6 =	simm.s32 $0x480;
	s16 =	sadd.s32 s13, s3;
	[dreg:$0x17] =	wrdreg s0  }
0x28: {  	s10 =	simm.s32 $0x50;
	s17 =	sadd.s32 s13, s4;
	[smem:$0x7F2] =	sst s16  }
0x29: {  	s5 =	simm.s32 $0x1;
	s0 =	sadd.s32 s21, s4;
	[smem:$0x7F3] =	sst s17  }
0x2a: {  	s9 =	simm.s32 $0x7E00;
	[dreg:$0x1b] =	wrdreg s0;
	s0 =	sadd.s32 s25, s4  }
0x2b: {  	s24 =	sadd.s32 $0xA000, s18;
	[dreg:$0x1d] =	wrdreg s0;
	s0 =	sadd.s32 s8, s4  }
0x2c: {  	s26 =	sadd.s32 $0xF000, s18;
	s11 =	simm.s32 $0x5;
	[dreg:$0x1f] =	wrdreg s0  }
0x2d: {  	s22 =	sadd.s32 $0x5000, s18;
	_ =	strace $0x80000047;
	[smem:$0x7F4] =	sst s19  }
0x2e: {  	s23 =	sadd.s32 $0x7800, s18;
	s21 =	sadd.s32 $0x2800, s18;
	[smem:$0x7F5] =	sst s20  }
0x2f: {  	s14 =	simm.s32 $0x5600;
	s15 =	simm.s32 $0x500;
	[smem:$0x7F6] =	sst s21  }
0x30: {  	s2 =	simm.s32 $0x0;
	s29 =	sadd.s32 $0x11800, s18;
	[smem:$0x7F7] =	sst s22  }
0x31: {  	s7 =	simm.s32 $0x600;
	s12 =	simm.s32 $0x2E00;
	[smem:$0x7F8] =	sst s23  }
0x32: {  	s3 =	simm.s32 $0x300;
	s25 =	sadd.s32 $0xC800, s18;
	[smem:$0x7F9] =	sst s24  }
0x33: {  	s13 =	simm.s32 $0x6;
	s17 =	simm.s32 $0xA;
	[smem:$0x7FA] =	sst s25  }
.Ltmp0:
0x34: {  	s16 =	simm.s32 $0x7;
	[smem:$0x7FB] =	sst s26;
	(pc) =	sbr.rel .LBB2_1-.Ltmp0, $4  }
0x35: {  	s4 =	simm.s32 $0x380;
	s8 =	simm.s32 $0x200;
	[smem:$0x7FC] =	sst s18  }
0x36: {  	[smem:$0x7FD] =	sst s29;
	s18 =	simm.s32 $0x100;
	s19 =	simm.s32 $0x400  }
0x37: {  	s20 =	simm.s32 $0x180;
	s21 =	simm.s32 $0x2;
	s22 =	simm.s32 $0xB  }
0x38: {  	v0 =	vimm.f32 $0.0e+00;
	v1 =	vimm.f32 $1.000000000e+00;
	s23 =	simm.s32 $0x8;
	s24 =	simm.s32 $0x3;
	s25 =	simm.s32 $0xC  }
.LBB2_8:
0x39: {  	_ =	swait.ge [sflag:s22], $0x2800  }
0x3a: {  	s28 =	simm.s32 $0x80;
	[sflag:s22] =	ssyncset.done $0x0  }
0x3b: {  	s29 =	simm.s32 $0xD;
	s0 =	rddreg [dreg:$0x12];
	[sflag:s22] =	ssyncadd.s32 $0xFFFFD800  }
0x3c: {  	[hbm4b:s0+s28] =	stream.strided.scatter [tilespmem:s9], [sflag:$0xD], $0x2780, s19, s28, $0x38;
	[tilespmem:$0x1DE00] =	vst v63  }
0x3d: {  	_ =	swait.ge [sflag:s29], $0x2780  }
0x3e: {  	[sflag:s29] =	ssyncset.done $0x0  }
0x3f: {  	[sflag:s29] =	ssyncadd.s32 $0xFFFFD880  }
0x40: {  	[bflag:$0x0] =	sbarrier.arrive $0xFFFF  }
0x41: {  	s26 =	stileid.u32;
	s2 =	sld [smem:$0x7FC]  }
0x42: {  	s0 =	sshll.u32 s26, $0x6;
	s26 =	sld [smem:$0x7F4];
	_ =	sdelay $0x1  }
0x43: {  	s0 =	sor.u32 $0x1C0D, s0;
	s2 =	sshrl.u32 s2, $0x3  }
0x44: {  	[hbm:s26], [sflag:s0] =	dma.local [spmem:s2], $0x2710  }
0x45: {  	_ =	swait.ge [sflag:s29], $0x2710  }
0x46: {  	s0 =	sld [smem:$0x7EF]  }
0x47: {  	s26 =	sld [smem:$0x7F5];
	_ =	sdelay $0x1  }
0x48: {  	s2 =	sadd.s32 $0x1, s0  }
0x49: {  	p0 =	sne.s32 s2, s26  }
.Ltmp1:
0x4a: {  	_ = 	snop;
	(pc) =	sbr.rel @!p0 .LBB2_9-.Ltmp1, $3  }
0x4b: {  	_ =	sdelay $0x1  }
0x4c: {  	[sflag:s29] =	ssyncset.done $0x0  }
0x4d: {  	[sflag:s29] =	ssyncadd.s32 $0xFFFFD8F0  }
.LBB2_1:
0x4e: {  	s0 =	rddreg [dreg:$0x5]  }
0x4f: {  	[tilespmem:s1], [sflag:$0x4] =	stream.linear.gather [hbm4b:s0+s1], $0x50, $0x38;
	[tilespmem:$0x1DE00] =	vst v63  }
0x50: {  	s29 =	rddreg [dreg:$0x6]  }
0x51: {  	[tilespmem:s3], [sflag:$0x4] =	stream.linear.gather [hbm4b:s29+s1], $0x50, $0x38;
	[tilespmem:$0x1DE00] =	vst v63  }
0x52: {  	s26 =	rddreg [dreg:$0x7]  }
0x53: {  	[tilespmem:s28], [sflag:$0x5] =	stream.linear.gather [hbm4b:s26+s1], $0x50, $0x38;
	[tilespmem:$0x1DE00] =	vst v63  }
0x54: {  	s29 =	rddreg [dreg:$0x8]  }
0x55: {  	[tilespmem:s4], [sflag:$0x5] =	stream.linear.gather [hbm4b:s29+s1], $0x50, $0x38;
	[tilespmem:$0x1DE00] =	vst v63  }
0x56: {  	s3 =	rddreg [dreg:$0x9]  }
0x57: {  	[tilespmem:s18], [sflag:$0x6] =	stream.linear.gather [hbm4b:s3+s1], $0x50, $0x38;
	[tilespmem:$0x1DE00] =	vst v63  }
0x58: {  	s4 =	rddreg [dreg:$0xa]  }
0x59: {  	[tilespmem:s19], [sflag:$0x6] =	stream.linear.gather [hbm4b:s4+s1], $0x50, $0x38;
	[tilespmem:$0x1DE00] =	vst v63  }
0x5a: {  	s26 =	rddreg [dreg:$0xb]  }
0x5b: {  	[tilespmem:s20], [sflag:$0x7] =	stream.linear.gather [hbm4b:s26+s1], $0x50, $0x38;
	[tilespmem:$0x1DE00] =	vst v63  }
0x5c: {  	s28 =	simm.s32 $0x200;
	s29 =	rddreg [dreg:$0xc];
	s26 =	simm.s32 $0x0  }
0x5d: {  	[tilespmem:s6], [sflag:$0x7] =	stream.linear.gather [hbm4b:s29+s1], $0x50, $0x38;
	[tilespmem:$0x1DE00] =	vst v63  }
.LBB2_2:
0x5e: {  	p0 =	sne.s32 s28, $0x9E00;
	[tilespmem:s26+$0x5670] =	vst v0  }
0x5f: {  	[tilespmem:s26+$0x600] =	vst v0  }
0x60: {  	[tilespmem:s26+$0x610] =	vst v0  }
0x61: {  	[tilespmem:s26+$0x620] =	vst v0  }
0x62: {  	[tilespmem:s26+$0x630] =	vst v0  }
0x63: {  	[tilespmem:s26+$0x640] =	vst v0  }
0x64: {  	[tilespmem:s26+$0x650] =	vst v0  }
0x65: {  	[tilespmem:s26+$0x660] =	vst v0  }
0x66: {  	[tilespmem:s26+$0x670] =	vst v0  }
0x67: {  	[tilespmem:s26+$0x2E00] =	vst v0  }
0x68: {  	[tilespmem:s26+$0x2E10] =	vst v0  }
0x69: {  	[tilespmem:s26+$0x2E20] =	vst v0  }
0x6a: {  	[tilespmem:s26+$0x2E30] =	vst v0  }
0x6b: {  	[tilespmem:s26+$0x2E40] =	vst v0  }
0x6c: {  	[tilespmem:s26+$0x2E50] =	vst v0  }
0x6d: {  	[tilespmem:s26+$0x2E60] =	vst v0  }
0x6e: {  	[tilespmem:s26+$0x2E70] =	vst v0  }
0x6f: {  	[tilespmem:s26+$0x5600] =	vst v0  }
0x70: {  	[tilespmem:s26+$0x5610] =	vst v0  }
.Ltmp2:
0x71: {  	[tilespmem:s26+$0x5620] =	vst v0;
	(pc) =	sbr.rel @p0 .LBB2_2-.Ltmp2, $4  }
0x72: {  	[tilespmem:s26+$0x5630] =	vst v0  }
0x73: {  	[tilespmem:s26+$0x5640] =	vst v0  }
0x74: {  	[tilespmem:s26+$0x5650] =	vst v0  }
0x75: {  	[tilespmem:s26+$0x5660] =	vst v0;
	s26 =	sshra.s32 s28, $0x2;
	s28 =	sadd.s32 $0x200, s28  }
0x76: {  	[tilespmem:s26+$0x5670] =	vst v0  }
0x77: {  	[tilespmem:s26+$0x600] =	vst v0  }
0x78: {  	[tilespmem:s26+$0x610] =	vst v0  }
0x79: {  	[tilespmem:s26+$0x620] =	vst v0  }
0x7a: {  	[tilespmem:s26+$0x630] =	vst v0  }
0x7b: {  	[tilespmem:s26+$0x640] =	vst v0  }
0x7c: {  	[tilespmem:s26+$0x650] =	vst v0  }
0x7d: {  	[tilespmem:s26+$0x660] =	vst v0  }
0x7e: {  	[tilespmem:s26+$0x670] =	vst v0  }
0x7f: {  	[tilespmem:s26+$0x2E00] =	vst v0  }
0x80: {  	[tilespmem:s26+$0x2E10] =	vst v0  }
0x81: {  	[tilespmem:s26+$0x2E20] =	vst v0  }
0x82: {  	[tilespmem:s26+$0x2E30] =	vst v0  }
0x83: {  	[tilespmem:s26+$0x2E40] =	vst v0  }
0x84: {  	[tilespmem:s26+$0x2E50] =	vst v0  }
0x85: {  	[tilespmem:s26+$0x2E60] =	vst v0  }
0x86: {  	[tilespmem:s26+$0x2E70] =	vst v0  }
0x87: {  	[tilespmem:s26+$0x5600] =	vst v0  }
0x88: {  	[tilespmem:s26+$0x5610] =	vst v0  }
0x89: {  	[tilespmem:s26+$0x5620] =	vst v0  }
0x8a: {  	[tilespmem:s26+$0x5630] =	vst v0  }
0x8b: {  	[tilespmem:s26+$0x5640] =	vst v0  }
0x8c: {  	[tilespmem:s26+$0x5650] =	vst v0  }
0x8d: {  	[smem:$0x7EF] =	sst s2;
	[tilespmem:s26+$0x5660] =	vst v0;
	s26 =	simm.s32 $0x40;
	s28 =	simm.s32 $0x0  }
.LBB2_4:
0x8e: {  	p0 =	sne.s32 s26, $0x9C00;
	[tilespmem:s28+$0x7E00] =	vst v0;
	s28 =	smov.u32 s26;
	s26 =	sadd.s32 $0x40, s26  }
.Ltmp3:
0x8f: {  	(pc) =	sbr.rel @p0 .LBB2_4-.Ltmp3, $2  }
0x90: {  	_ =	sdelay $0x2  }
0x91: {  	s28 =	sshra.s32 s28, $0x2  }
0x92: {  	s0 =	sld [smem:$0x7FC];
	_ =	sdelay $0x1  }
0x93: {  	[tilespmem:s28+$0x7E00] =	vst v0;
	s2 =	simm.s32 $0xD  }
0x94: {  	[spmem:s0] =	stream.linear.scatter [tilespmem:s7], [sflag:$0xD], $0x2800, $0x38;
	[tilespmem:$0x1DE00] =	vst v63  }
0x95: {  	_ =	swait.ge [sflag:s2], $0x2800  }
0x96: {  	s3 =	sld [smem:$0x7F6]  }
0x97: {  	[sflag:s2] =	ssyncset.done $0x0  }
0x98: {  	[sflag:s2] =	ssyncadd.s32 $0xFFFFD800  }
0x99: {  	[spmem:s3] =	stream.linear.scatter [tilespmem:s7], [sflag:$0xD], $0x2800, $0x38;
	[tilespmem:$0x1DE00] =	vst v63  }
0x9a: {  	_ =	swait.ge [sflag:s2], $0x2800  }
0x9b: {  	s4 =	sld [smem:$0x7F7]  }
0x9c: {  	[sflag:s2] =	ssyncset.done $0x0  }
0x9d: {  	[sflag:s2] =	ssyncadd.s32 $0xFFFFD800  }
0x9e: {  	[spmem:s4] =	stream.linear.scatter [tilespmem:s7], [sflag:$0xD], $0x2800, $0x38;
	[tilespmem:$0x1DE00] =	vst v63  }
0x9f: {  	_ =	swait.ge [sflag:s2], $0x2800  }
0xa0: {  	s26 =	sld [smem:$0x7F8]  }
0xa1: {  	[sflag:s2] =	ssyncset.done $0x0  }
0xa2: {  	[sflag:s2] =	ssyncadd.s32 $0xFFFFD800  }
0xa3: {  	[spmem:s26] =	stream.linear.scatter [tilespmem:s7], [sflag:$0xD], $0x2800, $0x38;
	[tilespmem:$0x1DE00] =	vst v63  }
0xa4: {  	_ =	swait.ge [sflag:s2], $0x2800  }
0xa5: {  	s29 =	sld [smem:$0x7F9]  }
0xa6: {  	[sflag:s2] =	ssyncset.done $0x0  }
0xa7: {  	[sflag:s2] =	ssyncadd.s32 $0xFFFFD800  }
0xa8: {  	[spmem:s29] =	stream.linear.scatter [tilespmem:s7], [sflag:$0xD], $0x2800, $0x38;
	[tilespmem:$0x1DE00] =	vst v63  }
0xa9: {  	_ =	swait.ge [sflag:s2], $0x2800  }
0xaa: {  	s3 =	sld [smem:$0x7FA]  }
0xab: {  	[sflag:s2] =	ssyncset.done $0x0  }
0xac: {  	[sflag:s2] =	ssyncadd.s32 $0xFFFFD800  }
0xad: {  	[spmem:s3] =	stream.linear.scatter [tilespmem:s7], [sflag:$0xD], $0x2800, $0x38;
	[tilespmem:$0x1DE00] =	vst v63  }
0xae: {  	_ =	swait.ge [sflag:s2], $0x2800  }
0xaf: {  	s4 =	sld [smem:$0x7FB]  }
0xb0: {  	[sflag:s2] =	ssyncset.done $0x0  }
0xb1: {  	[sflag:s2] =	ssyncadd.s32 $0xFFFFD800  }
0xb2: {  	[spmem:s4] =	stream.linear.scatter [tilespmem:s7], [sflag:$0xD], $0x2800, $0x38;
	[tilespmem:$0x1DE00] =	vst v63  }
0xb3: {  	_ =	swait.ge [sflag:s2], $0x2800  }
0xb4: {  	s26 =	sld [smem:$0x7FD]  }
0xb5: {  	[sflag:s2] =	ssyncset.done $0x0  }
0xb6: {  	[sflag:s2] =	ssyncadd.s32 $0xFFFFD800  }
0xb7: {  	[spmem:s26] =	stream.linear.scatter [tilespmem:s7], [sflag:$0xD], $0x2080, $0x38;
	[tilespmem:$0x1DE00] =	vst v63  }
0xb8: {  	_ =	swait.ge [sflag:s2], $0x2080  }
0xb9: {  	[sflag:s2] =	ssyncset.done $0x0  }
0xba: {  	[sflag:s2] =	ssyncadd.s32 $0xFFFFDF80  }
0xbb: {  	s2 =	simm.s32 $0x4;
	[bflag:$0x0] =	sbarrier.arrive $0xFFFF  }
0xbc: {  	_ =	swait.ge [sflag:s2], $0x50  }
0xbd: {  	[sflag:s2] =	ssyncset.done $0x0  }
0xbe: {  	[sflag:s2] =	ssyncadd.s32 $0xFFFFFFB0  }
0xbf: {  	_ =	swait.ge [sflag:s2], $0x50  }
0xc0: {  	[sflag:s2] =	ssyncset.done $0x0  }
0xc1: {  	s26 =	simm.s32 $0x0;
	[sflag:s2] =	ssyncadd.s32 $0xFFFFFFB0  }
0xc2: {  	[tilespmem:s7], [sflag:$0x1] =	stream.indirect.gather [hbm4b:s31+s10], $0x80, s26, s10, $0xb8;
	[tilespmem:$0x1DE00] =	vst v63  }
0xc3: {  	_ =	swait.ge [sflag:s11], $0x50  }
0xc4: {  	[sflag:s11] =	ssyncset.done $0x0  }
0xc5: {  	[sflag:s11] =	ssyncadd.s32 $0xFFFFFFB0  }
0xc6: {  	_ =	swait.ge [sflag:s11], $0x50  }
0xc7: {  	[sflag:s11] =	ssyncset.done $0x0  }
0xc8: {  	s28 =	simm.s32 $0x80;
	[sflag:s11] =	ssyncadd.s32 $0xFFFFFFB0  }
0xc9: {  	[tilespmem:s12], [sflag:$0x2] =	stream.indirect.gather [hbm4b:s31+s10], $0x80, s28, s10, $0xb8;
	[tilespmem:$0x1DE00] =	vst v63  }
0xca: {  	_ =	swait.ge [sflag:s13], $0x50  }
0xcb: {  	[sflag:s13] =	ssyncset.done $0x0  }
0xcc: {  	[sflag:s13] =	ssyncadd.s32 $0xFFFFFFB0  }
0xcd: {  	_ =	swait.ge [sflag:s13], $0x50  }
0xce: {  	[sflag:s13] =	ssyncset.done $0x0  }
0xcf: {  	[sflag:s13] =	ssyncadd.s32 $0xFFFFFFB0  }
0xd0: {  	[tilespmem:s14], [sflag:$0x3] =	stream.indirect.gather [hbm4b:s31+s10], $0x80, s18, s10, $0xb8;
	[tilespmem:$0x1DE00] =	vst v63  }
0xd1: {  	_ =	swait.ge [sflag:s5], $0x2800  }
0xd2: {  	[sflag:s5] =	ssyncset.done $0x0  }
0xd3: {  	s29 =	simm.s32 $0x300;
	[sflag:s5] =	ssyncadd.s32 $0xFFFFD800  }
0xd4: {  	[spmem:s30] =	stream.indirect.scatter.add.f32 [tilespmem:s7], [sflag:$0xA], $0x80, s29, s10, $0xb8;
	[tilespmem:$0x1DE00] =	vst v63  }
0xd5: {  	v2 =	vld [tilespmem:$0x300];
	_ =	sdelay $0x7  }
0xd6: {  	[tilespmem:v2+s9+$0x0] =	vst.idx.add.f32.msk $0xffff, v1  }
0xd7: {  	v2 =	vld [tilespmem:$0x310];
	_ =	sdelay $0x7  }
0xd8: {  	[tilespmem:v2+s9+$0x0] =	vst.idx.add.f32.msk $0xffff, v1  }
0xd9: {  	v2 =	vld [tilespmem:$0x320];
	_ =	sdelay $0x7  }
0xda: {  	[tilespmem:v2+s9+$0x0] =	vst.idx.add.f32.msk $0xffff, v1  }
0xdb: {  	v2 =	vld [tilespmem:$0x330];
	_ =	sdelay $0x7  }
0xdc: {  	[tilespmem:v2+s9+$0x0] =	vst.idx.add.f32.msk $0xffff, v1  }
0xdd: {  	v2 =	vld [tilespmem:$0x340];
	_ =	sdelay $0x7  }
0xde: {  	s3 =	rddreg [dreg:$0xd];
	[tilespmem:v2+s9+$0x0] =	vst.idx.add.f32.msk $0xffff, v1  }
0xdf: {  	[tilespmem:s8], [sflag:$0x8] =	stream.linear.gather [hbm4b:s3+s26], $0x50, $0x38;
	[tilespmem:$0x1DE00] =	vst v63  }
0xe0: {  	s4 =	rddreg [dreg:$0xe]  }
0xe1: {  	[tilespmem:s15], [sflag:$0x8] =	stream.linear.gather [hbm4b:s4+s26], $0x50, $0x38;
	[tilespmem:$0x1DE00] =	vst v63  }
0xe2: {  	_ =	swait.ge [sflag:s17], $0x2800  }
0xe3: {  	[sflag:s17] =	ssyncset.done $0x0  }
0xe4: {  	[sflag:s17] =	ssyncadd.s32 $0xFFFFD800  }
0xe5: {  	_ =	swait.ge [sflag:s16], $0x50  }
0xe6: {  	[sflag:s16] =	ssyncset.done $0x0  }
0xe7: {  	[sflag:s16] =	ssyncadd.s32 $0xFFFFFFB0  }
0xe8: {  	_ =	swait.ge [sflag:s16], $0x50  }
0xe9: {  	[sflag:s16] =	ssyncset.done $0x0  }
0xea: {  	[sflag:s16] =	ssyncadd.s32 $0xFFFFFFB0  }
0xeb: {  	[tilespmem:s7], [sflag:$0x1] =	stream.indirect.gather [hbm4b:s31+s10], $0x80, s20, s10, $0xb8;
	[tilespmem:$0x1DE00] =	vst v63  }
0xec: {  	_ =	swait.ge [sflag:s21], $0x2800  }
0xed: {  	[sflag:s21] =	ssyncset.done $0x0  }
0xee: {  	s29 =	simm.s32 $0x380;
	[sflag:s21] =	ssyncadd.s32 $0xFFFFD800  }
0xef: {  	[spmem:s30] =	stream.indirect.scatter.add.f32 [tilespmem:s12], [sflag:$0xB], $0x80, s29, s10, $0xb8;
	[tilespmem:$0x1DE00] =	vst v63  }
0xf0: {  	v2 =	vld [tilespmem:$0x380];
	_ =	sdelay $0x7  }
0xf1: {  	[tilespmem:v2+s9+$0x0] =	vst.idx.add.f32.msk $0xffff, v1  }
0xf2: {  	v2 =	vld [tilespmem:$0x390];
	_ =	sdelay $0x7  }
0xf3: {  	[tilespmem:v2+s9+$0x0] =	vst.idx.add.f32.msk $0xffff, v1  }
0xf4: {  	v2 =	vld [tilespmem:$0x3A0];
	_ =	sdelay $0x7  }
0xf5: {  	[tilespmem:v2+s9+$0x0] =	vst.idx.add.f32.msk $0xffff, v1  }
0xf6: {  	v2 =	vld [tilespmem:$0x3B0];
	_ =	sdelay $0x7  }
0xf7: {  	[tilespmem:v2+s9+$0x0] =	vst.idx.add.f32.msk $0xffff, v1  }
0xf8: {  	v2 =	vld [tilespmem:$0x3C0];
	_ =	sdelay $0x7  }
0xf9: {  	s4 =	simm.s32 $0x280;
	s3 =	rddreg [dreg:$0xf];
	[tilespmem:v2+s9+$0x0] =	vst.idx.add.f32.msk $0xffff, v1  }
0xfa: {  	[tilespmem:s4], [sflag:$0x9] =	stream.linear.gather [hbm4b:s3+s26], $0x50, $0x38;
	[tilespmem:$0x1DE00] =	vst v63  }
0xfb: {  	s29 =	rddreg [dreg:$0x10];
	s3 =	simm.s32 $0x580  }
0xfc: {  	[tilespmem:s3], [sflag:$0x9] =	stream.linear.gather [hbm4b:s29+s26], $0x50, $0x38;
	[tilespmem:$0x1DE00] =	vst v63  }
0xfd: {  	_ =	swait.ge [sflag:s22], $0x2800  }
0xfe: {  	[sflag:s22] =	ssyncset.done $0x0  }
0xff: {  	[sflag:s22] =	ssyncadd.s32 $0xFFFFD800  }
0x100: {  	_ =	swait.ge [sflag:s23], $0x50  }
0x101: {  	[sflag:s23] =	ssyncset.done $0x0  }
0x102: {  	[sflag:s23] =	ssyncadd.s32 $0xFFFFFFB0  }
0x103: {  	_ =	swait.ge [sflag:s23], $0x50  }
0x104: {  	[sflag:s23] =	ssyncset.done $0x0  }
0x105: {  	[sflag:s23] =	ssyncadd.s32 $0xFFFFFFB0  }
0x106: {  	[tilespmem:s12], [sflag:$0x2] =	stream.indirect.gather [hbm4b:s31+s10], $0x80, s8, s10, $0xb8;
	[tilespmem:$0x1DE00] =	vst v63  }
0x107: {  	_ =	swait.ge [sflag:s24], $0x2800  }
0x108: {  	[sflag:s24] =	ssyncset.done $0x0  }
0x109: {  	[sflag:s24] =	ssyncadd.s32 $0xFFFFD800  }
0x10a: {  	[spmem:s30] =	stream.indirect.scatter.add.f32 [tilespmem:s14], [sflag:$0xC], $0x80, s19, s10, $0xb8;
	[tilespmem:$0x1DE00] =	vst v63  }
0x10b: {  	v2 =	vld [tilespmem:$0x400];
	_ =	sdelay $0x7  }
0x10c: {  	[tilespmem:v2+s9+$0x0] =	vst.idx.add.f32.msk $0xffff, v1  }
0x10d: {  	v2 =	vld [tilespmem:$0x410];
	_ =	sdelay $0x7  }
0x10e: {  	[tilespmem:v2+s9+$0x0] =	vst.idx.add.f32.msk $0xffff, v1  }
0x10f: {  	v2 =	vld [tilespmem:$0x420];
	_ =	sdelay $0x7  }
0x110: {  	[tilespmem:v2+s9+$0x0] =	vst.idx.add.f32.msk $0xffff, v1  }
0x111: {  	v2 =	vld [tilespmem:$0x430];
	_ =	sdelay $0x7  }
0x112: {  	[tilespmem:v2+s9+$0x0] =	vst.idx.add.f32.msk $0xffff, v1  }
0x113: {  	v2 =	vld [tilespmem:$0x440];
	_ =	sdelay $0x7  }
0x114: {  	s3 =	rddreg [dreg:$0x11];
	[tilespmem:v2+s9+$0x0] =	vst.idx.add.f32.msk $0xffff, v1  }
0x115: {  	[tilespmem:s26], [sflag:$0x4] =	stream.linear.gather [hbm4b:s3+s26], $0x50, $0x38;
	[tilespmem:$0x1DE00] =	vst v63  }
0x116: {  	s29 =	simm.s32 $0x300;
	s0 =	rddreg [dreg:$0x13]  }
0x117: {  	[tilespmem:s29], [sflag:$0x4] =	stream.linear.gather [hbm4b:s0+s26], $0x50, $0x38;
	[tilespmem:$0x1DE00] =	vst v63  }
0x118: {  	_ =	swait.ge [sflag:s25], $0x2800  }
0x119: {  	[sflag:s25] =	ssyncset.done $0x0  }
0x11a: {  	s29 =	simm.s32 $0x9;
	[sflag:s25] =	ssyncadd.s32 $0xFFFFD800  }
0x11b: {  	_ =	swait.ge [sflag:s29], $0x50  }
0x11c: {  	[sflag:s29] =	ssyncset.done $0x0  }
0x11d: {  	[sflag:s29] =	ssyncadd.s32 $0xFFFFFFB0  }
0x11e: {  	_ =	swait.ge [sflag:s29], $0x50  }
0x11f: {  	[sflag:s29] =	ssyncset.done $0x0  }
0x120: {  	[sflag:s29] =	ssyncadd.s32 $0xFFFFFFB0  }
0x121: {  	[tilespmem:s14], [sflag:$0x3] =	stream.indirect.gather [hbm4b:s31+s10], $0x80, s4, s10, $0xb8;
	[tilespmem:$0x1DE00] =	vst v63  }
0x122: {  	_ =	swait.ge [sflag:s5], $0x2800  }
0x123: {  	[sflag:s5] =	ssyncset.done $0x0  }
0x124: {  	[sflag:s5] =	ssyncadd.s32 $0xFFFFD800  }
0x125: {  	[spmem:s30] =	stream.indirect.scatter.add.f32 [tilespmem:s7], [sflag:$0xA], $0x80, s6, s10, $0xb8;
	[tilespmem:$0x1DE00] =	vst v63  }
0x126: {  	v2 =	vld [tilespmem:$0x480];
	_ =	sdelay $0x7  }
0x127: {  	[tilespmem:v2+s9+$0x0] =	vst.idx.add.f32.msk $0xffff, v1  }
0x128: {  	v2 =	vld [tilespmem:$0x490];
	_ =	sdelay $0x7  }
0x129: {  	[tilespmem:v2+s9+$0x0] =	vst.idx.add.f32.msk $0xffff, v1  }
0x12a: {  	v2 =	vld [tilespmem:$0x4A0];
	_ =	sdelay $0x7  }
0x12b: {  	[tilespmem:v2+s9+$0x0] =	vst.idx.add.f32.msk $0xffff, v1  }
0x12c: {  	v2 =	vld [tilespmem:$0x4B0];
	_ =	sdelay $0x7  }
0x12d: {  	[tilespmem:v2+s9+$0x0] =	vst.idx.add.f32.msk $0xffff, v1  }
0x12e: {  	v2 =	vld [tilespmem:$0x4C0];
	_ =	sdelay $0x7  }
0x12f: {  	s29 =	rddreg [dreg:$0x14];
	[tilespmem:v2+s9+$0x0] =	vst.idx.add.f32.msk $0xffff, v1  }
0x130: {  	[tilespmem:s28], [sflag:$0x5] =	stream.linear.gather [hbm4b:s29+s26], $0x50, $0x38;
	[tilespmem:$0x1DE00] =	vst v63  }
0x131: {  	s0 =	rddreg [dreg:$0x15];
	s29 =	simm.s32 $0x380  }
0x132: {  	[tilespmem:s29], [sflag:$0x5] =	stream.linear.gather [hbm4b:s0+s26], $0x50, $0x38;
	[tilespmem:$0x1DE00] =	vst v63  }
0x133: {  	_ =	swait.ge [sflag:s17], $0x2800  }
0x134: {  	[sflag:s17] =	ssyncset.done $0x0  }
0x135: {  	[sflag:s17] =	ssyncadd.s32 $0xFFFFD800  }
0x136: {  	_ =	swait.ge [sflag:s2], $0x50  }
0x137: {  	[sflag:s2] =	ssyncset.done $0x0  }
0x138: {  	[sflag:s2] =	ssyncadd.s32 $0xFFFFFFB0  }
0x139: {  	_ =	swait.ge [sflag:s2], $0x50  }
0x13a: {  	[sflag:s2] =	ssyncset.done $0x0  }
0x13b: {  	[sflag:s2] =	ssyncadd.s32 $0xFFFFFFB0  }
0x13c: {  	[tilespmem:s7], [sflag:$0x1] =	stream.indirect.gather [hbm4b:s31+s10], $0x80, s26, s10, $0xb8;
	[tilespmem:$0x1DE00] =	vst v63  }
0x13d: {  	_ =	swait.ge [sflag:s21], $0x2800  }
0x13e: {  	[sflag:s21] =	ssyncset.done $0x0  }
0x13f: {  	[sflag:s21] =	ssyncadd.s32 $0xFFFFD800  }
0x140: {  	[spmem:s30] =	stream.indirect.scatter.add.f32 [tilespmem:s12], [sflag:$0xB], $0x80, s15, s10, $0xb8;
	[tilespmem:$0x1DE00] =	vst v63  }
0x141: {  	v2 =	vld [tilespmem:$0x500];
	_ =	sdelay $0x7  }
0x142: {  	[tilespmem:v2+s9+$0x0] =	vst.idx.add.f32.msk $0xffff, v1  }
0x143: {  	v2 =	vld [tilespmem:$0x510];
	_ =	sdelay $0x7  }
0x144: {  	[tilespmem:v2+s9+$0x0] =	vst.idx.add.f32.msk $0xffff, v1  }
0x145: {  	v2 =	vld [tilespmem:$0x520];
	_ =	sdelay $0x7  }
0x146: {  	[tilespmem:v2+s9+$0x0] =	vst.idx.add.f32.msk $0xffff, v1  }
0x147: {  	v2 =	vld [tilespmem:$0x530];
	_ =	sdelay $0x7  }
0x148: {  	[tilespmem:v2+s9+$0x0] =	vst.idx.add.f32.msk $0xffff, v1  }
0x149: {  	v2 =	vld [tilespmem:$0x540];
	_ =	sdelay $0x7  }
0x14a: {  	s2 =	rddreg [dreg:$0x16];
	[tilespmem:v2+s9+$0x0] =	vst.idx.add.f32.msk $0xffff, v1  }
0x14b: {  	[tilespmem:s18], [sflag:$0x6] =	stream.linear.gather [hbm4b:s2+s26], $0x50, $0x38;
	[tilespmem:$0x1DE00] =	vst v63  }
0x14c: {  	s3 =	simm.s32 $0x300;
	s4 =	simm.s32 $0x380;
	s29 =	rddreg [dreg:$0x17]  }
0x14d: {  	[tilespmem:s19], [sflag:$0x6] =	stream.linear.gather [hbm4b:s29+s26], $0x50, $0x38;
	[tilespmem:$0x1DE00] =	vst v63  }
.LBB2_6:
0x14e: {  	_ =	swait.ge [sflag:s22], $0x2800  }
0x14f: {  	[sflag:s22] =	ssyncset.done $0x0  }
0x150: {  	[sflag:s22] =	ssyncadd.s32 $0xFFFFD800  }
0x151: {  	_ =	swait.ge [sflag:s11], $0x50  }
0x152: {  	[sflag:s11] =	ssyncset.done $0x0  }
0x153: {  	[sflag:s11] =	ssyncadd.s32 $0xFFFFFFB0  }
0x154: {  	_ =	swait.ge [sflag:s11], $0x50  }
0x155: {  	[sflag:s11] =	ssyncset.done $0x0  }
0x156: {  	[sflag:s11] =	ssyncadd.s32 $0xFFFFFFB0  }
0x157: {  	[tilespmem:s12], [sflag:$0x2] =	stream.indirect.gather [hbm4b:s31+s10], $0x80, s28, s10, $0xb8;
	[tilespmem:$0x1DE00] =	vst v63  }
0x158: {  	_ =	swait.ge [sflag:s24], $0x2800  }
0x159: {  	[sflag:s24] =	ssyncset.done $0x0  }
0x15a: {  	s0 =	simm.s32 $0x580;
	[sflag:s24] =	ssyncadd.s32 $0xFFFFD800  }
0x15b: {  	[spmem:s30] =	stream.indirect.scatter.add.f32 [tilespmem:s14], [sflag:$0xC], $0x80, s0, s10, $0xb8;
	[tilespmem:$0x1DE00] =	vst v63  }
0x15c: {  	v2 =	vld [tilespmem:$0x580];
	_ =	sdelay $0x7  }
0x15d: {  	[tilespmem:v2+s9+$0x0] =	vst.idx.add.f32.msk $0xffff, v1  }
0x15e: {  	v2 =	vld [tilespmem:$0x590];
	_ =	sdelay $0x7  }
0x15f: {  	[tilespmem:v2+s9+$0x0] =	vst.idx.add.f32.msk $0xffff, v1  }
0x160: {  	v2 =	vld [tilespmem:$0x5A0];
	_ =	sdelay $0x7  }
0x161: {  	[tilespmem:v2+s9+$0x0] =	vst.idx.add.f32.msk $0xffff, v1  }
0x162: {  	v2 =	vld [tilespmem:$0x5B0];
	_ =	sdelay $0x7  }
0x163: {  	[tilespmem:v2+s9+$0x0] =	vst.idx.add.f32.msk $0xffff, v1  }
0x164: {  	v2 =	vld [tilespmem:$0x5C0];
	_ =	sdelay $0x3  }
0x165: {  	s29 =	sld [smem:$0x7F3];
	_ =	sdelay $0x2  }
0x166: {  	s2 =	sadd.s32 s26, s29;
	s29 =	sld [smem:$0x7F2]  }
0x167: {  	[tilespmem:v2+s9+$0x0] =	vst.idx.add.f32.msk $0xffff, v1  }
0x168: {  	[tilespmem:s20], [sflag:$0x7] =	stream.linear.gather [hbm4b:s2+s1], $0x50, $0x38;
	[tilespmem:$0x1DE00] =	vst v63  }
0x169: {  	s2 =	sadd.s32 s26, s29  }
0x16a: {  	[tilespmem:s6], [sflag:$0x7] =	stream.linear.gather [hbm4b:s2+s1], $0x50, $0x38;
	[tilespmem:$0x1DE00] =	vst v63  }
0x16b: {  	_ =	swait.ge [sflag:s25], $0x2800  }
0x16c: {  	[sflag:s25] =	ssyncset.done $0x0  }
0x16d: {  	[sflag:s25] =	ssyncadd.s32 $0xFFFFD800  }
0x16e: {  	_ =	swait.ge [sflag:s13], $0x50  }
0x16f: {  	[sflag:s13] =	ssyncset.done $0x0  }
0x170: {  	[sflag:s13] =	ssyncadd.s32 $0xFFFFFFB0  }
0x171: {  	_ =	swait.ge [sflag:s13], $0x50  }
0x172: {  	[sflag:s13] =	ssyncset.done $0x0  }
0x173: {  	[sflag:s13] =	ssyncadd.s32 $0xFFFFFFB0  }
0x174: {  	[tilespmem:s14], [sflag:$0x3] =	stream.indirect.gather [hbm4b:s31+s10], $0x80, s18, s10, $0xb8;
	[tilespmem:$0x1DE00] =	vst v63  }
0x175: {  	_ =	swait.ge [sflag:s5], $0x2800  }
0x176: {  	[sflag:s5] =	ssyncset.done $0x0  }
0x177: {  	[sflag:s5] =	ssyncadd.s32 $0xFFFFD800  }
0x178: {  	[spmem:s30] =	stream.indirect.scatter.add.f32 [tilespmem:s7], [sflag:$0xA], $0x80, s3, s10, $0xb8;
	[tilespmem:$0x1DE00] =	vst v63  }
0x179: {  	v2 =	vld [tilespmem:$0x300];
	_ =	sdelay $0x7  }
0x17a: {  	[tilespmem:v2+s9+$0x0] =	vst.idx.add.f32.msk $0xffff, v1  }
0x17b: {  	v2 =	vld [tilespmem:$0x310];
	_ =	sdelay $0x7  }
0x17c: {  	[tilespmem:v2+s9+$0x0] =	vst.idx.add.f32.msk $0xffff, v1  }
0x17d: {  	v2 =	vld [tilespmem:$0x320];
	_ =	sdelay $0x7  }
0x17e: {  	[tilespmem:v2+s9+$0x0] =	vst.idx.add.f32.msk $0xffff, v1  }
0x17f: {  	v2 =	vld [tilespmem:$0x330];
	_ =	sdelay $0x7  }
0x180: {  	[tilespmem:v2+s9+$0x0] =	vst.idx.add.f32.msk $0xffff, v1  }
0x181: {  	v2 =	vld [tilespmem:$0x340];
	_ =	sdelay $0x4  }
0x182: {  	s29 =	sld [smem:$0x7F1];
	_ =	sdelay $0x1  }
0x183: {  	s28 =	sld [smem:$0x7F0]  }
0x184: {  	s2 =	sadd.s32 s26, s29;
	[tilespmem:v2+s9+$0x0] =	vst.idx.add.f32.msk $0xffff, v1  }
0x185: {  	[tilespmem:s8], [sflag:$0x8] =	stream.linear.gather [hbm4b:s2+s1], $0x50, $0x38;
	[tilespmem:$0x1DE00] =	vst v63  }
0x186: {  	s29 =	sadd.s32 s26, s28  }
0x187: {  	[tilespmem:s15], [sflag:$0x8] =	stream.linear.gather [hbm4b:s29+s1], $0x50, $0x38;
	[tilespmem:$0x1DE00] =	vst v63  }
0x188: {  	_ =	swait.ge [sflag:s17], $0x2800  }
0x189: {  	[sflag:s17] =	ssyncset.done $0x0  }
0x18a: {  	[sflag:s17] =	ssyncadd.s32 $0xFFFFD800  }
0x18b: {  	_ =	swait.ge [sflag:s16], $0x50  }
0x18c: {  	[sflag:s16] =	ssyncset.done $0x0  }
0x18d: {  	[sflag:s16] =	ssyncadd.s32 $0xFFFFFFB0  }
0x18e: {  	_ =	swait.ge [sflag:s16], $0x50  }
0x18f: {  	[sflag:s16] =	ssyncset.done $0x0  }
0x190: {  	[sflag:s16] =	ssyncadd.s32 $0xFFFFFFB0  }
0x191: {  	[tilespmem:s7], [sflag:$0x1] =	stream.indirect.gather [hbm4b:s31+s10], $0x80, s20, s10, $0xb8;
	[tilespmem:$0x1DE00] =	vst v63  }
0x192: {  	_ =	swait.ge [sflag:s21], $0x2800  }
0x193: {  	[sflag:s21] =	ssyncset.done $0x0  }
0x194: {  	[sflag:s21] =	ssyncadd.s32 $0xFFFFD800  }
0x195: {  	[spmem:s30] =	stream.indirect.scatter.add.f32 [tilespmem:s12], [sflag:$0xB], $0x80, s4, s10, $0xb8;
	[tilespmem:$0x1DE00] =	vst v63  }
0x196: {  	v2 =	vld [tilespmem:$0x380];
	_ =	sdelay $0x7  }
0x197: {  	[tilespmem:v2+s9+$0x0] =	vst.idx.add.f32.msk $0xffff, v1  }
0x198: {  	v2 =	vld [tilespmem:$0x390];
	_ =	sdelay $0x7  }
0x199: {  	[tilespmem:v2+s9+$0x0] =	vst.idx.add.f32.msk $0xffff, v1  }
0x19a: {  	v2 =	vld [tilespmem:$0x3A0];
	_ =	sdelay $0x7  }
0x19b: {  	[tilespmem:v2+s9+$0x0] =	vst.idx.add.f32.msk $0xffff, v1  }
0x19c: {  	v2 =	vld [tilespmem:$0x3B0];
	_ =	sdelay $0x7  }
0x19d: {  	[tilespmem:v2+s9+$0x0] =	vst.idx.add.f32.msk $0xffff, v1  }
0x19e: {  	v2 =	vld [tilespmem:$0x3C0];
	_ =	sdelay $0x6  }
0x19f: {  	p0 =	seq.s32 s26, $0x474;
	s0 =	rddreg [dreg:$0x1f]  }
0x1a0: {  	s29 =	simm.s32 @!p0 $0x0;
	s28 =	sadd.s32 @!p0 s26, s0;
	s0 =	simm.s32 @!p0 $0x280;
	[tilespmem:v2+s9+$0x0] =	vst.idx.add.f32.msk $0xffff, v1  }
0x1a1: {  	[tilespmem:s0], [sflag:$0x9] =	stream.linear.gather @!p0 [hbm4b:s28+s29], $0x50, $0x38;
	[tilespmem:$0x1DE00] =	vst v63  }
0x1a2: {  	s0 =	rddreg [dreg:$0x1e]  }
0x1a3: {  	s28 =	simm.s32 @!p0 $0x580;
	s0 =	sadd.s32 @!p0 s26, s0  }
0x1a4: {  	[tilespmem:s28], [sflag:$0x9] =	stream.linear.gather @!p0 [hbm4b:s0+s29], $0x50, $0x38;
	[tilespmem:$0x1DE00] =	vst v63  }
0x1a5: {  	_ =	swait.ge [sflag:s22], $0x2800  }
0x1a6: {  	[sflag:s22] =	ssyncset.done $0x0  }
0x1a7: {  	[sflag:s22] =	ssyncadd.s32 $0xFFFFD800  }
0x1a8: {  	_ =	swait.ge [sflag:s23], $0x50  }
0x1a9: {  	[sflag:s23] =	ssyncset.done $0x0  }
0x1aa: {  	[sflag:s23] =	ssyncadd.s32 $0xFFFFFFB0  }
0x1ab: {  	_ =	swait.ge [sflag:s23], $0x50  }
0x1ac: {  	[sflag:s23] =	ssyncset.done $0x0  }
0x1ad: {  	[sflag:s23] =	ssyncadd.s32 $0xFFFFFFB0  }
0x1ae: {  	[tilespmem:s12], [sflag:$0x2] =	stream.indirect.gather [hbm4b:s31+s10], $0x80, s8, s10, $0xb8;
	[tilespmem:$0x1DE00] =	vst v63  }
0x1af: {  	_ =	swait.ge [sflag:s24], $0x2800  }
0x1b0: {  	[sflag:s24] =	ssyncset.done $0x0  }
0x1b1: {  	[sflag:s24] =	ssyncadd.s32 $0xFFFFD800  }
0x1b2: {  	[spmem:s30] =	stream.indirect.scatter.add.f32 [tilespmem:s14], [sflag:$0xC], $0x80, s19, s10, $0xb8;
	[tilespmem:$0x1DE00] =	vst v63  }
0x1b3: {  	v2 =	vld [tilespmem:$0x400];
	_ =	sdelay $0x7  }
0x1b4: {  	[tilespmem:v2+s9+$0x0] =	vst.idx.add.f32.msk $0xffff, v1  }
0x1b5: {  	v2 =	vld [tilespmem:$0x410];
	_ =	sdelay $0x7  }
0x1b6: {  	[tilespmem:v2+s9+$0x0] =	vst.idx.add.f32.msk $0xffff, v1  }
0x1b7: {  	v2 =	vld [tilespmem:$0x420];
	_ =	sdelay $0x7  }
0x1b8: {  	[tilespmem:v2+s9+$0x0] =	vst.idx.add.f32.msk $0xffff, v1  }
0x1b9: {  	v2 =	vld [tilespmem:$0x430];
	_ =	sdelay $0x7  }
0x1ba: {  	[tilespmem:v2+s9+$0x0] =	vst.idx.add.f32.msk $0xffff, v1  }
0x1bb: {  	v2 =	vld [tilespmem:$0x440];
	_ =	sdelay $0x6  }
0x1bc: {  	p1 =	sne.s32 s26, $0x474;
	s0 =	rddreg [dreg:$0x1d]  }
0x1bd: {  	s28 =	simm.s32 @p1 $0x0;
	s0 =	sadd.s32 @p1 s26, s0;
	[tilespmem:v2+s9+$0x0] =	vst.idx.add.f32.msk $0xffff, v1  }
0x1be: {  	[tilespmem:s28], [sflag:$0x4] =	stream.linear.gather @p1 [hbm4b:s0+s28], $0x50, $0x38;
	[tilespmem:$0x1DE00] =	vst v63  }
0x1bf: {  	s0 =	rddreg [dreg:$0x1c]  }
0x1c0: {  	s29 =	simm.s32 @p1 $0x300;
	s0 =	sadd.s32 @p1 s26, s0  }
0x1c1: {  	[tilespmem:s29], [sflag:$0x4] =	stream.linear.gather @p1 [hbm4b:s0+s28], $0x50, $0x38;
	[tilespmem:$0x1DE00] =	vst v63  }
0x1c2: {  	s0 =	simm.s32 @p1 $0xC  }
0x1c3: {  	_ =	swait.ge @p1 [sflag:s0], $0x2800  }
0x1c4: {  	[sflag:s0] =	ssyncset.done @p1 $0x0  }
0x1c5: {  	[sflag:s0] =	ssyncadd.s32 @p1 $0xFFFFD800;
	s0 =	simm.s32 @p1 $0x9  }
0x1c6: {  	_ =	swait.ge @p1 [sflag:s0], $0x50  }
0x1c7: {  	[sflag:s0] =	ssyncset.done @p1 $0x0  }
0x1c8: {  	[sflag:s0] =	ssyncadd.s32 @p1 $0xFFFFFFB0  }
0x1c9: {  	_ =	swait.ge @p1 [sflag:s0], $0x50  }
0x1ca: {  	s2 =	simm.s32 @p1 $0x5600;
	[sflag:s0] =	ssyncset.done @p1 $0x0  }
0x1cb: {  	s29 =	simm.s32 @p1 $0x280;
	[sflag:s0] =	ssyncadd.s32 @p1 $0xFFFFFFB0;
	s0 =	simm.s32 @p1 $0x50  }
0x1cc: {  	[tilespmem:s2], [sflag:$0x3] =	stream.indirect.gather @p1 [hbm4b:s31+s0], $0x80, s29, s0, $0xb8;
	[tilespmem:$0x1DE00] =	vst v63  }
0x1cd: {  	s2 =	simm.s32 @!p1 $0xC  }
0x1ce: {  	_ =	swait.ge @!p1 [sflag:s2], $0x2800  }
0x1cf: {  	[sflag:s2] =	ssyncset.done @!p1 $0x0  }
0x1d0: {  	[sflag:s2] =	ssyncadd.s32 @!p1 $0xFFFFD800  }
0x1d1: {  	_ =	swait.ge [sflag:s5], $0x2800  }
0x1d2: {  	[sflag:s5] =	ssyncset.done $0x0  }
0x1d3: {  	[sflag:s5] =	ssyncadd.s32 $0xFFFFD800  }
0x1d4: {  	[spmem:s30] =	stream.indirect.scatter.add.f32 [tilespmem:s7], [sflag:$0xA], $0x80, s6, s10, $0xb8;
	[tilespmem:$0x1DE00] =	vst v63  }
0x1d5: {  	v2 =	vld [tilespmem:$0x480];
	_ =	sdelay $0x7  }
0x1d6: {  	[tilespmem:v2+s9+$0x0] =	vst.idx.add.f32.msk $0xffff, v1  }
0x1d7: {  	v2 =	vld [tilespmem:$0x490];
	_ =	sdelay $0x7  }
0x1d8: {  	[tilespmem:v2+s9+$0x0] =	vst.idx.add.f32.msk $0xffff, v1  }
0x1d9: {  	v2 =	vld [tilespmem:$0x4A0];
	_ =	sdelay $0x7  }
0x1da: {  	[tilespmem:v2+s9+$0x0] =	vst.idx.add.f32.msk $0xffff, v1  }
0x1db: {  	v2 =	vld [tilespmem:$0x4B0];
	_ =	sdelay $0x7  }
0x1dc: {  	[tilespmem:v2+s9+$0x0] =	vst.idx.add.f32.msk $0xffff, v1  }
0x1dd: {  	v2 =	vld [tilespmem:$0x4C0];
	_ =	sdelay $0x6  }
0x1de: {  	s2 =	rddreg [dreg:$0x1b]  }
0x1df: {  	s29 =	simm.s32 @p1 $0x80;
	s2 =	sadd.s32 @p1 s26, s2;
	[tilespmem:v2+s9+$0x0] =	vst.idx.add.f32.msk $0xffff, v1  }
0x1e0: {  	[tilespmem:s29], [sflag:$0x5] =	stream.linear.gather @p1 [hbm4b:s2+s28], $0x50, $0x38;
	[tilespmem:$0x1DE00] =	vst v63  }
0x1e1: {  	s2 =	rddreg [dreg:$0x1a]  }
0x1e2: {  	s29 =	simm.s32 @p1 $0x380;
	s2 =	sadd.s32 @p1 s26, s2  }
0x1e3: {  	[tilespmem:s29], [sflag:$0x5] =	stream.linear.gather @p1 [hbm4b:s2+s28], $0x50, $0x38;
	[tilespmem:$0x1DE00] =	vst v63  }
0x1e4: {  	s2 =	simm.s32 @p1 $0xA  }
0x1e5: {  	_ =	swait.ge @p1 [sflag:s2], $0x2800  }
0x1e6: {  	[sflag:s2] =	ssyncset.done @p1 $0x0  }
0x1e7: {  	[sflag:s2] =	ssyncadd.s32 @p1 $0xFFFFD800;
	s2 =	simm.s32 @p1 $0x4  }
0x1e8: {  	_ =	swait.ge @p1 [sflag:s2], $0x50  }
0x1e9: {  	[sflag:s2] =	ssyncset.done @p1 $0x0  }
0x1ea: {  	[sflag:s2] =	ssyncadd.s32 @p1 $0xFFFFFFB0  }
0x1eb: {  	_ =	swait.ge @p1 [sflag:s2], $0x50  }
0x1ec: {  	[sflag:s2] =	ssyncset.done @p1 $0x0  }
0x1ed: {  	[sflag:s2] =	ssyncadd.s32 @p1 $0xFFFFFFB0;
	s2 =	simm.s32 @p1 $0x600  }
0x1ee: {  	[tilespmem:s2], [sflag:$0x1] =	stream.indirect.gather @p1 [hbm4b:s31+s0], $0x80, s28, s0, $0xb8;
	[tilespmem:$0x1DE00] =	vst v63  }
0x1ef: {  	s0 =	simm.s32 @!p1 $0xA  }
0x1f0: {  	_ =	swait.ge @!p1 [sflag:s0], $0x2800  }
0x1f1: {  	[sflag:s0] =	ssyncset.done @!p1 $0x0  }
0x1f2: {  	[sflag:s0] =	ssyncadd.s32 @!p1 $0xFFFFD800  }
0x1f3: {  	_ =	swait.ge [sflag:s21], $0x2800  }
0x1f4: {  	[sflag:s21] =	ssyncset.done $0x0  }
0x1f5: {  	[sflag:s21] =	ssyncadd.s32 $0xFFFFD800  }
0x1f6: {  	[spmem:s30] =	stream.indirect.scatter.add.f32 [tilespmem:s12], [sflag:$0xB], $0x80, s15, s10, $0xb8;
	[tilespmem:$0x1DE00] =	vst v63  }
0x1f7: {  	v2 =	vld [tilespmem:$0x500];
	_ =	sdelay $0x7  }
0x1f8: {  	[tilespmem:v2+s9+$0x0] =	vst.idx.add.f32.msk $0xffff, v1  }
0x1f9: {  	v2 =	vld [tilespmem:$0x510];
	_ =	sdelay $0x7  }
0x1fa: {  	[tilespmem:v2+s9+$0x0] =	vst.idx.add.f32.msk $0xffff, v1  }
0x1fb: {  	v2 =	vld [tilespmem:$0x520];
	_ =	sdelay $0x7  }
0x1fc: {  	[tilespmem:v2+s9+$0x0] =	vst.idx.add.f32.msk $0xffff, v1  }
0x1fd: {  	v2 =	vld [tilespmem:$0x530];
	_ =	sdelay $0x7  }
0x1fe: {  	[tilespmem:v2+s9+$0x0] =	vst.idx.add.f32.msk $0xffff, v1  }
0x1ff: {  	v2 =	vld [tilespmem:$0x540];
	_ =	sdelay $0x3  }
.Ltmp4:
0x200: {  	_ = 	snop;
	(pc) =	sbr.rel @p0 .LBB2_8-.Ltmp4, $2  }
0x201: {  	_ =	sdelay $0x2  }
0x202: {  	[tilespmem:v2+s9+$0x0] =	vst.idx.add.f32.msk $0xffff, v1  }
.Ltmp5:
0x203: {  	s0 =	rddreg [dreg:$0x19];
	(pc) =	sbr.rel .LBB2_6-.Ltmp5, $4  }
0x204: {  	s29 =	rddreg [dreg:$0x18];
	s0 =	sadd.s32 s26, s0  }
0x205: {  	[tilespmem:s18], [sflag:$0x6] =	stream.linear.gather [hbm4b:s0+s1], $0x50, $0x38;
	[tilespmem:$0x1DE00] =	vst v63  }
0x206: {  	s28 =	simm.s32 $0x80;
	s0 =	sadd.s32 s26, s29;
	s26 =	sadd.s32 $0x3C, s26  }
0x207: {  	[tilespmem:s19], [sflag:$0x6] =	stream.linear.gather [hbm4b:s0+s1], $0x50, $0x38;
	[tilespmem:$0x1DE00] =	vst v63  }
.LBB2_9:
0x208: {  	_ =	sfence.sel $0x180000  }
0x209: {  	[bflag:$0x0] =	sbarrier.arrive $0xFFFF  }
0x20a: {  	_ =	strace $0x90000047  }
0x20b: {  	s0 =	stileid.u32;
	[bflag:$0x2] =	sbarrier.arrive $0xFFFF  }
0x20c: {  	p0 =	sne.s32 s0, $0x0;
	s0 =	rddreg [dreg:$0x4]  }
0x20d: {  	s0 =	sadd.s32 @!p0 $0x100000, s0  }
0x20e: {  	[sflag:s0] =	ssyncadd.tile.s32 @!p0 $0x1;
	_ =	shalt  }
.Lfunc_end2:
_tile_overlayer_lowered:
.L_overlay_start_2:
0x20f: {  	(tag) =	ssettag $0x2  }
0x210: {  	s0 =	rddreg [dreg:$0x0];
	s2 =	stileid.u32  }
0x211: {  	s1 =	rddreg [dreg:$0x1];
	p0 =	sne.s32 s2, $0x0  }
0x212: {  	s3 =	rddreg [dreg:$0x2];
	[bflag:$0x3] =	sbarrier.arrive $0xFFFF;
	s2 =	simm.s32 @!p0 $0x1C0D  }
0x213: {  	[timem:s3], [sflag:s2] =	dma.local @!p0 [hbm:s0], s1  }
0x214: {  	s0 =	simm.s32 @!p0 $0xD  }
0x215: {  	_ =	swait.ge @!p0 [sflag:s0], s1  }
0x216: {  	s1 =	ssub.s32 @!p0 $0x0, s1;
	[sflag:s0] =	ssyncset.done @!p0 $0x0  }
0x217: {  	[sflag:s0] =	ssyncadd.s32 @!p0 s1  }
0x218: {  	[bflag:$0x3] =	sbarrier.arrive $0xFFFF  }
0x219: {  	_ =	shalt  }

</sc_bundles>
